<compile_context>
chip_gen: v7x
topology: tpu7x:2x2x1
jax: 0.10.2.dev20260603
libtpu: 0.0.44.dev20260713+nightly
codegen_flags: <defaults>
</compile_context>

<pallas_src>
import jax
import jax.numpy as jnp
from jax import lax
from jax.experimental import pallas as pl
from jax.experimental.pallas import tpu as pltpu
from jax.experimental.pallas import tpu_sc as plsc

N = 10000
E = 320000
D = 128
DE = 4
H = 128

NC = 2
NS = 16
NW = NC * NS
CHUNK = 80
TILE_EDGES = E // NW
NCHUNKS = TILE_EDGES // CHUNK
NSTEPS = NCHUNKS // 2
NPAD = 10112
ROWS_PER_TILE = NPAD // NS

BE = 12800


def _edge_mlp_body(ea_ref, We1_ref, be1_ref, We2_ref, be2_ref, q_ref):
    a = ea_ref[...]
    h = lax.dot_general(a, We1_ref[...], (((0,), (0,)), ((), ())),
                        preferred_element_type=jnp.float32)
    h = jnp.maximum(h + be1_ref[...][None, :], 0.0)
    q_ref[...] = (
        jnp.dot(h.astype(jnp.bfloat16), We2_ref[...].astype(jnp.bfloat16),
                preferred_element_type=jnp.float32)
        + be2_ref[...][None, :]
    )


def _edge_mlp(ea, We1, be1, We2, be2):
    grid = (E // BE,)
    return pl.pallas_call(
        _edge_mlp_body,
        grid=grid,
        in_specs=[
            pl.BlockSpec((DE, BE), lambda i: (0, i)),
            pl.BlockSpec((DE, H), lambda i: (0, 0)),
            pl.BlockSpec((H,), lambda i: (0,)),
            pl.BlockSpec((H, H), lambda i: (0, 0)),
            pl.BlockSpec((H,), lambda i: (0,)),
        ],
        out_specs=pl.BlockSpec((BE, H), lambda i: (i, 0)),
        out_shape=jax.ShapeDtypeStruct((E, H), jnp.float32),
    )(ea, We1, be1, We2, be2)


def _node_update_body(x_ref, p_ref, W1_ref, b1_ref, W2_ref, b2_ref, o_ref):
    x = x_ref[...]
    aggr = p_ref[0, 0:N, :] + p_ref[1, 0:N, :]
    h = (
        jnp.dot(x, W1_ref[0:D, :], preferred_element_type=jnp.float32)
        + jnp.dot(aggr, W1_ref[D:2 * D, :], preferred_element_type=jnp.float32)
        + b1_ref[...][None, :]
    )
    h = jnp.maximum(h, 0.0)
    o_ref[...] = (
        x
        + jnp.dot(h, W2_ref[...], preferred_element_type=jnp.float32)
        + b2_ref[...][None, :]
    )


def _node_update(x, partials, W1, b1, W2, b2):
    return pl.pallas_call(
        _node_update_body,
        out_shape=jax.ShapeDtypeStruct((N, D), jnp.float32),
    )(x, partials, W1, b1, W2, b2)




def _sc_scatter_body(table_hbm, ii_hbm, jj_hbm, q_hbm, z_hbm, out_hbm,
                     ii_v, jj_v, q_v, rows_v, acc_sh,
                     semI0, semI1, semJ0, semJ1, semQ0, semQ1,
                     semG0, semG1, semS0, semS1):
    cid = lax.axis_index("c")
    sid = lax.axis_index("s")
    semI = (semI0, semI1)
    semJ = (semJ0, semJ1)
    semQ = (semQ0, semQ1)
    semG = (semG0, semG1)
    semS = (semS0, semS1)
    tile_base = (cid * NS + sid) * TILE_EDGES

    pltpu.sync_copy(z_hbm.at[pl.ds(sid * ROWS_PER_TILE, ROWS_PER_TILE)],
                    acc_sh.at[pl.ds(sid * ROWS_PER_TILE, ROWS_PER_TILE)])
    plsc.subcore_barrier()

    def srcs(c):
        base = tile_base + c * CHUNK
        return (ii_hbm.at[pl.ds(base, CHUNK)],
                jj_hbm.at[pl.ds(base, CHUNK)],
                q_hbm.at[pl.ds(base, CHUNK)])

    def start_jq(c, b):
        s_i, s_j, s_q = srcs(c)
        pltpu.async_copy(s_j, jj_v.at[b], semJ[b])
        pltpu.async_copy(s_q, q_v.at[b], semQ[b])

    def start_i(c, b):
        s_i, s_j, s_q = srcs(c)
        pltpu.async_copy(s_i, ii_v.at[b], semI[b])

    def wait(which, c, b):
        s_i, s_j, s_q = srcs(c)
        src, dst, sem = {
            "i": (s_i, ii_v, semI), "j": (s_j, jj_v, semJ),
            "q": (s_q, q_v, semQ),
        }[which]
        pltpu.make_async_copy(src, dst.at[b], sem[b]).wait()

    def gather_start(b):
        pltpu.async_copy(table_hbm.at[jj_v.at[b]], rows_v.at[b], semG[b])

    def gather_wait(b):
        pltpu.make_async_copy(table_hbm.at[jj_v.at[b]], rows_v.at[b],
                              semG[b]).wait()

    def combine(b):
        def add_body(e, carry2):
            for k in range(D // 16):
                sl = pl.ds(k * 16, 16)
                rows_v[b, e, sl] = rows_v[b, e, sl] + q_v[b, e, sl]
            return carry2

        lax.fori_loop(0, CHUNK, add_body, 0)

    def scatter_start(b):
        pltpu.async_copy(rows_v.at[b], acc_sh.at[ii_v.at[b]], semS[b],
                         add=True)

    def scatter_wait(b):
        pltpu.make_async_copy(rows_v.at[b], acc_sh.at[ii_v.at[b]],
                              semS[b]).wait()

    for b in (0, 1):
        start_jq(b, b)
        start_i(b, b)

    def body(it, carry):
        c = (2 * it, 2 * it + 1)
        for b in (0, 1):
            wait("j", c[b], b)
            gather_start(b)
        for b in (0, 1):
            gather_wait(b)
            wait("q", c[b], b)
            combine(b)
            wait("i", c[b], b)
            scatter_start(b)
            @pl.when(c[b] + 2 < NCHUNKS)
            def _():
                start_jq(c[b] + 2, b)
        for b in (0, 1):
            scatter_wait(b)

            @pl.when(c[b] + 2 < NCHUNKS)
            def _():
                start_i(c[b] + 2, b)
        return carry

    lax.fori_loop(0, NSTEPS, body, 0)
    cl = NCHUNKS - 1
    wait("j", cl, 0)
    gather_start(0)
    gather_wait(0)
    wait("q", cl, 0)
    combine(0)
    wait("i", cl, 0)
    scatter_start(0)
    scatter_wait(0)
    plsc.subcore_barrier()
    pltpu.sync_copy(
        acc_sh.at[pl.ds(sid * ROWS_PER_TILE, ROWS_PER_TILE)],
        out_hbm.at[pl.ds(cid * NPAD + sid * ROWS_PER_TILE, ROWS_PER_TILE)])


def _sc_scatter(table, ii, jj, q, zeros):
    mesh = plsc.VectorSubcoreMesh(core_axis_name="c", subcore_axis_name="s")
    f = pl.kernel(
        _sc_scatter_body,
        out_type=jax.ShapeDtypeStruct((NC * NPAD, D), jnp.float32),
        mesh=mesh,
        scratch_types=[
            pltpu.VMEM((2, CHUNK), jnp.int32),
            pltpu.VMEM((2, CHUNK), jnp.int32),
            pltpu.VMEM((2, CHUNK, D), jnp.float32),
            pltpu.VMEM((2, CHUNK, D), jnp.float32),
            pltpu.VMEM_SHARED((NPAD, D), jnp.float32),
        ] + [pltpu.SemaphoreType.DMA] * 10,
    )
    return f(table, ii, jj, q, zeros).reshape(NC, NPAD, D)


def kernel(z, edge_index, edge_attr,
           W1_0, b1_0, W2_0, b2_0, We1_0, be1_0, We2_0, be2_0,
           W1_1, b1_1, W2_1, b2_1, We1_1, be1_1, We2_1, be2_1):
    zeros = jnp.zeros((NPAD, D), jnp.float32)
    ii = edge_index[0]
    jj = edge_index[1]

    ea_t = edge_attr.T
    q0 = _edge_mlp(ea_t, We1_0, be1_0, We2_0, be2_0)
    q1 = _edge_mlp(ea_t, We1_1, be1_1, We2_1, be2_1)

    p = _sc_scatter(z, ii, jj, q0, zeros)
    out = _node_update(z, p, W1_0, b1_0, W2_0, b2_0)

    p = _sc_scatter(out, ii, jj, q1, zeros)
    out = _node_update(out, p, W1_1, b1_1, W2_1, b2_1)
    return out

# --- scband reference (transcript-rebuilt; emitter-appended) ---
"""Pipeline reference for scband-gnn-9062380995258 (READ-ONLY COPY).

The authoritative reference and input builder live on the scoring server;
editing this copy changes nothing except your own understanding.
"""

import jax, jax.numpy as jnp
import numpy as np

N = 10000
E = 320000
D = 128
DE = 4
H = 128
NUM_LAYERS = 2


def _linear_init(key, fan_in, fan_out):
    bound = 1.0 / np.sqrt(fan_in)
    kw, kb = jax.random.split(key)
    W = jax.random.uniform(kw, (fan_in, fan_out), minval=-bound, maxval=bound, dtype=jnp.float32)
    b = jax.random.uniform(kb, (fan_out,), minval=-bound, maxval=bound, dtype=jnp.float32)
    return W, b


def setup_inputs(seed: int = 0) -> dict:
    key = jax.random.key(seed)
    ks = jax.random.split(key, 3 + 4 * NUM_LAYERS)
    inp = {}
    inp["z"] = jax.random.normal(ks[0], (N, D), dtype=jnp.float32)
    inp["edge_index"] = jax.random.randint(ks[1], (2, E), 0, N, dtype=jnp.int32)
    inp["edge_attr"] = jax.random.normal(ks[2], (E, DE), dtype=jnp.float32)
    for l in range(NUM_LAYERS):
        base = 3 + 4 * l
        W1, b1 = _linear_init(ks[base + 0], 2 * D, H)
        W2, b2 = _linear_init(ks[base + 1], H, H)
        We1, be1 = _linear_init(ks[base + 2], DE, H)
        We2, be2 = _linear_init(ks[base + 3], H, H)
        inp[f"W1_{l}"] = W1
        inp[f"b1_{l}"] = b1
        inp[f"W2_{l}"] = W2
        inp[f"b2_{l}"] = b2
        inp[f"We1_{l}"] = We1
        inp[f"be1_{l}"] = be1
        inp[f"We2_{l}"] = We2
        inp[f"be2_{l}"] = be2
    return inp


def _mlp2(x, Wa, ba, Wb, bb):
    return jax.nn.relu(x @ Wa + ba) @ Wb + bb


def reference(z, edge_index, edge_attr,
              W1_0, b1_0, W2_0, b2_0, We1_0, be1_0, We2_0, be2_0,
              W1_1, b1_1, W2_1, b2_1, We1_1, be1_1, We2_1, be2_1):
    params = [
        (W1_0, b1_0, W2_0, b2_0, We1_0, be1_0, We2_0, be2_0),
        (W1_1, b1_1, W2_1, b2_1, We1_1, be1_1, We2_1, be2_1),
    ]
    # flow='target_to_source': edge_index[0] is the node receiving the aggregation (i),
    # edge_index[1] is the neighbor supplying the message (j)
    idx_i = edge_index[0]
    idx_j = edge_index[1]
    out = z
    for (W1, b1, W2, b2, We1, be1, We2, be2) in params:
        # message: edge_proj(edge_attr) + x_j
        msg = _mlp2(edge_attr, We1, be1, We2, be2) + out[idx_j]
        # aggr='add': scatter-add at destination nodes
        aggr = jnp.zeros((out.shape[0], H), dtype=out.dtype).at[idx_i].add(msg)
        # update: network(cat([x, aggr]))
        tmp = jnp.concatenate([out, aggr], axis=-1)
        layer_out = _mlp2(tmp, W1, b1, W2, b2)
        # GNN.forward residual accumulation: out += dropout(layer_out) (p=0.0)
        out = out + layer_out
    return out

if __name__ == "__main__":
    import jax
    _d = setup_inputs()
    print(jax.jit(kernel)(*tuple(_d.values())))

</pallas_src>

<mosaic_0001>
#map = affine_map<(d0, d1) -> (0, 0)>
#map1 = affine_map<(d0, d1) -> (0)>
module attributes {stable_mosaic.version = 14 : i64} {
  func.func @_sc_scatter_body(%arg0: i32, %arg1: i32, %arg2: memref<10000x128xf32, #tpu.memory_space<hbm>>, %arg3: memref<320000xi32, #tpu.memory_space<hbm>>, %arg4: memref<320000xi32, #tpu.memory_space<hbm>>, %arg5: memref<320000x128xf32, #tpu.memory_space<hbm>>, %arg6: memref<10112x128xf32, #tpu.memory_space<hbm>>, %arg7: memref<20224x128xf32, #tpu.memory_space<hbm>>, %arg8: memref<2x80xi32, #tpu.memory_space<vmem>>, %arg9: memref<2x80xi32, #tpu.memory_space<vmem>>, %arg10: memref<2x80x128xf32, #tpu.memory_space<vmem>>, %arg11: memref<2x80x128xf32, #tpu.memory_space<vmem>>, %arg12: memref<10112x128xf32, #tpu.memory_space<vmem_shared>>, %arg13: memref<!tpu.dma_semaphore, #tpu.memory_space<semaphore_mem>>, %arg14: memref<!tpu.dma_semaphore, #tpu.memory_space<semaphore_mem>>, %arg15: memref<!tpu.dma_semaphore, #tpu.memory_space<semaphore_mem>>, %arg16: memref<!tpu.dma_semaphore, #tpu.memory_space<semaphore_mem>>, %arg17: memref<!tpu.dma_semaphore, #tpu.memory_space<semaphore_mem>>, %arg18: memref<!tpu.dma_semaphore, #tpu.memory_space<semaphore_mem>>, %arg19: memref<!tpu.dma_semaphore, #tpu.memory_space<semaphore_mem>>, %arg20: memref<!tpu.dma_semaphore, #tpu.memory_space<semaphore_mem>>, %arg21: memref<!tpu.dma_semaphore, #tpu.memory_space<semaphore_mem>>, %arg22: memref<!tpu.dma_semaphore, #tpu.memory_space<semaphore_mem>>) attributes {dimension_semantics = [#tpu.dimension_semantics<core_parallel>, #tpu.dimension_semantics<subcore_parallel>], iteration_bounds = array<i64: 2, 16>, scalar_prefetch = 0 : i64, scratch_operands = 15 : i64, tpu.core_type = #tpu.core_type<sc_vector_subcore>, window_params = [{transform_indices = #map}, {transform_indices = #map1}, {transform_indices = #map1}, {transform_indices = #map}, {transform_indices = #map}, {transform_indices = #map}]} {
    %mul3A = arith.constant 16 : i32
    %mul3A_0 = arith.muli %arg0, %mul3A : i32
    %add3A = arith.addi %mul3A_0, %arg1 : i32
    %mul3A_1 = arith.constant 10000 : i32
    %mul3A_2 = arith.muli %add3A, %mul3A_1 : i32
    %mul3A_3 = arith.constant 632 : i32
    %mul3A_4 = arith.muli %arg1, %mul3A_3 : i32
    %mul3A_5 = arith.constant 632 : i32
    %mul3A_6 = arith.muli %arg1, %mul3A_5 : i32
    "tpu.region"() ({
      %run_scoped3A = tpu.sem_alloc : memref<!tpu.dma_semaphore, #tpu.memory_space<semaphore_mem>>
      %dma_start3A_179 = arith.constant 0 : i32
      %dma_start3A_180 = tpu.memref_slice %arg12[%mul3A_6, %dma_start3A_179] : memref<10112x128xf32, #tpu.memory_space<vmem_shared>> -> memref<632x128xf32, #tpu.memory_space<vmem_shared>>
      %dma_start3A_181 = arith.constant 0 : i32
      %dma_start3A_182 = tpu.memref_slice %arg6[%mul3A_4, %dma_start3A_181] : memref<10112x128xf32, #tpu.memory_space<hbm>> -> memref<632x128xf32, #tpu.memory_space<hbm>>
      tpu.enqueue_dma source(%dma_start3A_182 : memref<632x128xf32, #tpu.memory_space<hbm>>) target(%dma_start3A_180 : memref<632x128xf32, #tpu.memory_space<vmem_shared>>) target_semaphore(%run_scoped3A : memref<!tpu.dma_semaphore, #tpu.memory_space<semaphore_mem>>)
      %dma_wait3A_183 = arith.constant 0 : i32
      %dma_wait3A_184 = tpu.memref_slice %arg12[%mul3A_6, %dma_wait3A_183] : memref<10112x128xf32, #tpu.memory_space<vmem_shared>> -> memref<632x128xf32, #tpu.memory_space<vmem_shared>>
      %dma_wait3A_185 = arith.constant 0 : i32
      %dma_wait3A_186 = tpu.memref_slice %arg6[%mul3A_4, %dma_wait3A_185] : memref<10112x128xf32, #tpu.memory_space<hbm>> -> memref<632x128xf32, #tpu.memory_space<hbm>>
      tpu.wait_dma2 semaphore(%run_scoped3A : memref<!tpu.dma_semaphore, #tpu.memory_space<semaphore_mem>>) src(%dma_wait3A_186 : memref<632x128xf32, #tpu.memory_space<hbm>>) dst(%dma_wait3A_184 : memref<632x128xf32, #tpu.memory_space<vmem_shared>>)
      tpu.yield
    }) : () -> ()
    %barrier3A = arith.constant 0 : index
    tpu.barrier barrier_id(%barrier3A)
    %add3A_7 = arith.constant 0 : i32
    %add3A_8 = arith.addi %mul3A_2, %add3A_7 : i32
    %dma_start3A = arith.constant 0 : i32
    %dma_start3A_9 = arith.constant 0 : i32
    %dma_start3A_10 = tpu.memref_slice %arg9[%dma_start3A, %dma_start3A_9] : memref<2x80xi32, #tpu.memory_space<vmem>> -> memref<1x80xi32, #tpu.memory_space<vmem>>
    %dma_start3A_11 = tpu.memref_squeeze %dma_start3A_10 : memref<1x80xi32, #tpu.memory_space<vmem>> -> memref<80xi32, #tpu.memory_space<vmem>>
    %dma_start3A_12 = tpu.memref_slice %arg4[%add3A_8] : memref<320000xi32, #tpu.memory_space<hbm>> -> memref<80xi32, #tpu.memory_space<hbm>>
    %dma_start3A_13 = arith.constant 0 : i32
    %dma_start3A_14 = tpu.memref_slice %arg9[%dma_start3A, %dma_start3A_13] : memref<2x80xi32, #tpu.memory_space<vmem>> -> memref<1x80xi32, #tpu.memory_space<vmem>>
    %dma_start3A_15 = tpu.memref_squeeze %dma_start3A_14 : memref<1x80xi32, #tpu.memory_space<vmem>> -> memref<80xi32, #tpu.memory_space<vmem>>
    %dma_start3A_16 = tpu.memref_slice %arg4[%add3A_8] : memref<320000xi32, #tpu.memory_space<hbm>> -> memref<80xi32, #tpu.memory_space<hbm>>
    tpu.enqueue_dma source(%dma_start3A_16 : memref<80xi32, #tpu.memory_space<hbm>>) target(%dma_start3A_15 : memref<80xi32, #tpu.memory_space<vmem>>) target_semaphore(%arg15 : memref<!tpu.dma_semaphore, #tpu.memory_space<semaphore_mem>>)
    %dma_start3A_17 = arith.constant 0 : i32
    %dma_start3A_18 = arith.constant 0 : i32
    %dma_start3A_19 = arith.constant 0 : i32
    %dma_start3A_20 = tpu.memref_slice %arg10[%dma_start3A_17, %dma_start3A_18, %dma_start3A_19] : memref<2x80x128xf32, #tpu.memory_space<vmem>> -> memref<1x80x128xf32, #tpu.memory_space<vmem>>
    %dma_start3A_21 = tpu.memref_squeeze %dma_start3A_20 : memref<1x80x128xf32, #tpu.memory_space<vmem>> -> memref<80x128xf32, #tpu.memory_space<vmem>>
    %dma_start3A_22 = arith.constant 0 : i32
    %dma_start3A_23 = tpu.memref_slice %arg5[%add3A_8, %dma_start3A_22] : memref<320000x128xf32, #tpu.memory_space<hbm>> -> memref<80x128xf32, #tpu.memory_space<hbm>>
    %dma_start3A_24 = arith.constant 0 : i32
    %dma_start3A_25 = arith.constant 0 : i32
    %dma_start3A_26 = tpu.memref_slice %arg10[%dma_start3A_17, %dma_start3A_24, %dma_start3A_25] : memref<2x80x128xf32, #tpu.memory_space<vmem>> -> memref<1x80x128xf32, #tpu.memory_space<vmem>>
    %dma_start3A_27 = tpu.memref_squeeze %dma_start3A_26 : memref<1x80x128xf32, #tpu.memory_space<vmem>> -> memref<80x128xf32, #tpu.memory_space<vmem>>
    %dma_start3A_28 = arith.constant 0 : i32
    %dma_start3A_29 = tpu.memref_slice %arg5[%add3A_8, %dma_start3A_28] : memref<320000x128xf32, #tpu.memory_space<hbm>> -> memref<80x128xf32, #tpu.memory_space<hbm>>
    tpu.enqueue_dma source(%dma_start3A_29 : memref<80x128xf32, #tpu.memory_space<hbm>>) target(%dma_start3A_27 : memref<80x128xf32, #tpu.memory_space<vmem>>) target_semaphore(%arg17 : memref<!tpu.dma_semaphore, #tpu.memory_space<semaphore_mem>>)
    %add3A_30 = arith.constant 0 : i32
    %add3A_31 = arith.addi %mul3A_2, %add3A_30 : i32
    %dma_start3A_32 = arith.constant 0 : i32
    %dma_start3A_33 = arith.constant 0 : i32
    %dma_start3A_34 = tpu.memref_slice %arg8[%dma_start3A_32, %dma_start3A_33] : memref<2x80xi32, #tpu.memory_space<vmem>> -> memref<1x80xi32, #tpu.memory_space<vmem>>
    %dma_start3A_35 = tpu.memref_squeeze %dma_start3A_34 : memref<1x80xi32, #tpu.memory_space<vmem>> -> memref<80xi32, #tpu.memory_space<vmem>>
    %dma_start3A_36 = tpu.memref_slice %arg3[%add3A_31] : memref<320000xi32, #tpu.memory_space<hbm>> -> memref<80xi32, #tpu.memory_space<hbm>>
    %dma_start3A_37 = arith.constant 0 : i32
    %dma_start3A_38 = tpu.memref_slice %arg8[%dma_start3A_32, %dma_start3A_37] : memref<2x80xi32, #tpu.memory_space<vmem>> -> memref<1x80xi32, #tpu.memory_space<vmem>>
    %dma_start3A_39 = tpu.memref_squeeze %dma_start3A_38 : memref<1x80xi32, #tpu.memory_space<vmem>> -> memref<80xi32, #tpu.memory_space<vmem>>
    %dma_start3A_40 = tpu.memref_slice %arg3[%add3A_31] : memref<320000xi32, #tpu.memory_space<hbm>> -> memref<80xi32, #tpu.memory_space<hbm>>
    tpu.enqueue_dma source(%dma_start3A_40 : memref<80xi32, #tpu.memory_space<hbm>>) target(%dma_start3A_39 : memref<80xi32, #tpu.memory_space<vmem>>) target_semaphore(%arg13 : memref<!tpu.dma_semaphore, #tpu.memory_space<semaphore_mem>>)
    %add3A_41 = arith.constant 80 : i32
    %add3A_42 = arith.addi %mul3A_2, %add3A_41 : i32
    %dma_start3A_43 = arith.constant 1 : i32
    %dma_start3A_44 = arith.constant 0 : i32
    %dma_start3A_45 = tpu.memref_slice %arg9[%dma_start3A_43, %dma_start3A_44] : memref<2x80xi32, #tpu.memory_space<vmem>> -> memref<1x80xi32, #tpu.memory_space<vmem>>
    %dma_start3A_46 = tpu.memref_squeeze %dma_start3A_45 : memref<1x80xi32, #tpu.memory_space<vmem>> -> memref<80xi32, #tpu.memory_space<vmem>>
    %dma_start3A_47 = tpu.memref_slice %arg4[%add3A_42] : memref<320000xi32, #tpu.memory_space<hbm>> -> memref<80xi32, #tpu.memory_space<hbm>>
    %dma_start3A_48 = arith.constant 0 : i32
    %dma_start3A_49 = tpu.memref_slice %arg9[%dma_start3A_43, %dma_start3A_48] : memref<2x80xi32, #tpu.memory_space<vmem>> -> memref<1x80xi32, #tpu.memory_space<vmem>>
    %dma_start3A_50 = tpu.memref_squeeze %dma_start3A_49 : memref<1x80xi32, #tpu.memory_space<vmem>> -> memref<80xi32, #tpu.memory_space<vmem>>
    %dma_start3A_51 = tpu.memref_slice %arg4[%add3A_42] : memref<320000xi32, #tpu.memory_space<hbm>> -> memref<80xi32, #tpu.memory_space<hbm>>
    tpu.enqueue_dma source(%dma_start3A_51 : memref<80xi32, #tpu.memory_space<hbm>>) target(%dma_start3A_50 : memref<80xi32, #tpu.memory_space<vmem>>) target_semaphore(%arg16 : memref<!tpu.dma_semaphore, #tpu.memory_space<semaphore_mem>>)
    %dma_start3A_52 = arith.constant 1 : i32
    %dma_start3A_53 = arith.constant 0 : i32
    %dma_start3A_54 = arith.constant 0 : i32
    %dma_start3A_55 = tpu.memref_slice %arg10[%dma_start3A_52, %dma_start3A_53, %dma_start3A_54] : memref<2x80x128xf32, #tpu.memory_space<vmem>> -> memref<1x80x128xf32, #tpu.memory_space<vmem>>
    %dma_start3A_56 = tpu.memref_squeeze %dma_start3A_55 : memref<1x80x128xf32, #tpu.memory_space<vmem>> -> memref<80x128xf32, #tpu.memory_space<vmem>>
    %dma_start3A_57 = arith.constant 0 : i32
    %dma_start3A_58 = tpu.memref_slice %arg5[%add3A_42, %dma_start3A_57] : memref<320000x128xf32, #tpu.memory_space<hbm>> -> memref<80x128xf32, #tpu.memory_space<hbm>>
    %dma_start3A_59 = arith.constant 0 : i32
    %dma_start3A_60 = arith.constant 0 : i32
    %dma_start3A_61 = tpu.memref_slice %arg10[%dma_start3A_52, %dma_start3A_59, %dma_start3A_60] : memref<2x80x128xf32, #tpu.memory_space<vmem>> -> memref<1x80x128xf32, #tpu.memory_space<vmem>>
    %dma_start3A_62 = tpu.memref_squeeze %dma_start3A_61 : memref<1x80x128xf32, #tpu.memory_space<vmem>> -> memref<80x128xf32, #tpu.memory_space<vmem>>
    %dma_start3A_63 = arith.constant 0 : i32
    %dma_start3A_64 = tpu.memref_slice %arg5[%add3A_42, %dma_start3A_63] : memref<320000x128xf32, #tpu.memory_space<hbm>> -> memref<80x128xf32, #tpu.memory_space<hbm>>
    tpu.enqueue_dma source(%dma_start3A_64 : memref<80x128xf32, #tpu.memory_space<hbm>>) target(%dma_start3A_62 : memref<80x128xf32, #tpu.memory_space<vmem>>) target_semaphore(%arg18 : memref<!tpu.dma_semaphore, #tpu.memory_space<semaphore_mem>>)
    %add3A_65 = arith.constant 80 : i32
    %add3A_66 = arith.addi %mul3A_2, %add3A_65 : i32
    %dma_start3A_67 = arith.constant 1 : i32
    %dma_start3A_68 = arith.constant 0 : i32
    %dma_start3A_69 = tpu.memref_slice %arg8[%dma_start3A_67, %dma_start3A_68] : memref<2x80xi32, #tpu.memory_space<vmem>> -> memref<1x80xi32, #tpu.memory_space<vmem>>
    %dma_start3A_70 = tpu.memref_squeeze %dma_start3A_69 : memref<1x80xi32, #tpu.memory_space<vmem>> -> memref<80xi32, #tpu.memory_space<vmem>>
    %dma_start3A_71 = tpu.memref_slice %arg3[%add3A_66] : memref<320000xi32, #tpu.memory_space<hbm>> -> memref<80xi32, #tpu.memory_space<hbm>>
    %dma_start3A_72 = arith.constant 0 : i32
    %dma_start3A_73 = tpu.memref_slice %arg8[%dma_start3A_67, %dma_start3A_72] : memref<2x80xi32, #tpu.memory_space<vmem>> -> memref<1x80xi32, #tpu.memory_space<vmem>>
    %dma_start3A_74 = tpu.memref_squeeze %dma_start3A_73 : memref<1x80xi32, #tpu.memory_space<vmem>> -> memref<80xi32, #tpu.memory_space<vmem>>
    %dma_start3A_75 = tpu.memref_slice %arg3[%add3A_66] : memref<320000xi32, #tpu.memory_space<hbm>> -> memref<80xi32, #tpu.memory_space<hbm>>
    tpu.enqueue_dma source(%dma_start3A_75 : memref<80xi32, #tpu.memory_space<hbm>>) target(%dma_start3A_74 : memref<80xi32, #tpu.memory_space<vmem>>) target_semaphore(%arg14 : memref<!tpu.dma_semaphore, #tpu.memory_space<semaphore_mem>>)
    %scan3A = arith.constant 0 : i32
    %scan3A_76 = arith.constant 0 : i32
    %scan3A_77 = arith.constant 62 : i32
    %scan3A_78 = arith.addi %scan3A_76, %scan3A_77 : i32
    %scan3A_79 = arith.constant 1 : i32
    scf.for %scan3A_179 = %scan3A_76 to %scan3A_78 step %scan3A_79  : i32 {
      %mul3A_180 = arith.constant 2 : i32
      %mul3A_181 = arith.muli %mul3A_180, %scan3A_179 : i32
      %mul3A_182 = arith.constant 2 : i32
      %mul3A_183 = arith.muli %mul3A_182, %scan3A_179 : i32
      %add3A_184 = arith.constant 1 : i32
      %add3A_185 = arith.addi %mul3A_183, %add3A_184 : i32
      %mul3A_186 = arith.constant 80 : i32
      %mul3A_187 = arith.muli %mul3A_181, %mul3A_186 : i32
      %add3A_188 = arith.addi %mul3A_2, %mul3A_187 : i32
      %dma_wait3A_189 = arith.constant 0 : i32
      %dma_wait3A_190 = arith.constant 0 : i32
      %dma_wait3A_191 = tpu.memref_slice %arg9[%dma_wait3A_189, %dma_wait3A_190] : memref<2x80xi32, #tpu.memory_space<vmem>> -> memref<1x80xi32, #tpu.memory_space<vmem>>
      %dma_wait3A_192 = tpu.memref_squeeze %dma_wait3A_191 : memref<1x80xi32, #tpu.memory_space<vmem>> -> memref<80xi32, #tpu.memory_space<vmem>>
      %dma_wait3A_193 = tpu.memref_slice %arg4[%add3A_188] : memref<320000xi32, #tpu.memory_space<hbm>> -> memref<80xi32, #tpu.memory_space<hbm>>
      %dma_wait3A_194 = arith.constant 0 : i32
      %dma_wait3A_195 = tpu.memref_slice %arg9[%dma_wait3A_189, %dma_wait3A_194] : memref<2x80xi32, #tpu.memory_space<vmem>> -> memref<1x80xi32, #tpu.memory_space<vmem>>
      %dma_wait3A_196 = tpu.memref_squeeze %dma_wait3A_195 : memref<1x80xi32, #tpu.memory_space<vmem>> -> memref<80xi32, #tpu.memory_space<vmem>>
      %dma_wait3A_197 = tpu.memref_slice %arg4[%add3A_188] : memref<320000xi32, #tpu.memory_space<hbm>> -> memref<80xi32, #tpu.memory_space<hbm>>
      tpu.wait_dma2 semaphore(%arg15 : memref<!tpu.dma_semaphore, #tpu.memory_space<semaphore_mem>>) src(%dma_wait3A_197 : memref<80xi32, #tpu.memory_space<hbm>>) dst(%dma_wait3A_196 : memref<80xi32, #tpu.memory_space<vmem>>)
      %dma_start3A_198 = arith.constant 0 : i32
      %dma_start3A_199 = arith.constant 0 : i32
      %dma_start3A_200 = arith.constant 0 : i32
      %dma_start3A_201 = arith.constant 0 : i32
      %dma_start3A_202 = tpu.memref_slice %arg11[%dma_start3A_199, %dma_start3A_200, %dma_start3A_201] : memref<2x80x128xf32, #tpu.memory_space<vmem>> -> memref<1x80x128xf32, #tpu.memory_space<vmem>>
      %dma_start3A_203 = tpu.memref_squeeze %dma_start3A_202 : memref<1x80x128xf32, #tpu.memory_space<vmem>> -> memref<80x128xf32, #tpu.memory_space<vmem>>
      %dma_start3A_204 = arith.constant 0 : i32
      %dma_start3A_205 = tpu.memref_slice %arg9[%dma_start3A_198, %dma_start3A_204] : memref<2x80xi32, #tpu.memory_space<vmem>> -> memref<1x80xi32, #tpu.memory_space<vmem>>
      %dma_start3A_206 = tpu.memref_squeeze %dma_start3A_205 : memref<1x80xi32, #tpu.memory_space<vmem>> -> memref<80xi32, #tpu.memory_space<vmem>>
      %dma_start3A_207 = arith.constant 0 : i32
      %dma_start3A_208 = arith.constant 0 : i32
      %dma_start3A_209 = tpu.memref_slice %arg2[%dma_start3A_207, %dma_start3A_208] : memref<10000x128xf32, #tpu.memory_space<hbm>> -> memref<10000x128xf32, #tpu.memory_space<hbm>>
      tpu.enqueue_indirect_dma source(%dma_start3A_209 : memref<10000x128xf32, #tpu.memory_space<hbm>>) target(%dma_start3A_203 : memref<80x128xf32, #tpu.memory_space<vmem>>) offsets(%dma_start3A_206 : memref<80xi32, #tpu.memory_space<vmem>>) semaphore(%arg19 : memref<!tpu.dma_semaphore, #tpu.memory_space<semaphore_mem>>)
      %mul3A_210 = arith.constant 80 : i32
      %mul3A_211 = arith.muli %add3A_185, %mul3A_210 : i32
      %add3A_212 = arith.addi %mul3A_2, %mul3A_211 : i32
      %dma_wait3A_213 = arith.constant 1 : i32
      %dma_wait3A_214 = arith.constant 0 : i32
      %dma_wait3A_215 = tpu.memref_slice %arg9[%dma_wait3A_213, %dma_wait3A_214] : memref<2x80xi32, #tpu.memory_space<vmem>> -> memref<1x80xi32, #tpu.memory_space<vmem>>
      %dma_wait3A_216 = tpu.memref_squeeze %dma_wait3A_215 : memref<1x80xi32, #tpu.memory_space<vmem>> -> memref<80xi32, #tpu.memory_space<vmem>>
      %dma_wait3A_217 = tpu.memref_slice %arg4[%add3A_212] : memref<320000xi32, #tpu.memory_space<hbm>> -> memref<80xi32, #tpu.memory_space<hbm>>
      %dma_wait3A_218 = arith.constant 0 : i32
      %dma_wait3A_219 = tpu.memref_slice %arg9[%dma_wait3A_213, %dma_wait3A_218] : memref<2x80xi32, #tpu.memory_space<vmem>> -> memref<1x80xi32, #tpu.memory_space<vmem>>
      %dma_wait3A_220 = tpu.memref_squeeze %dma_wait3A_219 : memref<1x80xi32, #tpu.memory_space<vmem>> -> memref<80xi32, #tpu.memory_space<vmem>>
      %dma_wait3A_221 = tpu.memref_slice %arg4[%add3A_212] : memref<320000xi32, #tpu.memory_space<hbm>> -> memref<80xi32, #tpu.memory_space<hbm>>
      tpu.wait_dma2 semaphore(%arg16 : memref<!tpu.dma_semaphore, #tpu.memory_space<semaphore_mem>>) src(%dma_wait3A_221 : memref<80xi32, #tpu.memory_space<hbm>>) dst(%dma_wait3A_220 : memref<80xi32, #tpu.memory_space<vmem>>)
      %dma_start3A_222 = arith.constant 1 : i32
      %dma_start3A_223 = arith.constant 1 : i32
      %dma_start3A_224 = arith.constant 0 : i32
      %dma_start3A_225 = arith.constant 0 : i32
      %dma_start3A_226 = tpu.memref_slice %arg11[%dma_start3A_223, %dma_start3A_224, %dma_start3A_225] : memref<2x80x128xf32, #tpu.memory_space<vmem>> -> memref<1x80x128xf32, #tpu.memory_space<vmem>>
      %dma_start3A_227 = tpu.memref_squeeze %dma_start3A_226 : memref<1x80x128xf32, #tpu.memory_space<vmem>> -> memref<80x128xf32, #tpu.memory_space<vmem>>
      %dma_start3A_228 = arith.constant 0 : i32
      %dma_start3A_229 = tpu.memref_slice %arg9[%dma_start3A_222, %dma_start3A_228] : memref<2x80xi32, #tpu.memory_space<vmem>> -> memref<1x80xi32, #tpu.memory_space<vmem>>
      %dma_start3A_230 = tpu.memref_squeeze %dma_start3A_229 : memref<1x80xi32, #tpu.memory_space<vmem>> -> memref<80xi32, #tpu.memory_space<vmem>>
      %dma_start3A_231 = arith.constant 0 : i32
      %dma_start3A_232 = arith.constant 0 : i32
      %dma_start3A_233 = tpu.memref_slice %arg2[%dma_start3A_231, %dma_start3A_232] : memref<10000x128xf32, #tpu.memory_space<hbm>> -> memref<10000x128xf32, #tpu.memory_space<hbm>>
      tpu.enqueue_indirect_dma source(%dma_start3A_233 : memref<10000x128xf32, #tpu.memory_space<hbm>>) target(%dma_start3A_227 : memref<80x128xf32, #tpu.memory_space<vmem>>) offsets(%dma_start3A_230 : memref<80xi32, #tpu.memory_space<vmem>>) semaphore(%arg20 : memref<!tpu.dma_semaphore, #tpu.memory_space<semaphore_mem>>)
      %dma_wait3A_234 = arith.constant 0 : i32
      %dma_wait3A_235 = arith.constant 0 : i32
      %dma_wait3A_236 = arith.constant 0 : i32
      %dma_wait3A_237 = arith.constant 0 : i32
      %dma_wait3A_238 = tpu.memref_slice %arg11[%dma_wait3A_235, %dma_wait3A_236, %dma_wait3A_237] : memref<2x80x128xf32, #tpu.memory_space<vmem>> -> memref<1x80x128xf32, #tpu.memory_space<vmem>>
      %dma_wait3A_239 = tpu.memref_squeeze %dma_wait3A_238 : memref<1x80x128xf32, #tpu.memory_space<vmem>> -> memref<80x128xf32, #tpu.memory_space<vmem>>
      %dma_wait3A_240 = arith.constant 0 : i32
      %dma_wait3A_241 = tpu.memref_slice %arg9[%dma_wait3A_234, %dma_wait3A_240] : memref<2x80xi32, #tpu.memory_space<vmem>> -> memref<1x80xi32, #tpu.memory_space<vmem>>
      %dma_wait3A_242 = tpu.memref_squeeze %dma_wait3A_241 : memref<1x80xi32, #tpu.memory_space<vmem>> -> memref<80xi32, #tpu.memory_space<vmem>>
      %dma_wait3A_243 = arith.constant 0 : i32
      %dma_wait3A_244 = arith.constant 0 : i32
      %dma_wait3A_245 = tpu.memref_slice %arg2[%dma_wait3A_243, %dma_wait3A_244] : memref<10000x128xf32, #tpu.memory_space<hbm>> -> memref<10000x128xf32, #tpu.memory_space<hbm>>
      tpu.wait_indirect_dma semaphore(%arg19 : memref<!tpu.dma_semaphore, #tpu.memory_space<semaphore_mem>>) src(%dma_wait3A_245 : memref<10000x128xf32, #tpu.memory_space<hbm>>) dst(%dma_wait3A_239 : memref<80x128xf32, #tpu.memory_space<vmem>>)
      %mul3A_246 = arith.constant 80 : i32
      %mul3A_247 = arith.muli %mul3A_181, %mul3A_246 : i32
      %add3A_248 = arith.addi %mul3A_2, %mul3A_247 : i32
      %dma_wait3A_249 = arith.constant 0 : i32
      %dma_wait3A_250 = arith.constant 0 : i32
      %dma_wait3A_251 = arith.constant 0 : i32
      %dma_wait3A_252 = tpu.memref_slice %arg10[%dma_wait3A_249, %dma_wait3A_250, %dma_wait3A_251] : memref<2x80x128xf32, #tpu.memory_space<vmem>> -> memref<1x80x128xf32, #tpu.memory_space<vmem>>
      %dma_wait3A_253 = tpu.memref_squeeze %dma_wait3A_252 : memref<1x80x128xf32, #tpu.memory_space<vmem>> -> memref<80x128xf32, #tpu.memory_space<vmem>>
      %dma_wait3A_254 = arith.constant 0 : i32
      %dma_wait3A_255 = tpu.memref_slice %arg5[%add3A_248, %dma_wait3A_254] : memref<320000x128xf32, #tpu.memory_space<hbm>> -> memref<80x128xf32, #tpu.memory_space<hbm>>
      %dma_wait3A_256 = arith.constant 0 : i32
      %dma_wait3A_257 = arith.constant 0 : i32
      %dma_wait3A_258 = tpu.memref_slice %arg10[%dma_wait3A_249, %dma_wait3A_256, %dma_wait3A_257] : memref<2x80x128xf32, #tpu.memory_space<vmem>> -> memref<1x80x128xf32, #tpu.memory_space<vmem>>
      %dma_wait3A_259 = tpu.memref_squeeze %dma_wait3A_258 : memref<1x80x128xf32, #tpu.memory_space<vmem>> -> memref<80x128xf32, #tpu.memory_space<vmem>>
      %dma_wait3A_260 = arith.constant 0 : i32
      %dma_wait3A_261 = tpu.memref_slice %arg5[%add3A_248, %dma_wait3A_260] : memref<320000x128xf32, #tpu.memory_space<hbm>> -> memref<80x128xf32, #tpu.memory_space<hbm>>
      tpu.wait_dma2 semaphore(%arg17 : memref<!tpu.dma_semaphore, #tpu.memory_space<semaphore_mem>>) src(%dma_wait3A_261 : memref<80x128xf32, #tpu.memory_space<hbm>>) dst(%dma_wait3A_259 : memref<80x128xf32, #tpu.memory_space<vmem>>)
      %scan3A_262 = arith.constant 0 : i32
      %scan3A_263 = arith.constant 0 : i32
      %scan3A_264 = arith.constant 80 : i32
      %scan3A_265 = arith.addi %scan3A_263, %scan3A_264 : i32
      %scan3A_266 = arith.constant 1 : i32
      scf.for %scan3A_399 = %scan3A_263 to %scan3A_265 step %scan3A_266  : i32 {
        %get3A = arith.constant 0 : i32
        %get3A_400 = arith.index_cast %get3A : i32 to index
        %get3A_401 = arith.index_cast %scan3A_399 : i32 to index
        %get3A_402 = arith.constant 0 : index
        %get3A_403 = tpu.vector_load %arg11[%get3A_400, %get3A_401, %get3A_402] {strides = array<i32>} : memref<2x80x128xf32, #tpu.memory_space<vmem>>, vector<1x1x16xf32>,
        %get3A_404 = vector.shape_cast %get3A_403 : vector<1x1x16xf32> to vector<16xf32>
        %get3A_405 = arith.constant 0 : i32
        %get3A_406 = arith.index_cast %get3A_405 : i32 to index
        %get3A_407 = arith.index_cast %scan3A_399 : i32 to index
        %get3A_408 = arith.constant 0 : index
        %get3A_409 = tpu.vector_load %arg10[%get3A_406, %get3A_407, %get3A_408] {strides = array<i32>} : memref<2x80x128xf32, #tpu.memory_space<vmem>>, vector<1x1x16xf32>,
        %get3A_410 = vector.shape_cast %get3A_409 : vector<1x1x16xf32> to vector<16xf32>
        %add3A_411 = arith.addf %get3A_404, %get3A_410 : vector<16xf32>
        %swap3A = arith.constant 0 : i32
        %swap3A_412 = arith.index_cast %swap3A : i32 to index
        %swap3A_413 = arith.index_cast %scan3A_399 : i32 to index
        %swap3A_414 = arith.constant 0 : index
        %swap3A_415 = tpu.vector_load %arg11[%swap3A_412, %swap3A_413, %swap3A_414] {strides = array<i32>} : memref<2x80x128xf32, #tpu.memory_space<vmem>>, vector<1x1x16xf32>,
        %swap3A_416 = vector.shape_cast %swap3A_415 : vector<1x1x16xf32> to vector<16xf32>
        %swap3A_417 = vector.shape_cast %add3A_411 : vector<16xf32> to vector<1x1x16xf32>
        tpu.vector_store %arg11[%swap3A_412, %swap3A_413, %swap3A_414], %swap3A_417 {strides = array<i32>} : memref<2x80x128xf32, #tpu.memory_space<vmem>>, vector<1x1x16xf32>,
        %get3A_418 = arith.constant 0 : i32
        %get3A_419 = arith.index_cast %get3A_418 : i32 to index
        %get3A_420 = arith.index_cast %scan3A_399 : i32 to index
        %get3A_421 = arith.constant 16 : index
        %get3A_422 = tpu.vector_load %arg11[%get3A_419, %get3A_420, %get3A_421] {strides = array<i32>} : memref<2x80x128xf32, #tpu.memory_space<vmem>>, vector<1x1x16xf32>,
        %get3A_423 = vector.shape_cast %get3A_422 : vector<1x1x16xf32> to vector<16xf32>
        %get3A_424 = arith.constant 0 : i32
        %get3A_425 = arith.index_cast %get3A_424 : i32 to index
        %get3A_426 = arith.index_cast %scan3A_399 : i32 to index
        %get3A_427 = arith.constant 16 : index
        %get3A_428 = tpu.vector_load %arg10[%get3A_425, %get3A_426, %get3A_427] {strides = array<i32>} : memref<2x80x128xf32, #tpu.memory_space<vmem>>, vector<1x1x16xf32>,
        %get3A_429 = vector.shape_cast %get3A_428 : vector<1x1x16xf32> to vector<16xf32>
        %add3A_430 = arith.addf %get3A_423, %get3A_429 : vector<16xf32>
        %swap3A_431 = arith.constant 0 : i32
        %swap3A_432 = arith.index_cast %swap3A_431 : i32 to index
        %swap3A_433 = arith.index_cast %scan3A_399 : i32 to index
        %swap3A_434 = arith.constant 16 : index
        %swap3A_435 = tpu.vector_load %arg11[%swap3A_432, %swap3A_433, %swap3A_434] {strides = array<i32>} : memref<2x80x128xf32, #tpu.memory_space<vmem>>, vector<1x1x16xf32>,
        %swap3A_436 = vector.shape_cast %swap3A_435 : vector<1x1x16xf32> to vector<16xf32>
        %swap3A_437 = vector.shape_cast %add3A_430 : vector<16xf32> to vector<1x1x16xf32>
        tpu.vector_store %arg11[%swap3A_432, %swap3A_433, %swap3A_434], %swap3A_437 {strides = array<i32>} : memref<2x80x128xf32, #tpu.memory_space<vmem>>, vector<1x1x16xf32>,
        %get3A_438 = arith.constant 0 : i32
        %get3A_439 = arith.index_cast %get3A_438 : i32 to index
        %get3A_440 = arith.index_cast %scan3A_399 : i32 to index
        %get3A_441 = arith.constant 32 : index
        %get3A_442 = tpu.vector_load %arg11[%get3A_439, %get3A_440, %get3A_441] {strides = array<i32>} : memref<2x80x128xf32, #tpu.memory_space<vmem>>, vector<1x1x16xf32>,
        %get3A_443 = vector.shape_cast %get3A_442 : vector<1x1x16xf32> to vector<16xf32>
        %get3A_444 = arith.constant 0 : i32
        %get3A_445 = arith.index_cast %get3A_444 : i32 to index
        %get3A_446 = arith.index_cast %scan3A_399 : i32 to index
        %get3A_447 = arith.constant 32 : index
        %get3A_448 = tpu.vector_load %arg10[%get3A_445, %get3A_446, %get3A_447] {strides = array<i32>} : memref<2x80x128xf32, #tpu.memory_space<vmem>>, vector<1x1x16xf32>,
        %get3A_449 = vector.shape_cast %get3A_448 : vector<1x1x16xf32> to vector<16xf32>
        %add3A_450 = arith.addf %get3A_443, %get3A_449 : vector<16xf32>
        %swap3A_451 = arith.constant 0 : i32
        %swap3A_452 = arith.index_cast %swap3A_451 : i32 to index
        %swap3A_453 = arith.index_cast %scan3A_399 : i32 to index
        %swap3A_454 = arith.constant 32 : index
        %swap3A_455 = tpu.vector_load %arg11[%swap3A_452, %swap3A_453, %swap3A_454] {strides = array<i32>} : memref<2x80x128xf32, #tpu.memory_space<vmem>>, vector<1x1x16xf32>,
        %swap3A_456 = vector.shape_cast %swap3A_455 : vector<1x1x16xf32> to vector<16xf32>
        %swap3A_457 = vector.shape_cast %add3A_450 : vector<16xf32> to vector<1x1x16xf32>
        tpu.vector_store %arg11[%swap3A_452, %swap3A_453, %swap3A_454], %swap3A_457 {strides = array<i32>} : memref<2x80x128xf32, #tpu.memory_space<vmem>>, vector<1x1x16xf32>,
        %get3A_458 = arith.constant 0 : i32
        %get3A_459 = arith.index_cast %get3A_458 : i32 to index
        %get3A_460 = arith.index_cast %scan3A_399 : i32 to index
        %get3A_461 = arith.constant 48 : index
        %get3A_462 = tpu.vector_load %arg11[%get3A_459, %get3A_460, %get3A_461] {strides = array<i32>} : memref<2x80x128xf32, #tpu.memory_space<vmem>>, vector<1x1x16xf32>,
        %get3A_463 = vector.shape_cast %get3A_462 : vector<1x1x16xf32> to vector<16xf32>
        %get3A_464 = arith.constant 0 : i32
        %get3A_465 = arith.index_cast %get3A_464 : i32 to index
        %get3A_466 = arith.index_cast %scan3A_399 : i32 to index
        %get3A_467 = arith.constant 48 : index
        %get3A_468 = tpu.vector_load %arg10[%get3A_465, %get3A_466, %get3A_467] {strides = array<i32>} : memref<2x80x128xf32, #tpu.memory_space<vmem>>, vector<1x1x16xf32>,
        %get3A_469 = vector.shape_cast %get3A_468 : vector<1x1x16xf32> to vector<16xf32>
        %add3A_470 = arith.addf %get3A_463, %get3A_469 : vector<16xf32>
        %swap3A_471 = arith.constant 0 : i32
        %swap3A_472 = arith.index_cast %swap3A_471 : i32 to index
        %swap3A_473 = arith.index_cast %scan3A_399 : i32 to index
        %swap3A_474 = arith.constant 48 : index
        %swap3A_475 = tpu.vector_load %arg11[%swap3A_472, %swap3A_473, %swap3A_474] {strides = array<i32>} : memref<2x80x128xf32, #tpu.memory_space<vmem>>, vector<1x1x16xf32>,
        %swap3A_476 = vector.shape_cast %swap3A_475 : vector<1x1x16xf32> to vector<16xf32>
        %swap3A_477 = vector.shape_cast %add3A_470 : vector<16xf32> to vector<1x1x16xf32>
        tpu.vector_store %arg11[%swap3A_472, %swap3A_473, %swap3A_474], %swap3A_477 {strides = array<i32>} : memref<2x80x128xf32, #tpu.memory_space<vmem>>, vector<1x1x16xf32>,
        %get3A_478 = arith.constant 0 : i32
        %get3A_479 = arith.index_cast %get3A_478 : i32 to index
        %get3A_480 = arith.index_cast %scan3A_399 : i32 to index
        %get3A_481 = arith.constant 64 : index
        %get3A_482 = tpu.vector_load %arg11[%get3A_479, %get3A_480, %get3A_481] {strides = array<i32>} : memref<2x80x128xf32, #tpu.memory_space<vmem>>, vector<1x1x16xf32>,
        %get3A_483 = vector.shape_cast %get3A_482 : vector<1x1x16xf32> to vector<16xf32>
        %get3A_484 = arith.constant 0 : i32
        %get3A_485 = arith.index_cast %get3A_484 : i32 to index
        %get3A_486 = arith.index_cast %scan3A_399 : i32 to index
        %get3A_487 = arith.constant 64 : index
        %get3A_488 = tpu.vector_load %arg10[%get3A_485, %get3A_486, %get3A_487] {strides = array<i32>} : memref<2x80x128xf32, #tpu.memory_space<vmem>>, vector<1x1x16xf32>,
        %get3A_489 = vector.shape_cast %get3A_488 : vector<1x1x16xf32> to vector<16xf32>
        %add3A_490 = arith.addf %get3A_483, %get3A_489 : vector<16xf32>
        %swap3A_491 = arith.constant 0 : i32
        %swap3A_492 = arith.index_cast %swap3A_491 : i32 to index
        %swap3A_493 = arith.index_cast %scan3A_399 : i32 to index
        %swap3A_494 = arith.constant 64 : index
        %swap3A_495 = tpu.vector_load %arg11[%swap3A_492, %swap3A_493, %swap3A_494] {strides = array<i32>} : memref<2x80x128xf32, #tpu.memory_space<vmem>>, vector<1x1x16xf32>,
        %swap3A_496 = vector.shape_cast %swap3A_495 : vector<1x1x16xf32> to vector<16xf32>
        %swap3A_497 = vector.shape_cast %add3A_490 : vector<16xf32> to vector<1x1x16xf32>
        tpu.vector_store %arg11[%swap3A_492, %swap3A_493, %swap3A_494], %swap3A_497 {strides = array<i32>} : memref<2x80x128xf32, #tpu.memory_space<vmem>>, vector<1x1x16xf32>,
        %get3A_498 = arith.constant 0 : i32
        %get3A_499 = arith.index_cast %get3A_498 : i32 to index
        %get3A_500 = arith.index_cast %scan3A_399 : i32 to index
        %get3A_501 = arith.constant 80 : index
        %get3A_502 = tpu.vector_load %arg11[%get3A_499, %get3A_500, %get3A_501] {strides = array<i32>} : memref<2x80x128xf32, #tpu.memory_space<vmem>>, vector<1x1x16xf32>,
        %get3A_503 = vector.shape_cast %get3A_502 : vector<1x1x16xf32> to vector<16xf32>
        %get3A_504 = arith.constant 0 : i32
        %get3A_505 = arith.index_cast %get3A_504 : i32 to index
        %get3A_506 = arith.index_cast %scan3A_399 : i32 to index
        %get3A_507 = arith.constant 80 : index
        %get3A_508 = tpu.vector_load %arg10[%get3A_505, %get3A_506, %get3A_507] {strides = array<i32>} : memref<2x80x128xf32, #tpu.memory_space<vmem>>, vector<1x1x16xf32>,
        %get3A_509 = vector.shape_cast %get3A_508 : vector<1x1x16xf32> to vector<16xf32>
        %add3A_510 = arith.addf %get3A_503, %get3A_509 : vector<16xf32>
        %swap3A_511 = arith.constant 0 : i32
        %swap3A_512 = arith.index_cast %swap3A_511 : i32 to index
        %swap3A_513 = arith.index_cast %scan3A_399 : i32 to index
        %swap3A_514 = arith.constant 80 : index
        %swap3A_515 = tpu.vector_load %arg11[%swap3A_512, %swap3A_513, %swap3A_514] {strides = array<i32>} : memref<2x80x128xf32, #tpu.memory_space<vmem>>, vector<1x1x16xf32>,
        %swap3A_516 = vector.shape_cast %swap3A_515 : vector<1x1x16xf32> to vector<16xf32>
        %swap3A_517 = vector.shape_cast %add3A_510 : vector<16xf32> to vector<1x1x16xf32>
        tpu.vector_store %arg11[%swap3A_512, %swap3A_513, %swap3A_514], %swap3A_517 {strides = array<i32>} : memref<2x80x128xf32, #tpu.memory_space<vmem>>, vector<1x1x16xf32>,
        %get3A_518 = arith.constant 0 : i32
        %get3A_519 = arith.index_cast %get3A_518 : i32 to index
        %get3A_520 = arith.index_cast %scan3A_399 : i32 to index
        %get3A_521 = arith.constant 96 : index
        %get3A_522 = tpu.vector_load %arg11[%get3A_519, %get3A_520, %get3A_521] {strides = array<i32>} : memref<2x80x128xf32, #tpu.memory_space<vmem>>, vector<1x1x16xf32>,
        %get3A_523 = vector.shape_cast %get3A_522 : vector<1x1x16xf32> to vector<16xf32>
        %get3A_524 = arith.constant 0 : i32
        %get3A_525 = arith.index_cast %get3A_524 : i32 to index
        %get3A_526 = arith.index_cast %scan3A_399 : i32 to index
        %get3A_527 = arith.constant 96 : index
        %get3A_528 = tpu.vector_load %arg10[%get3A_525, %get3A_526, %get3A_527] {strides = array<i32>} : memref<2x80x128xf32, #tpu.memory_space<vmem>>, vector<1x1x16xf32>,
        %get3A_529 = vector.shape_cast %get3A_528 : vector<1x1x16xf32> to vector<16xf32>
        %add3A_530 = arith.addf %get3A_523, %get3A_529 : vector<16xf32>
        %swap3A_531 = arith.constant 0 : i32
        %swap3A_532 = arith.index_cast %swap3A_531 : i32 to index
        %swap3A_533 = arith.index_cast %scan3A_399 : i32 to index
        %swap3A_534 = arith.constant 96 : index
        %swap3A_535 = tpu.vector_load %arg11[%swap3A_532, %swap3A_533, %swap3A_534] {strides = array<i32>} : memref<2x80x128xf32, #tpu.memory_space<vmem>>, vector<1x1x16xf32>,
        %swap3A_536 = vector.shape_cast %swap3A_535 : vector<1x1x16xf32> to vector<16xf32>
        %swap3A_537 = vector.shape_cast %add3A_530 : vector<16xf32> to vector<1x1x16xf32>
        tpu.vector_store %arg11[%swap3A_532, %swap3A_533, %swap3A_534], %swap3A_537 {strides = array<i32>} : memref<2x80x128xf32, #tpu.memory_space<vmem>>, vector<1x1x16xf32>,
        %get3A_538 = arith.constant 0 : i32
        %get3A_539 = arith.index_cast %get3A_538 : i32 to index
        %get3A_540 = arith.index_cast %scan3A_399 : i32 to index
        %get3A_541 = arith.constant 112 : index
        %get3A_542 = tpu.vector_load %arg11[%get3A_539, %get3A_540, %get3A_541] {strides = array<i32>} : memref<2x80x128xf32, #tpu.memory_space<vmem>>, vector<1x1x16xf32>,
        %get3A_543 = vector.shape_cast %get3A_542 : vector<1x1x16xf32> to vector<16xf32>
        %get3A_544 = arith.constant 0 : i32
        %get3A_545 = arith.index_cast %get3A_544 : i32 to index
        %get3A_546 = arith.index_cast %scan3A_399 : i32 to index
        %get3A_547 = arith.constant 112 : index
        %get3A_548 = tpu.vector_load %arg10[%get3A_545, %get3A_546, %get3A_547] {strides = array<i32>} : memref<2x80x128xf32, #tpu.memory_space<vmem>>, vector<1x1x16xf32>,
        %get3A_549 = vector.shape_cast %get3A_548 : vector<1x1x16xf32> to vector<16xf32>
        %add3A_550 = arith.addf %get3A_543, %get3A_549 : vector<16xf32>
        %swap3A_551 = arith.constant 0 : i32
        %swap3A_552 = arith.index_cast %swap3A_551 : i32 to index
        %swap3A_553 = arith.index_cast %scan3A_399 : i32 to index
        %swap3A_554 = arith.constant 112 : index
        %swap3A_555 = tpu.vector_load %arg11[%swap3A_552, %swap3A_553, %swap3A_554] {strides = array<i32>} : memref<2x80x128xf32, #tpu.memory_space<vmem>>, vector<1x1x16xf32>,
        %swap3A_556 = vector.shape_cast %swap3A_555 : vector<1x1x16xf32> to vector<16xf32>
        %swap3A_557 = vector.shape_cast %add3A_550 : vector<16xf32> to vector<1x1x16xf32>
        tpu.vector_store %arg11[%swap3A_552, %swap3A_553, %swap3A_554], %swap3A_557 {strides = array<i32>} : memref<2x80x128xf32, #tpu.memory_space<vmem>>, vector<1x1x16xf32>,
      }
      %scan3A_267 = arith.constant 80 : i32
      %mul3A_268 = arith.constant 80 : i32
      %mul3A_269 = arith.muli %mul3A_181, %mul3A_268 : i32
      %add3A_270 = arith.addi %mul3A_2, %mul3A_269 : i32
      %dma_wait3A_271 = arith.constant 0 : i32
      %dma_wait3A_272 = arith.constant 0 : i32
      %dma_wait3A_273 = tpu.memref_slice %arg8[%dma_wait3A_271, %dma_wait3A_272] : memref<2x80xi32, #tpu.memory_space<vmem>> -> memref<1x80xi32, #tpu.memory_space<vmem>>
      %dma_wait3A_274 = tpu.memref_squeeze %dma_wait3A_273 : memref<1x80xi32, #tpu.memory_space<vmem>> -> memref<80xi32, #tpu.memory_space<vmem>>
      %dma_wait3A_275 = tpu.memref_slice %arg3[%add3A_270] : memref<320000xi32, #tpu.memory_space<hbm>> -> memref<80xi32, #tpu.memory_space<hbm>>
      %dma_wait3A_276 = arith.constant 0 : i32
      %dma_wait3A_277 = tpu.memref_slice %arg8[%dma_wait3A_271, %dma_wait3A_276] : memref<2x80xi32, #tpu.memory_space<vmem>> -> memref<1x80xi32, #tpu.memory_space<vmem>>
      %dma_wait3A_278 = tpu.memref_squeeze %dma_wait3A_277 : memref<1x80xi32, #tpu.memory_space<vmem>> -> memref<80xi32, #tpu.memory_space<vmem>>
      %dma_wait3A_279 = tpu.memref_slice %arg3[%add3A_270] : memref<320000xi32, #tpu.memory_space<hbm>> -> memref<80xi32, #tpu.memory_space<hbm>>
      tpu.wait_dma2 semaphore(%arg13 : memref<!tpu.dma_semaphore, #tpu.memory_space<semaphore_mem>>) src(%dma_wait3A_279 : memref<80xi32, #tpu.memory_space<hbm>>) dst(%dma_wait3A_278 : memref<80xi32, #tpu.memory_space<vmem>>)
      %dma_start3A_280 = arith.constant 0 : i32
      %dma_start3A_281 = arith.constant 0 : i32
      %dma_start3A_282 = arith.constant 0 : i32
      %dma_start3A_283 = arith.constant 0 : i32
      %dma_start3A_284 = tpu.memref_slice %arg11[%dma_start3A_280, %dma_start3A_282, %dma_start3A_283] : memref<2x80x128xf32, #tpu.memory_space<vmem>> -> memref<1x80x128xf32, #tpu.memory_space<vmem>>
      %dma_start3A_285 = tpu.memref_squeeze %dma_start3A_284 : memref<1x80x128xf32, #tpu.memory_space<vmem>> -> memref<80x128xf32, #tpu.memory_space<vmem>>
      %dma_start3A_286 = arith.constant 0 : i32
      %dma_start3A_287 = tpu.memref_slice %arg8[%dma_start3A_281, %dma_start3A_286] : memref<2x80xi32, #tpu.memory_space<vmem>> -> memref<1x80xi32, #tpu.memory_space<vmem>>
      %dma_start3A_288 = tpu.memref_squeeze %dma_start3A_287 : memref<1x80xi32, #tpu.memory_space<vmem>> -> memref<80xi32, #tpu.memory_space<vmem>>
      %dma_start3A_289 = arith.constant 0 : i32
      %dma_start3A_290 = arith.constant 0 : i32
      %dma_start3A_291 = tpu.memref_slice %arg12[%dma_start3A_289, %dma_start3A_290] : memref<10112x128xf32, #tpu.memory_space<vmem_shared>> -> memref<10112x128xf32, #tpu.memory_space<vmem_shared>>
      tpu.enqueue_indirect_dma source(%dma_start3A_285 : memref<80x128xf32, #tpu.memory_space<vmem>>) target(%dma_start3A_291 : memref<10112x128xf32, #tpu.memory_space<vmem_shared>>) offsets(%dma_start3A_288 : memref<80xi32, #tpu.memory_space<vmem>>) semaphore(%arg21 : memref<!tpu.dma_semaphore, #tpu.memory_space<semaphore_mem>>) {add = true}
      %add3A_292 = arith.constant 2 : i32
      %add3A_293 = arith.addi %mul3A_181, %add3A_292 : i32
      %lt3A = arith.constant 125 : i32
      %lt3A_294 = arith.cmpi slt, %add3A_293, %lt3A : i32
      %convert_element_type3A = arith.extui %lt3A_294 : i1 to i32
      %cond3A = arith.constant 0 : i32
      %cond3A_295 = arith.cmpi ne, %convert_element_type3A, %cond3A : i32
      scf.if %cond3A_295 {
        %add3A_399 = arith.constant 2 : i32
        %add3A_400 = arith.addi %mul3A_181, %add3A_399 : i32
        %mul3A_401 = arith.constant 80 : i32
        %mul3A_402 = arith.muli %add3A_400, %mul3A_401 : i32
        %add3A_403 = arith.addi %mul3A_2, %mul3A_402 : i32
        %dma_start3A_404 = arith.constant 0 : i32
        %dma_start3A_405 = arith.constant 0 : i32
        %dma_start3A_406 = tpu.memref_slice %arg9[%dma_start3A_404, %dma_start3A_405] : memref<2x80xi32, #tpu.memory_space<vmem>> -> memref<1x80xi32, #tpu.memory_space<vmem>>
        %dma_start3A_407 = tpu.memref_squeeze %dma_start3A_406 : memref<1x80xi32, #tpu.memory_space<vmem>> -> memref<80xi32, #tpu.memory_space<vmem>>
        %dma_start3A_408 = tpu.memref_slice %arg4[%add3A_403] : memref<320000xi32, #tpu.memory_space<hbm>> -> memref<80xi32, #tpu.memory_space<hbm>>
        %dma_start3A_409 = arith.constant 0 : i32
        %dma_start3A_410 = tpu.memref_slice %arg9[%dma_start3A_404, %dma_start3A_409] : memref<2x80xi32, #tpu.memory_space<vmem>> -> memref<1x80xi32, #tpu.memory_space<vmem>>
        %dma_start3A_411 = tpu.memref_squeeze %dma_start3A_410 : memref<1x80xi32, #tpu.memory_space<vmem>> -> memref<80xi32, #tpu.memory_space<vmem>>
        %dma_start3A_412 = tpu.memref_slice %arg4[%add3A_403] : memref<320000xi32, #tpu.memory_space<hbm>> -> memref<80xi32, #tpu.memory_space<hbm>>
        tpu.enqueue_dma source(%dma_start3A_412 : memref<80xi32, #tpu.memory_space<hbm>>) target(%dma_start3A_411 : memref<80xi32, #tpu.memory_space<vmem>>) target_semaphore(%arg15 : memref<!tpu.dma_semaphore, #tpu.memory_space<semaphore_mem>>)
        %dma_start3A_413 = arith.constant 0 : i32
        %dma_start3A_414 = arith.constant 0 : i32
        %dma_start3A_415 = arith.constant 0 : i32
        %dma_start3A_416 = tpu.memref_slice %arg10[%dma_start3A_413, %dma_start3A_414, %dma_start3A_415] : memref<2x80x128xf32, #tpu.memory_space<vmem>> -> memref<1x80x128xf32, #tpu.memory_space<vmem>>
        %dma_start3A_417 = tpu.memref_squeeze %dma_start3A_416 : memref<1x80x128xf32, #tpu.memory_space<vmem>> -> memref<80x128xf32, #tpu.memory_space<vmem>>
        %dma_start3A_418 = arith.constant 0 : i32
        %dma_start3A_419 = tpu.memref_slice %arg5[%add3A_403, %dma_start3A_418] : memref<320000x128xf32, #tpu.memory_space<hbm>> -> memref<80x128xf32, #tpu.memory_space<hbm>>
        %dma_start3A_420 = arith.constant 0 : i32
        %dma_start3A_421 = arith.constant 0 : i32
        %dma_start3A_422 = tpu.memref_slice %arg10[%dma_start3A_413, %dma_start3A_420, %dma_start3A_421] : memref<2x80x128xf32, #tpu.memory_space<vmem>> -> memref<1x80x128xf32, #tpu.memory_space<vmem>>
        %dma_start3A_423 = tpu.memref_squeeze %dma_start3A_422 : memref<1x80x128xf32, #tpu.memory_space<vmem>> -> memref<80x128xf32, #tpu.memory_space<vmem>>
        %dma_start3A_424 = arith.constant 0 : i32
        %dma_start3A_425 = tpu.memref_slice %arg5[%add3A_403, %dma_start3A_424] : memref<320000x128xf32, #tpu.memory_space<hbm>> -> memref<80x128xf32, #tpu.memory_space<hbm>>
        tpu.enqueue_dma source(%dma_start3A_425 : memref<80x128xf32, #tpu.memory_space<hbm>>) target(%dma_start3A_423 : memref<80x128xf32, #tpu.memory_space<vmem>>) target_semaphore(%arg17 : memref<!tpu.dma_semaphore, #tpu.memory_space<semaphore_mem>>)
      } else {
      }
      %dma_wait3A_296 = arith.constant 1 : i32
      %dma_wait3A_297 = arith.constant 1 : i32
      %dma_wait3A_298 = arith.constant 0 : i32
      %dma_wait3A_299 = arith.constant 0 : i32
      %dma_wait3A_300 = tpu.memref_slice %arg11[%dma_wait3A_297, %dma_wait3A_298, %dma_wait3A_299] : memref<2x80x128xf32, #tpu.memory_space<vmem>> -> memref<1x80x128xf32, #tpu.memory_space<vmem>>
      %dma_wait3A_301 = tpu.memref_squeeze %dma_wait3A_300 : memref<1x80x128xf32, #tpu.memory_space<vmem>> -> memref<80x128xf32, #tpu.memory_space<vmem>>
      %dma_wait3A_302 = arith.constant 0 : i32
      %dma_wait3A_303 = tpu.memref_slice %arg9[%dma_wait3A_296, %dma_wait3A_302] : memref<2x80xi32, #tpu.memory_space<vmem>> -> memref<1x80xi32, #tpu.memory_space<vmem>>
      %dma_wait3A_304 = tpu.memref_squeeze %dma_wait3A_303 : memref<1x80xi32, #tpu.memory_space<vmem>> -> memref<80xi32, #tpu.memory_space<vmem>>
      %dma_wait3A_305 = arith.constant 0 : i32
      %dma_wait3A_306 = arith.constant 0 : i32
      %dma_wait3A_307 = tpu.memref_slice %arg2[%dma_wait3A_305, %dma_wait3A_306] : memref<10000x128xf32, #tpu.memory_space<hbm>> -> memref<10000x128xf32, #tpu.memory_space<hbm>>
      tpu.wait_indirect_dma semaphore(%arg20 : memref<!tpu.dma_semaphore, #tpu.memory_space<semaphore_mem>>) src(%dma_wait3A_307 : memref<10000x128xf32, #tpu.memory_space<hbm>>) dst(%dma_wait3A_301 : memref<80x128xf32, #tpu.memory_space<vmem>>)
      %mul3A_308 = arith.constant 80 : i32
      %mul3A_309 = arith.muli %add3A_185, %mul3A_308 : i32
      %add3A_310 = arith.addi %mul3A_2, %mul3A_309 : i32
      %dma_wait3A_311 = arith.constant 1 : i32
      %dma_wait3A_312 = arith.constant 0 : i32
      %dma_wait3A_313 = arith.constant 0 : i32
      %dma_wait3A_314 = tpu.memref_slice %arg10[%dma_wait3A_311, %dma_wait3A_312, %dma_wait3A_313] : memref<2x80x128xf32, #tpu.memory_space<vmem>> -> memref<1x80x128xf32, #tpu.memory_space<vmem>>
      %dma_wait3A_315 = tpu.memref_squeeze %dma_wait3A_314 : memref<1x80x128xf32, #tpu.memory_space<vmem>> -> memref<80x128xf32, #tpu.memory_space<vmem>>
      %dma_wait3A_316 = arith.constant 0 : i32
      %dma_wait3A_317 = tpu.memref_slice %arg5[%add3A_310, %dma_wait3A_316] : memref<320000x128xf32, #tpu.memory_space<hbm>> -> memref<80x128xf32, #tpu.memory_space<hbm>>
      %dma_wait3A_318 = arith.constant 0 : i32
      %dma_wait3A_319 = arith.constant 0 : i32
      %dma_wait3A_320 = tpu.memref_slice %arg10[%dma_wait3A_311, %dma_wait3A_318, %dma_wait3A_319] : memref<2x80x128xf32, #tpu.memory_space<vmem>> -> memref<1x80x128xf32, #tpu.memory_space<vmem>>
      %dma_wait3A_321 = tpu.memref_squeeze %dma_wait3A_320 : memref<1x80x128xf32, #tpu.memory_space<vmem>> -> memref<80x128xf32, #tpu.memory_space<vmem>>
      %dma_wait3A_322 = arith.constant 0 : i32
      %dma_wait3A_323 = tpu.memref_slice %arg5[%add3A_310, %dma_wait3A_322] : memref<320000x128xf32, #tpu.memory_space<hbm>> -> memref<80x128xf32, #tpu.memory_space<hbm>>
      tpu.wait_dma2 semaphore(%arg18 : memref<!tpu.dma_semaphore, #tpu.memory_space<semaphore_mem>>) src(%dma_wait3A_323 : memref<80x128xf32, #tpu.memory_space<hbm>>) dst(%dma_wait3A_321 : memref<80x128xf32, #tpu.memory_space<vmem>>)
      %scan3A_324 = arith.constant 0 : i32
      %scan3A_325 = arith.constant 0 : i32
      %scan3A_326 = arith.constant 80 : i32
      %scan3A_327 = arith.addi %scan3A_325, %scan3A_326 : i32
      %scan3A_328 = arith.constant 1 : i32
      scf.for %scan3A_399 = %scan3A_325 to %scan3A_327 step %scan3A_328  : i32 {
        %get3A = arith.constant 1 : i32
        %get3A_400 = arith.index_cast %get3A : i32 to index
        %get3A_401 = arith.index_cast %scan3A_399 : i32 to index
        %get3A_402 = arith.constant 0 : index
        %get3A_403 = tpu.vector_load %arg11[%get3A_400, %get3A_401, %get3A_402] {strides = array<i32>} : memref<2x80x128xf32, #tpu.memory_space<vmem>>, vector<1x1x16xf32>,
        %get3A_404 = vector.shape_cast %get3A_403 : vector<1x1x16xf32> to vector<16xf32>
        %get3A_405 = arith.constant 1 : i32
        %get3A_406 = arith.index_cast %get3A_405 : i32 to index
        %get3A_407 = arith.index_cast %scan3A_399 : i32 to index
        %get3A_408 = arith.constant 0 : index
        %get3A_409 = tpu.vector_load %arg10[%get3A_406, %get3A_407, %get3A_408] {strides = array<i32>} : memref<2x80x128xf32, #tpu.memory_space<vmem>>, vector<1x1x16xf32>,
        %get3A_410 = vector.shape_cast %get3A_409 : vector<1x1x16xf32> to vector<16xf32>
        %add3A_411 = arith.addf %get3A_404, %get3A_410 : vector<16xf32>
        %swap3A = arith.constant 1 : i32
        %swap3A_412 = arith.index_cast %swap3A : i32 to index
        %swap3A_413 = arith.index_cast %scan3A_399 : i32 to index
        %swap3A_414 = arith.constant 0 : index
        %swap3A_415 = tpu.vector_load %arg11[%swap3A_412, %swap3A_413, %swap3A_414] {strides = array<i32>} : memref<2x80x128xf32, #tpu.memory_space<vmem>>, vector<1x1x16xf32>,
        %swap3A_416 = vector.shape_cast %swap3A_415 : vector<1x1x16xf32> to vector<16xf32>
        %swap3A_417 = vector.shape_cast %add3A_411 : vector<16xf32> to vector<1x1x16xf32>
        tpu.vector_store %arg11[%swap3A_412, %swap3A_413, %swap3A_414], %swap3A_417 {strides = array<i32>} : memref<2x80x128xf32, #tpu.memory_space<vmem>>, vector<1x1x16xf32>,
        %get3A_418 = arith.constant 1 : i32
        %get3A_419 = arith.index_cast %get3A_418 : i32 to index
        %get3A_420 = arith.index_cast %scan3A_399 : i32 to index
        %get3A_421 = arith.constant 16 : index
        %get3A_422 = tpu.vector_load %arg11[%get3A_419, %get3A_420, %get3A_421] {strides = array<i32>} : memref<2x80x128xf32, #tpu.memory_space<vmem>>, vector<1x1x16xf32>,
        %get3A_423 = vector.shape_cast %get3A_422 : vector<1x1x16xf32> to vector<16xf32>
        %get3A_424 = arith.constant 1 : i32
        %get3A_425 = arith.index_cast %get3A_424 : i32 to index
        %get3A_426 = arith.index_cast %scan3A_399 : i32 to index
        %get3A_427 = arith.constant 16 : index
        %get3A_428 = tpu.vector_load %arg10[%get3A_425, %get3A_426, %get3A_427] {strides = array<i32>} : memref<2x80x128xf32, #tpu.memory_space<vmem>>, vector<1x1x16xf32>,
        %get3A_429 = vector.shape_cast %get3A_428 : vector<1x1x16xf32> to vector<16xf32>
        %add3A_430 = arith.addf %get3A_423, %get3A_429 : vector<16xf32>
        %swap3A_431 = arith.constant 1 : i32
        %swap3A_432 = arith.index_cast %swap3A_431 : i32 to index
        %swap3A_433 = arith.index_cast %scan3A_399 : i32 to index
        %swap3A_434 = arith.constant 16 : index
        %swap3A_435 = tpu.vector_load %arg11[%swap3A_432, %swap3A_433, %swap3A_434] {strides = array<i32>} : memref<2x80x128xf32, #tpu.memory_space<vmem>>, vector<1x1x16xf32>,
        %swap3A_436 = vector.shape_cast %swap3A_435 : vector<1x1x16xf32> to vector<16xf32>
        %swap3A_437 = vector.shape_cast %add3A_430 : vector<16xf32> to vector<1x1x16xf32>
        tpu.vector_store %arg11[%swap3A_432, %swap3A_433, %swap3A_434], %swap3A_437 {strides = array<i32>} : memref<2x80x128xf32, #tpu.memory_space<vmem>>, vector<1x1x16xf32>,
        %get3A_438 = arith.constant 1 : i32
        %get3A_439 = arith.index_cast %get3A_438 : i32 to index
        %get3A_440 = arith.index_cast %scan3A_399 : i32 to index
        %get3A_441 = arith.constant 32 : index
        %get3A_442 = tpu.vector_load %arg11[%get3A_439, %get3A_440, %get3A_441] {strides = array<i32>} : memref<2x80x128xf32, #tpu.memory_space<vmem>>, vector<1x1x16xf32>,
        %get3A_443 = vector.shape_cast %get3A_442 : vector<1x1x16xf32> to vector<16xf32>
        %get3A_444 = arith.constant 1 : i32
        %get3A_445 = arith.index_cast %get3A_444 : i32 to index
        %get3A_446 = arith.index_cast %scan3A_399 : i32 to index
        %get3A_447 = arith.constant 32 : index
        %get3A_448 = tpu.vector_load %arg10[%get3A_445, %get3A_446, %get3A_447] {strides = array<i32>} : memref<2x80x128xf32, #tpu.memory_space<vmem>>, vector<1x1x16xf32>,
        %get3A_449 = vector.shape_cast %get3A_448 : vector<1x1x16xf32> to vector<16xf32>
        %add3A_450 = arith.addf %get3A_443, %get3A_449 : vector<16xf32>
        %swap3A_451 = arith.constant 1 : i32
        %swap3A_452 = arith.index_cast %swap3A_451 : i32 to index
        %swap3A_453 = arith.index_cast %scan3A_399 : i32 to index
        %swap3A_454 = arith.constant 32 : index
        %swap3A_455 = tpu.vector_load %arg11[%swap3A_452, %swap3A_453, %swap3A_454] {strides = array<i32>} : memref<2x80x128xf32, #tpu.memory_space<vmem>>, vector<1x1x16xf32>,
        %swap3A_456 = vector.shape_cast %swap3A_455 : vector<1x1x16xf32> to vector<16xf32>
        %swap3A_457 = vector.shape_cast %add3A_450 : vector<16xf32> to vector<1x1x16xf32>
        tpu.vector_store %arg11[%swap3A_452, %swap3A_453, %swap3A_454], %swap3A_457 {strides = array<i32>} : memref<2x80x128xf32, #tpu.memory_space<vmem>>, vector<1x1x16xf32>,
        %get3A_458 = arith.constant 1 : i32
        %get3A_459 = arith.index_cast %get3A_458 : i32 to index
        %get3A_460 = arith.index_cast %scan3A_399 : i32 to index
        %get3A_461 = arith.constant 48 : index
        %get3A_462 = tpu.vector_load %arg11[%get3A_459, %get3A_460, %get3A_461] {strides = array<i32>} : memref<2x80x128xf32, #tpu.memory_space<vmem>>, vector<1x1x16xf32>,
        %get3A_463 = vector.shape_cast %get3A_462 : vector<1x1x16xf32> to vector<16xf32>
        %get3A_464 = arith.constant 1 : i32
        %get3A_465 = arith.index_cast %get3A_464 : i32 to index
        %get3A_466 = arith.index_cast %scan3A_399 : i32 to index
        %get3A_467 = arith.constant 48 : index
        %get3A_468 = tpu.vector_load %arg10[%get3A_465, %get3A_466, %get3A_467] {strides = array<i32>} : memref<2x80x128xf32, #tpu.memory_space<vmem>>, vector<1x1x16xf32>,
        %get3A_469 = vector.shape_cast %get3A_468 : vector<1x1x16xf32> to vector<16xf32>
        %add3A_470 = arith.addf %get3A_463, %get3A_469 : vector<16xf32>
        %swap3A_471 = arith.constant 1 : i32
        %swap3A_472 = arith.index_cast %swap3A_471 : i32 to index
        %swap3A_473 = arith.index_cast %scan3A_399 : i32 to index
        %swap3A_474 = arith.constant 48 : index
        %swap3A_475 = tpu.vector_load %arg11[%swap3A_472, %swap3A_473, %swap3A_474] {strides = array<i32>} : memref<2x80x128xf32, #tpu.memory_space<vmem>>, vector<1x1x16xf32>,
        %swap3A_476 = vector.shape_cast %swap3A_475 : vector<1x1x16xf32> to vector<16xf32>
        %swap3A_477 = vector.shape_cast %add3A_470 : vector<16xf32> to vector<1x1x16xf32>
        tpu.vector_store %arg11[%swap3A_472, %swap3A_473, %swap3A_474], %swap3A_477 {strides = array<i32>} : memref<2x80x128xf32, #tpu.memory_space<vmem>>, vector<1x1x16xf32>,
        %get3A_478 = arith.constant 1 : i32
        %get3A_479 = arith.index_cast %get3A_478 : i32 to index
        %get3A_480 = arith.index_cast %scan3A_399 : i32 to index
        %get3A_481 = arith.constant 64 : index
        %get3A_482 = tpu.vector_load %arg11[%get3A_479, %get3A_480, %get3A_481] {strides = array<i32>} : memref<2x80x128xf32, #tpu.memory_space<vmem>>, vector<1x1x16xf32>,
        %get3A_483 = vector.shape_cast %get3A_482 : vector<1x1x16xf32> to vector<16xf32>
        %get3A_484 = arith.constant 1 : i32
        %get3A_485 = arith.index_cast %get3A_484 : i32 to index
        %get3A_486 = arith.index_cast %scan3A_399 : i32 to index
        %get3A_487 = arith.constant 64 : index
        %get3A_488 = tpu.vector_load %arg10[%get3A_485, %get3A_486, %get3A_487] {strides = array<i32>} : memref<2x80x128xf32, #tpu.memory_space<vmem>>, vector<1x1x16xf32>,
        %get3A_489 = vector.shape_cast %get3A_488 : vector<1x1x16xf32> to vector<16xf32>
        %add3A_490 = arith.addf %get3A_483, %get3A_489 : vector<16xf32>
        %swap3A_491 = arith.constant 1 : i32
        %swap3A_492 = arith.index_cast %swap3A_491 : i32 to index
        %swap3A_493 = arith.index_cast %scan3A_399 : i32 to index
        %swap3A_494 = arith.constant 64 : index
        %swap3A_495 = tpu.vector_load %arg11[%swap3A_492, %swap3A_493, %swap3A_494] {strides = array<i32>} : memref<2x80x128xf32, #tpu.memory_space<vmem>>, vector<1x1x16xf32>,
        %swap3A_496 = vector.shape_cast %swap3A_495 : vector<1x1x16xf32> to vector<16xf32>
        %swap3A_497 = vector.shape_cast %add3A_490 : vector<16xf32> to vector<1x1x16xf32>
        tpu.vector_store %arg11[%swap3A_492, %swap3A_493, %swap3A_494], %swap3A_497 {strides = array<i32>} : memref<2x80x128xf32, #tpu.memory_space<vmem>>, vector<1x1x16xf32>,
        %get3A_498 = arith.constant 1 : i32
        %get3A_499 = arith.index_cast %get3A_498 : i32 to index
        %get3A_500 = arith.index_cast %scan3A_399 : i32 to index
        %get3A_501 = arith.constant 80 : index
        %get3A_502 = tpu.vector_load %arg11[%get3A_499, %get3A_500, %get3A_501] {strides = array<i32>} : memref<2x80x128xf32, #tpu.memory_space<vmem>>, vector<1x1x16xf32>,
        %get3A_503 = vector.shape_cast %get3A_502 : vector<1x1x16xf32> to vector<16xf32>
        %get3A_504 = arith.constant 1 : i32
        %get3A_505 = arith.index_cast %get3A_504 : i32 to index
        %get3A_506 = arith.index_cast %scan3A_399 : i32 to index
        %get3A_507 = arith.constant 80 : index
        %get3A_508 = tpu.vector_load %arg10[%get3A_505, %get3A_506, %get3A_507] {strides = array<i32>} : memref<2x80x128xf32, #tpu.memory_space<vmem>>, vector<1x1x16xf32>,
        %get3A_509 = vector.shape_cast %get3A_508 : vector<1x1x16xf32> to vector<16xf32>
        %add3A_510 = arith.addf %get3A_503, %get3A_509 : vector<16xf32>
        %swap3A_511 = arith.constant 1 : i32
        %swap3A_512 = arith.index_cast %swap3A_511 : i32 to index
        %swap3A_513 = arith.index_cast %scan3A_399 : i32 to index
        %swap3A_514 = arith.constant 80 : index
        %swap3A_515 = tpu.vector_load %arg11[%swap3A_512, %swap3A_513, %swap3A_514] {strides = array<i32>} : memref<2x80x128xf32, #tpu.memory_space<vmem>>, vector<1x1x16xf32>,
        %swap3A_516 = vector.shape_cast %swap3A_515 : vector<1x1x16xf32> to vector<16xf32>
        %swap3A_517 = vector.shape_cast %add3A_510 : vector<16xf32> to vector<1x1x16xf32>
        tpu.vector_store %arg11[%swap3A_512, %swap3A_513, %swap3A_514], %swap3A_517 {strides = array<i32>} : memref<2x80x128xf32, #tpu.memory_space<vmem>>, vector<1x1x16xf32>,
        %get3A_518 = arith.constant 1 : i32
        %get3A_519 = arith.index_cast %get3A_518 : i32 to index
        %get3A_520 = arith.index_cast %scan3A_399 : i32 to index
        %get3A_521 = arith.constant 96 : index
        %get3A_522 = tpu.vector_load %arg11[%get3A_519, %get3A_520, %get3A_521] {strides = array<i32>} : memref<2x80x128xf32, #tpu.memory_space<vmem>>, vector<1x1x16xf32>,
        %get3A_523 = vector.shape_cast %get3A_522 : vector<1x1x16xf32> to vector<16xf32>
        %get3A_524 = arith.constant 1 : i32
        %get3A_525 = arith.index_cast %get3A_524 : i32 to index
        %get3A_526 = arith.index_cast %scan3A_399 : i32 to index
        %get3A_527 = arith.constant 96 : index
        %get3A_528 = tpu.vector_load %arg10[%get3A_525, %get3A_526, %get3A_527] {strides = array<i32>} : memref<2x80x128xf32, #tpu.memory_space<vmem>>, vector<1x1x16xf32>,
        %get3A_529 = vector.shape_cast %get3A_528 : vector<1x1x16xf32> to vector<16xf32>
        %add3A_530 = arith.addf %get3A_523, %get3A_529 : vector<16xf32>
        %swap3A_531 = arith.constant 1 : i32
        %swap3A_532 = arith.index_cast %swap3A_531 : i32 to index
        %swap3A_533 = arith.index_cast %scan3A_399 : i32 to index
        %swap3A_534 = arith.constant 96 : index
        %swap3A_535 = tpu.vector_load %arg11[%swap3A_532, %swap3A_533, %swap3A_534] {strides = array<i32>} : memref<2x80x128xf32, #tpu.memory_space<vmem>>, vector<1x1x16xf32>,
        %swap3A_536 = vector.shape_cast %swap3A_535 : vector<1x1x16xf32> to vector<16xf32>
        %swap3A_537 = vector.shape_cast %add3A_530 : vector<16xf32> to vector<1x1x16xf32>
        tpu.vector_store %arg11[%swap3A_532, %swap3A_533, %swap3A_534], %swap3A_537 {strides = array<i32>} : memref<2x80x128xf32, #tpu.memory_space<vmem>>, vector<1x1x16xf32>,
        %get3A_538 = arith.constant 1 : i32
        %get3A_539 = arith.index_cast %get3A_538 : i32 to index
        %get3A_540 = arith.index_cast %scan3A_399 : i32 to index
        %get3A_541 = arith.constant 112 : index
        %get3A_542 = tpu.vector_load %arg11[%get3A_539, %get3A_540, %get3A_541] {strides = array<i32>} : memref<2x80x128xf32, #tpu.memory_space<vmem>>, vector<1x1x16xf32>,
        %get3A_543 = vector.shape_cast %get3A_542 : vector<1x1x16xf32> to vector<16xf32>
        %get3A_544 = arith.constant 1 : i32
        %get3A_545 = arith.index_cast %get3A_544 : i32 to index
        %get3A_546 = arith.index_cast %scan3A_399 : i32 to index
        %get3A_547 = arith.constant 112 : index
        %get3A_548 = tpu.vector_load %arg10[%get3A_545, %get3A_546, %get3A_547] {strides = array<i32>} : memref<2x80x128xf32, #tpu.memory_space<vmem>>, vector<1x1x16xf32>,
        %get3A_549 = vector.shape_cast %get3A_548 : vector<1x1x16xf32> to vector<16xf32>
        %add3A_550 = arith.addf %get3A_543, %get3A_549 : vector<16xf32>
        %swap3A_551 = arith.constant 1 : i32
        %swap3A_552 = arith.index_cast %swap3A_551 : i32 to index
        %swap3A_553 = arith.index_cast %scan3A_399 : i32 to index
        %swap3A_554 = arith.constant 112 : index
        %swap3A_555 = tpu.vector_load %arg11[%swap3A_552, %swap3A_553, %swap3A_554] {strides = array<i32>} : memref<2x80x128xf32, #tpu.memory_space<vmem>>, vector<1x1x16xf32>,
        %swap3A_556 = vector.shape_cast %swap3A_555 : vector<1x1x16xf32> to vector<16xf32>
        %swap3A_557 = vector.shape_cast %add3A_550 : vector<16xf32> to vector<1x1x16xf32>
        tpu.vector_store %arg11[%swap3A_552, %swap3A_553, %swap3A_554], %swap3A_557 {strides = array<i32>} : memref<2x80x128xf32, #tpu.memory_space<vmem>>, vector<1x1x16xf32>,
      }
      %scan3A_329 = arith.constant 80 : i32
      %mul3A_330 = arith.constant 80 : i32
      %mul3A_331 = arith.muli %add3A_185, %mul3A_330 : i32
      %add3A_332 = arith.addi %mul3A_2, %mul3A_331 : i32
      %dma_wait3A_333 = arith.constant 1 : i32
      %dma_wait3A_334 = arith.constant 0 : i32
      %dma_wait3A_335 = tpu.memref_slice %arg8[%dma_wait3A_333, %dma_wait3A_334] : memref<2x80xi32, #tpu.memory_space<vmem>> -> memref<1x80xi32, #tpu.memory_space<vmem>>
      %dma_wait3A_336 = tpu.memref_squeeze %dma_wait3A_335 : memref<1x80xi32, #tpu.memory_space<vmem>> -> memref<80xi32, #tpu.memory_space<vmem>>
      %dma_wait3A_337 = tpu.memref_slice %arg3[%add3A_332] : memref<320000xi32, #tpu.memory_space<hbm>> -> memref<80xi32, #tpu.memory_space<hbm>>
      %dma_wait3A_338 = arith.constant 0 : i32
      %dma_wait3A_339 = tpu.memref_slice %arg8[%dma_wait3A_333, %dma_wait3A_338] : memref<2x80xi32, #tpu.memory_space<vmem>> -> memref<1x80xi32, #tpu.memory_space<vmem>>
      %dma_wait3A_340 = tpu.memref_squeeze %dma_wait3A_339 : memref<1x80xi32, #tpu.memory_space<vmem>> -> memref<80xi32, #tpu.memory_space<vmem>>
      %dma_wait3A_341 = tpu.memref_slice %arg3[%add3A_332] : memref<320000xi32, #tpu.memory_space<hbm>> -> memref<80xi32, #tpu.memory_space<hbm>>
      tpu.wait_dma2 semaphore(%arg14 : memref<!tpu.dma_semaphore, #tpu.memory_space<semaphore_mem>>) src(%dma_wait3A_341 : memref<80xi32, #tpu.memory_space<hbm>>) dst(%dma_wait3A_340 : memref<80xi32, #tpu.memory_space<vmem>>)
      %dma_start3A_342 = arith.constant 1 : i32
      %dma_start3A_343 = arith.constant 1 : i32
      %dma_start3A_344 = arith.constant 0 : i32
      %dma_start3A_345 = arith.constant 0 : i32
      %dma_start3A_346 = tpu.memref_slice %arg11[%dma_start3A_342, %dma_start3A_344, %dma_start3A_345] : memref<2x80x128xf32, #tpu.memory_space<vmem>> -> memref<1x80x128xf32, #tpu.memory_space<vmem>>
      %dma_start3A_347 = tpu.memref_squeeze %dma_start3A_346 : memref<1x80x128xf32, #tpu.memory_space<vmem>> -> memref<80x128xf32, #tpu.memory_space<vmem>>
      %dma_start3A_348 = arith.constant 0 : i32
      %dma_start3A_349 = tpu.memref_slice %arg8[%dma_start3A_343, %dma_start3A_348] : memref<2x80xi32, #tpu.memory_space<vmem>> -> memref<1x80xi32, #tpu.memory_space<vmem>>
      %dma_start3A_350 = tpu.memref_squeeze %dma_start3A_349 : memref<1x80xi32, #tpu.memory_space<vmem>> -> memref<80xi32, #tpu.memory_space<vmem>>
      %dma_start3A_351 = arith.constant 0 : i32
      %dma_start3A_352 = arith.constant 0 : i32
      %dma_start3A_353 = tpu.memref_slice %arg12[%dma_start3A_351, %dma_start3A_352] : memref<10112x128xf32, #tpu.memory_space<vmem_shared>> -> memref<10112x128xf32, #tpu.memory_space<vmem_shared>>
      tpu.enqueue_indirect_dma source(%dma_start3A_347 : memref<80x128xf32, #tpu.memory_space<vmem>>) target(%dma_start3A_353 : memref<10112x128xf32, #tpu.memory_space<vmem_shared>>) offsets(%dma_start3A_350 : memref<80xi32, #tpu.memory_space<vmem>>) semaphore(%arg22 : memref<!tpu.dma_semaphore, #tpu.memory_space<semaphore_mem>>) {add = true}
      %add3A_354 = arith.constant 2 : i32
      %add3A_355 = arith.addi %add3A_185, %add3A_354 : i32
      %lt3A_356 = arith.constant 125 : i32
      %lt3A_357 = arith.cmpi slt, %add3A_355, %lt3A_356 : i32
      %convert_element_type3A_358 = arith.extui %lt3A_357 : i1 to i32
      %cond3A_359 = arith.constant 0 : i32
      %cond3A_360 = arith.cmpi ne, %convert_element_type3A_358, %cond3A_359 : i32
      scf.if %cond3A_360 {
        %add3A_399 = arith.constant 2 : i32
        %add3A_400 = arith.addi %add3A_185, %add3A_399 : i32
        %mul3A_401 = arith.constant 80 : i32
        %mul3A_402 = arith.muli %add3A_400, %mul3A_401 : i32
        %add3A_403 = arith.addi %mul3A_2, %mul3A_402 : i32
        %dma_start3A_404 = arith.constant 1 : i32
        %dma_start3A_405 = arith.constant 0 : i32
        %dma_start3A_406 = tpu.memref_slice %arg9[%dma_start3A_404, %dma_start3A_405] : memref<2x80xi32, #tpu.memory_space<vmem>> -> memref<1x80xi32, #tpu.memory_space<vmem>>
        %dma_start3A_407 = tpu.memref_squeeze %dma_start3A_406 : memref<1x80xi32, #tpu.memory_space<vmem>> -> memref<80xi32, #tpu.memory_space<vmem>>
        %dma_start3A_408 = tpu.memref_slice %arg4[%add3A_403] : memref<320000xi32, #tpu.memory_space<hbm>> -> memref<80xi32, #tpu.memory_space<hbm>>
        %dma_start3A_409 = arith.constant 0 : i32
        %dma_start3A_410 = tpu.memref_slice %arg9[%dma_start3A_404, %dma_start3A_409] : memref<2x80xi32, #tpu.memory_space<vmem>> -> memref<1x80xi32, #tpu.memory_space<vmem>>
        %dma_start3A_411 = tpu.memref_squeeze %dma_start3A_410 : memref<1x80xi32, #tpu.memory_space<vmem>> -> memref<80xi32, #tpu.memory_space<vmem>>
        %dma_start3A_412 = tpu.memref_slice %arg4[%add3A_403] : memref<320000xi32, #tpu.memory_space<hbm>> -> memref<80xi32, #tpu.memory_space<hbm>>
        tpu.enqueue_dma source(%dma_start3A_412 : memref<80xi32, #tpu.memory_space<hbm>>) target(%dma_start3A_411 : memref<80xi32, #tpu.memory_space<vmem>>) target_semaphore(%arg16 : memref<!tpu.dma_semaphore, #tpu.memory_space<semaphore_mem>>)
        %dma_start3A_413 = arith.constant 1 : i32
        %dma_start3A_414 = arith.constant 0 : i32
        %dma_start3A_415 = arith.constant 0 : i32
        %dma_start3A_416 = tpu.memref_slice %arg10[%dma_start3A_413, %dma_start3A_414, %dma_start3A_415] : memref<2x80x128xf32, #tpu.memory_space<vmem>> -> memref<1x80x128xf32, #tpu.memory_space<vmem>>
        %dma_start3A_417 = tpu.memref_squeeze %dma_start3A_416 : memref<1x80x128xf32, #tpu.memory_space<vmem>> -> memref<80x128xf32, #tpu.memory_space<vmem>>
        %dma_start3A_418 = arith.constant 0 : i32
        %dma_start3A_419 = tpu.memref_slice %arg5[%add3A_403, %dma_start3A_418] : memref<320000x128xf32, #tpu.memory_space<hbm>> -> memref<80x128xf32, #tpu.memory_space<hbm>>
        %dma_start3A_420 = arith.constant 0 : i32
        %dma_start3A_421 = arith.constant 0 : i32
        %dma_start3A_422 = tpu.memref_slice %arg10[%dma_start3A_413, %dma_start3A_420, %dma_start3A_421] : memref<2x80x128xf32, #tpu.memory_space<vmem>> -> memref<1x80x128xf32, #tpu.memory_space<vmem>>
        %dma_start3A_423 = tpu.memref_squeeze %dma_start3A_422 : memref<1x80x128xf32, #tpu.memory_space<vmem>> -> memref<80x128xf32, #tpu.memory_space<vmem>>
        %dma_start3A_424 = arith.constant 0 : i32
        %dma_start3A_425 = tpu.memref_slice %arg5[%add3A_403, %dma_start3A_424] : memref<320000x128xf32, #tpu.memory_space<hbm>> -> memref<80x128xf32, #tpu.memory_space<hbm>>
        tpu.enqueue_dma source(%dma_start3A_425 : memref<80x128xf32, #tpu.memory_space<hbm>>) target(%dma_start3A_423 : memref<80x128xf32, #tpu.memory_space<vmem>>) target_semaphore(%arg18 : memref<!tpu.dma_semaphore, #tpu.memory_space<semaphore_mem>>)
      } else {
      }
      %dma_wait3A_361 = arith.constant 0 : i32
      %dma_wait3A_362 = arith.constant 0 : i32
      %dma_wait3A_363 = arith.constant 0 : i32
      %dma_wait3A_364 = arith.constant 0 : i32
      %dma_wait3A_365 = tpu.memref_slice %arg11[%dma_wait3A_361, %dma_wait3A_363, %dma_wait3A_364] : memref<2x80x128xf32, #tpu.memory_space<vmem>> -> memref<1x80x128xf32, #tpu.memory_space<vmem>>
      %dma_wait3A_366 = tpu.memref_squeeze %dma_wait3A_365 : memref<1x80x128xf32, #tpu.memory_space<vmem>> -> memref<80x128xf32, #tpu.memory_space<vmem>>
      %dma_wait3A_367 = arith.constant 0 : i32
      %dma_wait3A_368 = tpu.memref_slice %arg8[%dma_wait3A_362, %dma_wait3A_367] : memref<2x80xi32, #tpu.memory_space<vmem>> -> memref<1x80xi32, #tpu.memory_space<vmem>>
      %dma_wait3A_369 = tpu.memref_squeeze %dma_wait3A_368 : memref<1x80xi32, #tpu.memory_space<vmem>> -> memref<80xi32, #tpu.memory_space<vmem>>
      %dma_wait3A_370 = arith.constant 0 : i32
      %dma_wait3A_371 = arith.constant 0 : i32
      %dma_wait3A_372 = tpu.memref_slice %arg12[%dma_wait3A_370, %dma_wait3A_371] : memref<10112x128xf32, #tpu.memory_space<vmem_shared>> -> memref<10112x128xf32, #tpu.memory_space<vmem_shared>>
      tpu.wait_indirect_dma semaphore(%arg21 : memref<!tpu.dma_semaphore, #tpu.memory_space<semaphore_mem>>) src(%dma_wait3A_366 : memref<80x128xf32, #tpu.memory_space<vmem>>) dst(%dma_wait3A_372 : memref<10112x128xf32, #tpu.memory_space<vmem_shared>>)
      %add3A_373 = arith.constant 2 : i32
      %add3A_374 = arith.addi %mul3A_181, %add3A_373 : i32
      %lt3A_375 = arith.constant 125 : i32
      %lt3A_376 = arith.cmpi slt, %add3A_374, %lt3A_375 : i32
      %convert_element_type3A_377 = arith.extui %lt3A_376 : i1 to i32
      %cond3A_378 = arith.constant 0 : i32
      %cond3A_379 = arith.cmpi ne, %convert_element_type3A_377, %cond3A_378 : i32
      scf.if %cond3A_379 {
        %add3A_399 = arith.constant 2 : i32
        %add3A_400 = arith.addi %mul3A_181, %add3A_399 : i32
        %mul3A_401 = arith.constant 80 : i32
        %mul3A_402 = arith.muli %add3A_400, %mul3A_401 : i32
        %add3A_403 = arith.addi %mul3A_2, %mul3A_402 : i32
        %dma_start3A_404 = arith.constant 0 : i32
        %dma_start3A_405 = arith.constant 0 : i32
        %dma_start3A_406 = tpu.memref_slice %arg8[%dma_start3A_404, %dma_start3A_405] : memref<2x80xi32, #tpu.memory_space<vmem>> -> memref<1x80xi32, #tpu.memory_space<vmem>>
        %dma_start3A_407 = tpu.memref_squeeze %dma_start3A_406 : memref<1x80xi32, #tpu.memory_space<vmem>> -> memref<80xi32, #tpu.memory_space<vmem>>
        %dma_start3A_408 = tpu.memref_slice %arg3[%add3A_403] : memref<320000xi32, #tpu.memory_space<hbm>> -> memref<80xi32, #tpu.memory_space<hbm>>
        %dma_start3A_409 = arith.constant 0 : i32
        %dma_start3A_410 = tpu.memref_slice %arg8[%dma_start3A_404, %dma_start3A_409] : memref<2x80xi32, #tpu.memory_space<vmem>> -> memref<1x80xi32, #tpu.memory_space<vmem>>
        %dma_start3A_411 = tpu.memref_squeeze %dma_start3A_410 : memref<1x80xi32, #tpu.memory_space<vmem>> -> memref<80xi32, #tpu.memory_space<vmem>>
        %dma_start3A_412 = tpu.memref_slice %arg3[%add3A_403] : memref<320000xi32, #tpu.memory_space<hbm>> -> memref<80xi32, #tpu.memory_space<hbm>>
        tpu.enqueue_dma source(%dma_start3A_412 : memref<80xi32, #tpu.memory_space<hbm>>) target(%dma_start3A_411 : memref<80xi32, #tpu.memory_space<vmem>>) target_semaphore(%arg13 : memref<!tpu.dma_semaphore, #tpu.memory_space<semaphore_mem>>)
      } else {
      }
      %dma_wait3A_380 = arith.constant 1 : i32
      %dma_wait3A_381 = arith.constant 1 : i32
      %dma_wait3A_382 = arith.constant 0 : i32
      %dma_wait3A_383 = arith.constant 0 : i32
      %dma_wait3A_384 = tpu.memref_slice %arg11[%dma_wait3A_380, %dma_wait3A_382, %dma_wait3A_383] : memref<2x80x128xf32, #tpu.memory_space<vmem>> -> memref<1x80x128xf32, #tpu.memory_space<vmem>>
      %dma_wait3A_385 = tpu.memref_squeeze %dma_wait3A_384 : memref<1x80x128xf32, #tpu.memory_space<vmem>> -> memref<80x128xf32, #tpu.memory_space<vmem>>
      %dma_wait3A_386 = arith.constant 0 : i32
      %dma_wait3A_387 = tpu.memref_slice %arg8[%dma_wait3A_381, %dma_wait3A_386] : memref<2x80xi32, #tpu.memory_space<vmem>> -> memref<1x80xi32, #tpu.memory_space<vmem>>
      %dma_wait3A_388 = tpu.memref_squeeze %dma_wait3A_387 : memref<1x80xi32, #tpu.memory_space<vmem>> -> memref<80xi32, #tpu.memory_space<vmem>>
      %dma_wait3A_389 = arith.constant 0 : i32
      %dma_wait3A_390 = arith.constant 0 : i32
      %dma_wait3A_391 = tpu.memref_slice %arg12[%dma_wait3A_389, %dma_wait3A_390] : memref<10112x128xf32, #tpu.memory_space<vmem_shared>> -> memref<10112x128xf32, #tpu.memory_space<vmem_shared>>
      tpu.wait_indirect_dma semaphore(%arg22 : memref<!tpu.dma_semaphore, #tpu.memory_space<semaphore_mem>>) src(%dma_wait3A_385 : memref<80x128xf32, #tpu.memory_space<vmem>>) dst(%dma_wait3A_391 : memref<10112x128xf32, #tpu.memory_space<vmem_shared>>)
      %add3A_392 = arith.constant 2 : i32
      %add3A_393 = arith.addi %add3A_185, %add3A_392 : i32
      %lt3A_394 = arith.constant 125 : i32
      %lt3A_395 = arith.cmpi slt, %add3A_393, %lt3A_394 : i32
      %convert_element_type3A_396 = arith.extui %lt3A_395 : i1 to i32
      %cond3A_397 = arith.constant 0 : i32
      %cond3A_398 = arith.cmpi ne, %convert_element_type3A_396, %cond3A_397 : i32
      scf.if %cond3A_398 {
        %add3A_399 = arith.constant 2 : i32
        %add3A_400 = arith.addi %add3A_185, %add3A_399 : i32
        %mul3A_401 = arith.constant 80 : i32
        %mul3A_402 = arith.muli %add3A_400, %mul3A_401 : i32
        %add3A_403 = arith.addi %mul3A_2, %mul3A_402 : i32
        %dma_start3A_404 = arith.constant 1 : i32
        %dma_start3A_405 = arith.constant 0 : i32
        %dma_start3A_406 = tpu.memref_slice %arg8[%dma_start3A_404, %dma_start3A_405] : memref<2x80xi32, #tpu.memory_space<vmem>> -> memref<1x80xi32, #tpu.memory_space<vmem>>
        %dma_start3A_407 = tpu.memref_squeeze %dma_start3A_406 : memref<1x80xi32, #tpu.memory_space<vmem>> -> memref<80xi32, #tpu.memory_space<vmem>>
        %dma_start3A_408 = tpu.memref_slice %arg3[%add3A_403] : memref<320000xi32, #tpu.memory_space<hbm>> -> memref<80xi32, #tpu.memory_space<hbm>>
        %dma_start3A_409 = arith.constant 0 : i32
        %dma_start3A_410 = tpu.memref_slice %arg8[%dma_start3A_404, %dma_start3A_409] : memref<2x80xi32, #tpu.memory_space<vmem>> -> memref<1x80xi32, #tpu.memory_space<vmem>>
        %dma_start3A_411 = tpu.memref_squeeze %dma_start3A_410 : memref<1x80xi32, #tpu.memory_space<vmem>> -> memref<80xi32, #tpu.memory_space<vmem>>
        %dma_start3A_412 = tpu.memref_slice %arg3[%add3A_403] : memref<320000xi32, #tpu.memory_space<hbm>> -> memref<80xi32, #tpu.memory_space<hbm>>
        tpu.enqueue_dma source(%dma_start3A_412 : memref<80xi32, #tpu.memory_space<hbm>>) target(%dma_start3A_411 : memref<80xi32, #tpu.memory_space<vmem>>) target_semaphore(%arg14 : memref<!tpu.dma_semaphore, #tpu.memory_space<semaphore_mem>>)
      } else {
      }
    }
    %scan3A_80 = arith.constant 62 : i32
    %add3A_81 = arith.constant 9920 : i32
    %add3A_82 = arith.addi %mul3A_2, %add3A_81 : i32
    %dma_wait3A = arith.constant 0 : i32
    %dma_wait3A_83 = arith.constant 0 : i32
    %dma_wait3A_84 = tpu.memref_slice %arg9[%dma_wait3A, %dma_wait3A_83] : memref<2x80xi32, #tpu.memory_space<vmem>> -> memref<1x80xi32, #tpu.memory_space<vmem>>
    %dma_wait3A_85 = tpu.memref_squeeze %dma_wait3A_84 : memref<1x80xi32, #tpu.memory_space<vmem>> -> memref<80xi32, #tpu.memory_space<vmem>>
    %dma_wait3A_86 = tpu.memref_slice %arg4[%add3A_82] : memref<320000xi32, #tpu.memory_space<hbm>> -> memref<80xi32, #tpu.memory_space<hbm>>
    %dma_wait3A_87 = arith.constant 0 : i32
    %dma_wait3A_88 = tpu.memref_slice %arg9[%dma_wait3A, %dma_wait3A_87] : memref<2x80xi32, #tpu.memory_space<vmem>> -> memref<1x80xi32, #tpu.memory_space<vmem>>
    %dma_wait3A_89 = tpu.memref_squeeze %dma_wait3A_88 : memref<1x80xi32, #tpu.memory_space<vmem>> -> memref<80xi32, #tpu.memory_space<vmem>>
    %dma_wait3A_90 = tpu.memref_slice %arg4[%add3A_82] : memref<320000xi32, #tpu.memory_space<hbm>> -> memref<80xi32, #tpu.memory_space<hbm>>
    tpu.wait_dma2 semaphore(%arg15 : memref<!tpu.dma_semaphore, #tpu.memory_space<semaphore_mem>>) src(%dma_wait3A_90 : memref<80xi32, #tpu.memory_space<hbm>>) dst(%dma_wait3A_89 : memref<80xi32, #tpu.memory_space<vmem>>)
    %dma_start3A_91 = arith.constant 0 : i32
    %dma_start3A_92 = arith.constant 0 : i32
    %dma_start3A_93 = arith.constant 0 : i32
    %dma_start3A_94 = arith.constant 0 : i32
    %dma_start3A_95 = tpu.memref_slice %arg11[%dma_start3A_92, %dma_start3A_93, %dma_start3A_94] : memref<2x80x128xf32, #tpu.memory_space<vmem>> -> memref<1x80x128xf32, #tpu.memory_space<vmem>>
    %dma_start3A_96 = tpu.memref_squeeze %dma_start3A_95 : memref<1x80x128xf32, #tpu.memory_space<vmem>> -> memref<80x128xf32, #tpu.memory_space<vmem>>
    %dma_start3A_97 = arith.constant 0 : i32
    %dma_start3A_98 = tpu.memref_slice %arg9[%dma_start3A_91, %dma_start3A_97] : memref<2x80xi32, #tpu.memory_space<vmem>> -> memref<1x80xi32, #tpu.memory_space<vmem>>
    %dma_start3A_99 = tpu.memref_squeeze %dma_start3A_98 : memref<1x80xi32, #tpu.memory_space<vmem>> -> memref<80xi32, #tpu.memory_space<vmem>>
    %dma_start3A_100 = arith.constant 0 : i32
    %dma_start3A_101 = arith.constant 0 : i32
    %dma_start3A_102 = tpu.memref_slice %arg2[%dma_start3A_100, %dma_start3A_101] : memref<10000x128xf32, #tpu.memory_space<hbm>> -> memref<10000x128xf32, #tpu.memory_space<hbm>>
    tpu.enqueue_indirect_dma source(%dma_start3A_102 : memref<10000x128xf32, #tpu.memory_space<hbm>>) target(%dma_start3A_96 : memref<80x128xf32, #tpu.memory_space<vmem>>) offsets(%dma_start3A_99 : memref<80xi32, #tpu.memory_space<vmem>>) semaphore(%arg19 : memref<!tpu.dma_semaphore, #tpu.memory_space<semaphore_mem>>)
    %dma_wait3A_103 = arith.constant 0 : i32
    %dma_wait3A_104 = arith.constant 0 : i32
    %dma_wait3A_105 = arith.constant 0 : i32
    %dma_wait3A_106 = arith.constant 0 : i32
    %dma_wait3A_107 = tpu.memref_slice %arg11[%dma_wait3A_104, %dma_wait3A_105, %dma_wait3A_106] : memref<2x80x128xf32, #tpu.memory_space<vmem>> -> memref<1x80x128xf32, #tpu.memory_space<vmem>>
    %dma_wait3A_108 = tpu.memref_squeeze %dma_wait3A_107 : memref<1x80x128xf32, #tpu.memory_space<vmem>> -> memref<80x128xf32, #tpu.memory_space<vmem>>
    %dma_wait3A_109 = arith.constant 0 : i32
    %dma_wait3A_110 = tpu.memref_slice %arg9[%dma_wait3A_103, %dma_wait3A_109] : memref<2x80xi32, #tpu.memory_space<vmem>> -> memref<1x80xi32, #tpu.memory_space<vmem>>
    %dma_wait3A_111 = tpu.memref_squeeze %dma_wait3A_110 : memref<1x80xi32, #tpu.memory_space<vmem>> -> memref<80xi32, #tpu.memory_space<vmem>>
    %dma_wait3A_112 = arith.constant 0 : i32
    %dma_wait3A_113 = arith.constant 0 : i32
    %dma_wait3A_114 = tpu.memref_slice %arg2[%dma_wait3A_112, %dma_wait3A_113] : memref<10000x128xf32, #tpu.memory_space<hbm>> -> memref<10000x128xf32, #tpu.memory_space<hbm>>
    tpu.wait_indirect_dma semaphore(%arg19 : memref<!tpu.dma_semaphore, #tpu.memory_space<semaphore_mem>>) src(%dma_wait3A_114 : memref<10000x128xf32, #tpu.memory_space<hbm>>) dst(%dma_wait3A_108 : memref<80x128xf32, #tpu.memory_space<vmem>>)
    %add3A_115 = arith.constant 9920 : i32
    %add3A_116 = arith.addi %mul3A_2, %add3A_115 : i32
    %dma_wait3A_117 = arith.constant 0 : i32
    %dma_wait3A_118 = arith.constant 0 : i32
    %dma_wait3A_119 = arith.constant 0 : i32
    %dma_wait3A_120 = tpu.memref_slice %arg10[%dma_wait3A_117, %dma_wait3A_118, %dma_wait3A_119] : memref<2x80x128xf32, #tpu.memory_space<vmem>> -> memref<1x80x128xf32, #tpu.memory_space<vmem>>
    %dma_wait3A_121 = tpu.memref_squeeze %dma_wait3A_120 : memref<1x80x128xf32, #tpu.memory_space<vmem>> -> memref<80x128xf32, #tpu.memory_space<vmem>>
    %dma_wait3A_122 = arith.constant 0 : i32
    %dma_wait3A_123 = tpu.memref_slice %arg5[%add3A_116, %dma_wait3A_122] : memref<320000x128xf32, #tpu.memory_space<hbm>> -> memref<80x128xf32, #tpu.memory_space<hbm>>
    %dma_wait3A_124 = arith.constant 0 : i32
    %dma_wait3A_125 = arith.constant 0 : i32
    %dma_wait3A_126 = tpu.memref_slice %arg10[%dma_wait3A_117, %dma_wait3A_124, %dma_wait3A_125] : memref<2x80x128xf32, #tpu.memory_space<vmem>> -> memref<1x80x128xf32, #tpu.memory_space<vmem>>
    %dma_wait3A_127 = tpu.memref_squeeze %dma_wait3A_126 : memref<1x80x128xf32, #tpu.memory_space<vmem>> -> memref<80x128xf32, #tpu.memory_space<vmem>>
    %dma_wait3A_128 = arith.constant 0 : i32
    %dma_wait3A_129 = tpu.memref_slice %arg5[%add3A_116, %dma_wait3A_128] : memref<320000x128xf32, #tpu.memory_space<hbm>> -> memref<80x128xf32, #tpu.memory_space<hbm>>
    tpu.wait_dma2 semaphore(%arg17 : memref<!tpu.dma_semaphore, #tpu.memory_space<semaphore_mem>>) src(%dma_wait3A_129 : memref<80x128xf32, #tpu.memory_space<hbm>>) dst(%dma_wait3A_127 : memref<80x128xf32, #tpu.memory_space<vmem>>)
    %scan3A_130 = arith.constant 0 : i32
    %scan3A_131 = arith.constant 0 : i32
    %scan3A_132 = arith.constant 80 : i32
    %scan3A_133 = arith.addi %scan3A_131, %scan3A_132 : i32
    %scan3A_134 = arith.constant 1 : i32
    scf.for %scan3A_179 = %scan3A_131 to %scan3A_133 step %scan3A_134  : i32 {
      %get3A = arith.constant 0 : i32
      %get3A_180 = arith.index_cast %get3A : i32 to index
      %get3A_181 = arith.index_cast %scan3A_179 : i32 to index
      %get3A_182 = arith.constant 0 : index
      %get3A_183 = tpu.vector_load %arg11[%get3A_180, %get3A_181, %get3A_182] {strides = array<i32>} : memref<2x80x128xf32, #tpu.memory_space<vmem>>, vector<1x1x16xf32>,
      %get3A_184 = vector.shape_cast %get3A_183 : vector<1x1x16xf32> to vector<16xf32>
      %get3A_185 = arith.constant 0 : i32
      %get3A_186 = arith.index_cast %get3A_185 : i32 to index
      %get3A_187 = arith.index_cast %scan3A_179 : i32 to index
      %get3A_188 = arith.constant 0 : index
      %get3A_189 = tpu.vector_load %arg10[%get3A_186, %get3A_187, %get3A_188] {strides = array<i32>} : memref<2x80x128xf32, #tpu.memory_space<vmem>>, vector<1x1x16xf32>,
      %get3A_190 = vector.shape_cast %get3A_189 : vector<1x1x16xf32> to vector<16xf32>
      %add3A_191 = arith.addf %get3A_184, %get3A_190 : vector<16xf32>
      %swap3A = arith.constant 0 : i32
      %swap3A_192 = arith.index_cast %swap3A : i32 to index
      %swap3A_193 = arith.index_cast %scan3A_179 : i32 to index
      %swap3A_194 = arith.constant 0 : index
      %swap3A_195 = tpu.vector_load %arg11[%swap3A_192, %swap3A_193, %swap3A_194] {strides = array<i32>} : memref<2x80x128xf32, #tpu.memory_space<vmem>>, vector<1x1x16xf32>,
      %swap3A_196 = vector.shape_cast %swap3A_195 : vector<1x1x16xf32> to vector<16xf32>
      %swap3A_197 = vector.shape_cast %add3A_191 : vector<16xf32> to vector<1x1x16xf32>
      tpu.vector_store %arg11[%swap3A_192, %swap3A_193, %swap3A_194], %swap3A_197 {strides = array<i32>} : memref<2x80x128xf32, #tpu.memory_space<vmem>>, vector<1x1x16xf32>,
      %get3A_198 = arith.constant 0 : i32
      %get3A_199 = arith.index_cast %get3A_198 : i32 to index
      %get3A_200 = arith.index_cast %scan3A_179 : i32 to index
      %get3A_201 = arith.constant 16 : index
      %get3A_202 = tpu.vector_load %arg11[%get3A_199, %get3A_200, %get3A_201] {strides = array<i32>} : memref<2x80x128xf32, #tpu.memory_space<vmem>>, vector<1x1x16xf32>,
      %get3A_203 = vector.shape_cast %get3A_202 : vector<1x1x16xf32> to vector<16xf32>
      %get3A_204 = arith.constant 0 : i32
      %get3A_205 = arith.index_cast %get3A_204 : i32 to index
      %get3A_206 = arith.index_cast %scan3A_179 : i32 to index
      %get3A_207 = arith.constant 16 : index
      %get3A_208 = tpu.vector_load %arg10[%get3A_205, %get3A_206, %get3A_207] {strides = array<i32>} : memref<2x80x128xf32, #tpu.memory_space<vmem>>, vector<1x1x16xf32>,
      %get3A_209 = vector.shape_cast %get3A_208 : vector<1x1x16xf32> to vector<16xf32>
      %add3A_210 = arith.addf %get3A_203, %get3A_209 : vector<16xf32>
      %swap3A_211 = arith.constant 0 : i32
      %swap3A_212 = arith.index_cast %swap3A_211 : i32 to index
      %swap3A_213 = arith.index_cast %scan3A_179 : i32 to index
      %swap3A_214 = arith.constant 16 : index
      %swap3A_215 = tpu.vector_load %arg11[%swap3A_212, %swap3A_213, %swap3A_214] {strides = array<i32>} : memref<2x80x128xf32, #tpu.memory_space<vmem>>, vector<1x1x16xf32>,
      %swap3A_216 = vector.shape_cast %swap3A_215 : vector<1x1x16xf32> to vector<16xf32>
      %swap3A_217 = vector.shape_cast %add3A_210 : vector<16xf32> to vector<1x1x16xf32>
      tpu.vector_store %arg11[%swap3A_212, %swap3A_213, %swap3A_214], %swap3A_217 {strides = array<i32>} : memref<2x80x128xf32, #tpu.memory_space<vmem>>, vector<1x1x16xf32>,
      %get3A_218 = arith.constant 0 : i32
      %get3A_219 = arith.index_cast %get3A_218 : i32 to index
      %get3A_220 = arith.index_cast %scan3A_179 : i32 to index
      %get3A_221 = arith.constant 32 : index
      %get3A_222 = tpu.vector_load %arg11[%get3A_219, %get3A_220, %get3A_221] {strides = array<i32>} : memref<2x80x128xf32, #tpu.memory_space<vmem>>, vector<1x1x16xf32>,
      %get3A_223 = vector.shape_cast %get3A_222 : vector<1x1x16xf32> to vector<16xf32>
      %get3A_224 = arith.constant 0 : i32
      %get3A_225 = arith.index_cast %get3A_224 : i32 to index
      %get3A_226 = arith.index_cast %scan3A_179 : i32 to index
      %get3A_227 = arith.constant 32 : index
      %get3A_228 = tpu.vector_load %arg10[%get3A_225, %get3A_226, %get3A_227] {strides = array<i32>} : memref<2x80x128xf32, #tpu.memory_space<vmem>>, vector<1x1x16xf32>,
      %get3A_229 = vector.shape_cast %get3A_228 : vector<1x1x16xf32> to vector<16xf32>
      %add3A_230 = arith.addf %get3A_223, %get3A_229 : vector<16xf32>
      %swap3A_231 = arith.constant 0 : i32
      %swap3A_232 = arith.index_cast %swap3A_231 : i32 to index
      %swap3A_233 = arith.index_cast %scan3A_179 : i32 to index
      %swap3A_234 = arith.constant 32 : index
      %swap3A_235 = tpu.vector_load %arg11[%swap3A_232, %swap3A_233, %swap3A_234] {strides = array<i32>} : memref<2x80x128xf32, #tpu.memory_space<vmem>>, vector<1x1x16xf32>,
      %swap3A_236 = vector.shape_cast %swap3A_235 : vector<1x1x16xf32> to vector<16xf32>
      %swap3A_237 = vector.shape_cast %add3A_230 : vector<16xf32> to vector<1x1x16xf32>
      tpu.vector_store %arg11[%swap3A_232, %swap3A_233, %swap3A_234], %swap3A_237 {strides = array<i32>} : memref<2x80x128xf32, #tpu.memory_space<vmem>>, vector<1x1x16xf32>,
      %get3A_238 = arith.constant 0 : i32
      %get3A_239 = arith.index_cast %get3A_238 : i32 to index
      %get3A_240 = arith.index_cast %scan3A_179 : i32 to index
      %get3A_241 = arith.constant 48 : index
      %get3A_242 = tpu.vector_load %arg11[%get3A_239, %get3A_240, %get3A_241] {strides = array<i32>} : memref<2x80x128xf32, #tpu.memory_space<vmem>>, vector<1x1x16xf32>,
      %get3A_243 = vector.shape_cast %get3A_242 : vector<1x1x16xf32> to vector<16xf32>
      %get3A_244 = arith.constant 0 : i32
      %get3A_245 = arith.index_cast %get3A_244 : i32 to index
      %get3A_246 = arith.index_cast %scan3A_179 : i32 to index
      %get3A_247 = arith.constant 48 : index
      %get3A_248 = tpu.vector_load %arg10[%get3A_245, %get3A_246, %get3A_247] {strides = array<i32>} : memref<2x80x128xf32, #tpu.memory_space<vmem>>, vector<1x1x16xf32>,
      %get3A_249 = vector.shape_cast %get3A_248 : vector<1x1x16xf32> to vector<16xf32>
      %add3A_250 = arith.addf %get3A_243, %get3A_249 : vector<16xf32>
      %swap3A_251 = arith.constant 0 : i32
      %swap3A_252 = arith.index_cast %swap3A_251 : i32 to index
      %swap3A_253 = arith.index_cast %scan3A_179 : i32 to index
      %swap3A_254 = arith.constant 48 : index
      %swap3A_255 = tpu.vector_load %arg11[%swap3A_252, %swap3A_253, %swap3A_254] {strides = array<i32>} : memref<2x80x128xf32, #tpu.memory_space<vmem>>, vector<1x1x16xf32>,
      %swap3A_256 = vector.shape_cast %swap3A_255 : vector<1x1x16xf32> to vector<16xf32>
      %swap3A_257 = vector.shape_cast %add3A_250 : vector<16xf32> to vector<1x1x16xf32>
      tpu.vector_store %arg11[%swap3A_252, %swap3A_253, %swap3A_254], %swap3A_257 {strides = array<i32>} : memref<2x80x128xf32, #tpu.memory_space<vmem>>, vector<1x1x16xf32>,
      %get3A_258 = arith.constant 0 : i32
      %get3A_259 = arith.index_cast %get3A_258 : i32 to index
      %get3A_260 = arith.index_cast %scan3A_179 : i32 to index
      %get3A_261 = arith.constant 64 : index
      %get3A_262 = tpu.vector_load %arg11[%get3A_259, %get3A_260, %get3A_261] {strides = array<i32>} : memref<2x80x128xf32, #tpu.memory_space<vmem>>, vector<1x1x16xf32>,
      %get3A_263 = vector.shape_cast %get3A_262 : vector<1x1x16xf32> to vector<16xf32>
      %get3A_264 = arith.constant 0 : i32
      %get3A_265 = arith.index_cast %get3A_264 : i32 to index
      %get3A_266 = arith.index_cast %scan3A_179 : i32 to index
      %get3A_267 = arith.constant 64 : index
      %get3A_268 = tpu.vector_load %arg10[%get3A_265, %get3A_266, %get3A_267] {strides = array<i32>} : memref<2x80x128xf32, #tpu.memory_space<vmem>>, vector<1x1x16xf32>,
      %get3A_269 = vector.shape_cast %get3A_268 : vector<1x1x16xf32> to vector<16xf32>
      %add3A_270 = arith.addf %get3A_263, %get3A_269 : vector<16xf32>
      %swap3A_271 = arith.constant 0 : i32
      %swap3A_272 = arith.index_cast %swap3A_271 : i32 to index
      %swap3A_273 = arith.index_cast %scan3A_179 : i32 to index
      %swap3A_274 = arith.constant 64 : index
      %swap3A_275 = tpu.vector_load %arg11[%swap3A_272, %swap3A_273, %swap3A_274] {strides = array<i32>} : memref<2x80x128xf32, #tpu.memory_space<vmem>>, vector<1x1x16xf32>,
      %swap3A_276 = vector.shape_cast %swap3A_275 : vector<1x1x16xf32> to vector<16xf32>
      %swap3A_277 = vector.shape_cast %add3A_270 : vector<16xf32> to vector<1x1x16xf32>
      tpu.vector_store %arg11[%swap3A_272, %swap3A_273, %swap3A_274], %swap3A_277 {strides = array<i32>} : memref<2x80x128xf32, #tpu.memory_space<vmem>>, vector<1x1x16xf32>,
      %get3A_278 = arith.constant 0 : i32
      %get3A_279 = arith.index_cast %get3A_278 : i32 to index
      %get3A_280 = arith.index_cast %scan3A_179 : i32 to index
      %get3A_281 = arith.constant 80 : index
      %get3A_282 = tpu.vector_load %arg11[%get3A_279, %get3A_280, %get3A_281] {strides = array<i32>} : memref<2x80x128xf32, #tpu.memory_space<vmem>>, vector<1x1x16xf32>,
      %get3A_283 = vector.shape_cast %get3A_282 : vector<1x1x16xf32> to vector<16xf32>
      %get3A_284 = arith.constant 0 : i32
      %get3A_285 = arith.index_cast %get3A_284 : i32 to index
      %get3A_286 = arith.index_cast %scan3A_179 : i32 to index
      %get3A_287 = arith.constant 80 : index
      %get3A_288 = tpu.vector_load %arg10[%get3A_285, %get3A_286, %get3A_287] {strides = array<i32>} : memref<2x80x128xf32, #tpu.memory_space<vmem>>, vector<1x1x16xf32>,
      %get3A_289 = vector.shape_cast %get3A_288 : vector<1x1x16xf32> to vector<16xf32>
      %add3A_290 = arith.addf %get3A_283, %get3A_289 : vector<16xf32>
      %swap3A_291 = arith.constant 0 : i32
      %swap3A_292 = arith.index_cast %swap3A_291 : i32 to index
      %swap3A_293 = arith.index_cast %scan3A_179 : i32 to index
      %swap3A_294 = arith.constant 80 : index
      %swap3A_295 = tpu.vector_load %arg11[%swap3A_292, %swap3A_293, %swap3A_294] {strides = array<i32>} : memref<2x80x128xf32, #tpu.memory_space<vmem>>, vector<1x1x16xf32>,
      %swap3A_296 = vector.shape_cast %swap3A_295 : vector<1x1x16xf32> to vector<16xf32>
      %swap3A_297 = vector.shape_cast %add3A_290 : vector<16xf32> to vector<1x1x16xf32>
      tpu.vector_store %arg11[%swap3A_292, %swap3A_293, %swap3A_294], %swap3A_297 {strides = array<i32>} : memref<2x80x128xf32, #tpu.memory_space<vmem>>, vector<1x1x16xf32>,
      %get3A_298 = arith.constant 0 : i32
      %get3A_299 = arith.index_cast %get3A_298 : i32 to index
      %get3A_300 = arith.index_cast %scan3A_179 : i32 to index
      %get3A_301 = arith.constant 96 : index
      %get3A_302 = tpu.vector_load %arg11[%get3A_299, %get3A_300, %get3A_301] {strides = array<i32>} : memref<2x80x128xf32, #tpu.memory_space<vmem>>, vector<1x1x16xf32>,
      %get3A_303 = vector.shape_cast %get3A_302 : vector<1x1x16xf32> to vector<16xf32>
      %get3A_304 = arith.constant 0 : i32
      %get3A_305 = arith.index_cast %get3A_304 : i32 to index
      %get3A_306 = arith.index_cast %scan3A_179 : i32 to index
      %get3A_307 = arith.constant 96 : index
      %get3A_308 = tpu.vector_load %arg10[%get3A_305, %get3A_306, %get3A_307] {strides = array<i32>} : memref<2x80x128xf32, #tpu.memory_space<vmem>>, vector<1x1x16xf32>,
      %get3A_309 = vector.shape_cast %get3A_308 : vector<1x1x16xf32> to vector<16xf32>
      %add3A_310 = arith.addf %get3A_303, %get3A_309 : vector<16xf32>
      %swap3A_311 = arith.constant 0 : i32
      %swap3A_312 = arith.index_cast %swap3A_311 : i32 to index
      %swap3A_313 = arith.index_cast %scan3A_179 : i32 to index
      %swap3A_314 = arith.constant 96 : index
      %swap3A_315 = tpu.vector_load %arg11[%swap3A_312, %swap3A_313, %swap3A_314] {strides = array<i32>} : memref<2x80x128xf32, #tpu.memory_space<vmem>>, vector<1x1x16xf32>,
      %swap3A_316 = vector.shape_cast %swap3A_315 : vector<1x1x16xf32> to vector<16xf32>
      %swap3A_317 = vector.shape_cast %add3A_310 : vector<16xf32> to vector<1x1x16xf32>
      tpu.vector_store %arg11[%swap3A_312, %swap3A_313, %swap3A_314], %swap3A_317 {strides = array<i32>} : memref<2x80x128xf32, #tpu.memory_space<vmem>>, vector<1x1x16xf32>,
      %get3A_318 = arith.constant 0 : i32
      %get3A_319 = arith.index_cast %get3A_318 : i32 to index
      %get3A_320 = arith.index_cast %scan3A_179 : i32 to index
      %get3A_321 = arith.constant 112 : index
      %get3A_322 = tpu.vector_load %arg11[%get3A_319, %get3A_320, %get3A_321] {strides = array<i32>} : memref<2x80x128xf32, #tpu.memory_space<vmem>>, vector<1x1x16xf32>,
      %get3A_323 = vector.shape_cast %get3A_322 : vector<1x1x16xf32> to vector<16xf32>
      %get3A_324 = arith.constant 0 : i32
      %get3A_325 = arith.index_cast %get3A_324 : i32 to index
      %get3A_326 = arith.index_cast %scan3A_179 : i32 to index
      %get3A_327 = arith.constant 112 : index
      %get3A_328 = tpu.vector_load %arg10[%get3A_325, %get3A_326, %get3A_327] {strides = array<i32>} : memref<2x80x128xf32, #tpu.memory_space<vmem>>, vector<1x1x16xf32>,
      %get3A_329 = vector.shape_cast %get3A_328 : vector<1x1x16xf32> to vector<16xf32>
      %add3A_330 = arith.addf %get3A_323, %get3A_329 : vector<16xf32>
      %swap3A_331 = arith.constant 0 : i32
      %swap3A_332 = arith.index_cast %swap3A_331 : i32 to index
      %swap3A_333 = arith.index_cast %scan3A_179 : i32 to index
      %swap3A_334 = arith.constant 112 : index
      %swap3A_335 = tpu.vector_load %arg11[%swap3A_332, %swap3A_333, %swap3A_334] {strides = array<i32>} : memref<2x80x128xf32, #tpu.memory_space<vmem>>, vector<1x1x16xf32>,
      %swap3A_336 = vector.shape_cast %swap3A_335 : vector<1x1x16xf32> to vector<16xf32>
      %swap3A_337 = vector.shape_cast %add3A_330 : vector<16xf32> to vector<1x1x16xf32>
      tpu.vector_store %arg11[%swap3A_332, %swap3A_333, %swap3A_334], %swap3A_337 {strides = array<i32>} : memref<2x80x128xf32, #tpu.memory_space<vmem>>, vector<1x1x16xf32>,
    }
    %scan3A_135 = arith.constant 80 : i32
    %add3A_136 = arith.constant 9920 : i32
    %add3A_137 = arith.addi %mul3A_2, %add3A_136 : i32
    %dma_wait3A_138 = arith.constant 0 : i32
    %dma_wait3A_139 = arith.constant 0 : i32
    %dma_wait3A_140 = tpu.memref_slice %arg8[%dma_wait3A_138, %dma_wait3A_139] : memref<2x80xi32, #tpu.memory_space<vmem>> -> memref<1x80xi32, #tpu.memory_space<vmem>>
    %dma_wait3A_141 = tpu.memref_squeeze %dma_wait3A_140 : memref<1x80xi32, #tpu.memory_space<vmem>> -> memref<80xi32, #tpu.memory_space<vmem>>
    %dma_wait3A_142 = tpu.memref_slice %arg3[%add3A_137] : memref<320000xi32, #tpu.memory_space<hbm>> -> memref<80xi32, #tpu.memory_space<hbm>>
    %dma_wait3A_143 = arith.constant 0 : i32
    %dma_wait3A_144 = tpu.memref_slice %arg8[%dma_wait3A_138, %dma_wait3A_143] : memref<2x80xi32, #tpu.memory_space<vmem>> -> memref<1x80xi32, #tpu.memory_space<vmem>>
    %dma_wait3A_145 = tpu.memref_squeeze %dma_wait3A_144 : memref<1x80xi32, #tpu.memory_space<vmem>> -> memref<80xi32, #tpu.memory_space<vmem>>
    %dma_wait3A_146 = tpu.memref_slice %arg3[%add3A_137] : memref<320000xi32, #tpu.memory_space<hbm>> -> memref<80xi32, #tpu.memory_space<hbm>>
    tpu.wait_dma2 semaphore(%arg13 : memref<!tpu.dma_semaphore, #tpu.memory_space<semaphore_mem>>) src(%dma_wait3A_146 : memref<80xi32, #tpu.memory_space<hbm>>) dst(%dma_wait3A_145 : memref<80xi32, #tpu.memory_space<vmem>>)
    %dma_start3A_147 = arith.constant 0 : i32
    %dma_start3A_148 = arith.constant 0 : i32
    %dma_start3A_149 = arith.constant 0 : i32
    %dma_start3A_150 = arith.constant 0 : i32
    %dma_start3A_151 = tpu.memref_slice %arg11[%dma_start3A_147, %dma_start3A_149, %dma_start3A_150] : memref<2x80x128xf32, #tpu.memory_space<vmem>> -> memref<1x80x128xf32, #tpu.memory_space<vmem>>
    %dma_start3A_152 = tpu.memref_squeeze %dma_start3A_151 : memref<1x80x128xf32, #tpu.memory_space<vmem>> -> memref<80x128xf32, #tpu.memory_space<vmem>>
    %dma_start3A_153 = arith.constant 0 : i32
    %dma_start3A_154 = tpu.memref_slice %arg8[%dma_start3A_148, %dma_start3A_153] : memref<2x80xi32, #tpu.memory_space<vmem>> -> memref<1x80xi32, #tpu.memory_space<vmem>>
    %dma_start3A_155 = tpu.memref_squeeze %dma_start3A_154 : memref<1x80xi32, #tpu.memory_space<vmem>> -> memref<80xi32, #tpu.memory_space<vmem>>
    %dma_start3A_156 = arith.constant 0 : i32
    %dma_start3A_157 = arith.constant 0 : i32
    %dma_start3A_158 = tpu.memref_slice %arg12[%dma_start3A_156, %dma_start3A_157] : memref<10112x128xf32, #tpu.memory_space<vmem_shared>> -> memref<10112x128xf32, #tpu.memory_space<vmem_shared>>
    tpu.enqueue_indirect_dma source(%dma_start3A_152 : memref<80x128xf32, #tpu.memory_space<vmem>>) target(%dma_start3A_158 : memref<10112x128xf32, #tpu.memory_space<vmem_shared>>) offsets(%dma_start3A_155 : memref<80xi32, #tpu.memory_space<vmem>>) semaphore(%arg21 : memref<!tpu.dma_semaphore, #tpu.memory_space<semaphore_mem>>) {add = true}
    %dma_wait3A_159 = arith.constant 0 : i32
    %dma_wait3A_160 = arith.constant 0 : i32
    %dma_wait3A_161 = arith.constant 0 : i32
    %dma_wait3A_162 = arith.constant 0 : i32
    %dma_wait3A_163 = tpu.memref_slice %arg11[%dma_wait3A_159, %dma_wait3A_161, %dma_wait3A_162] : memref<2x80x128xf32, #tpu.memory_space<vmem>> -> memref<1x80x128xf32, #tpu.memory_space<vmem>>
    %dma_wait3A_164 = tpu.memref_squeeze %dma_wait3A_163 : memref<1x80x128xf32, #tpu.memory_space<vmem>> -> memref<80x128xf32, #tpu.memory_space<vmem>>
    %dma_wait3A_165 = arith.constant 0 : i32
    %dma_wait3A_166 = tpu.memref_slice %arg8[%dma_wait3A_160, %dma_wait3A_165] : memref<2x80xi32, #tpu.memory_space<vmem>> -> memref<1x80xi32, #tpu.memory_space<vmem>>
    %dma_wait3A_167 = tpu.memref_squeeze %dma_wait3A_166 : memref<1x80xi32, #tpu.memory_space<vmem>> -> memref<80xi32, #tpu.memory_space<vmem>>
    %dma_wait3A_168 = arith.constant 0 : i32
    %dma_wait3A_169 = arith.constant 0 : i32
    %dma_wait3A_170 = tpu.memref_slice %arg12[%dma_wait3A_168, %dma_wait3A_169] : memref<10112x128xf32, #tpu.memory_space<vmem_shared>> -> memref<10112x128xf32, #tpu.memory_space<vmem_shared>>
    tpu.wait_indirect_dma semaphore(%arg21 : memref<!tpu.dma_semaphore, #tpu.memory_space<semaphore_mem>>) src(%dma_wait3A_164 : memref<80x128xf32, #tpu.memory_space<vmem>>) dst(%dma_wait3A_170 : memref<10112x128xf32, #tpu.memory_space<vmem_shared>>)
    %barrier3A_171 = arith.constant 0 : index
    tpu.barrier barrier_id(%barrier3A_171)
    %mul3A_172 = arith.constant 632 : i32
    %mul3A_173 = arith.muli %arg1, %mul3A_172 : i32
    %mul3A_174 = arith.constant 10112 : i32
    %mul3A_175 = arith.muli %arg0, %mul3A_174 : i32
    %mul3A_176 = arith.constant 632 : i32
    %mul3A_177 = arith.muli %arg1, %mul3A_176 : i32
    %add3A_178 = arith.addi %mul3A_175, %mul3A_177 : i32
    "tpu.region"() ({
      %run_scoped3A = tpu.sem_alloc : memref<!tpu.dma_semaphore, #tpu.memory_space<semaphore_mem>>
      %dma_start3A_179 = arith.constant 0 : i32
      %dma_start3A_180 = tpu.memref_slice %arg7[%add3A_178, %dma_start3A_179] : memref<20224x128xf32, #tpu.memory_space<hbm>> -> memref<632x128xf32, #tpu.memory_space<hbm>>
      %dma_start3A_181 = arith.constant 0 : i32
      %dma_start3A_182 = tpu.memref_slice %arg12[%mul3A_173, %dma_start3A_181] : memref<10112x128xf32, #tpu.memory_space<vmem_shared>> -> memref<632x128xf32, #tpu.memory_space<vmem_shared>>
      tpu.enqueue_dma source(%dma_start3A_182 : memref<632x128xf32, #tpu.memory_space<vmem_shared>>) target(%dma_start3A_180 : memref<632x128xf32, #tpu.memory_space<hbm>>) target_semaphore(%run_scoped3A : memref<!tpu.dma_semaphore, #tpu.memory_space<semaphore_mem>>)
      %dma_wait3A_183 = arith.constant 0 : i32
      %dma_wait3A_184 = tpu.memref_slice %arg7[%add3A_178, %dma_wait3A_183] : memref<20224x128xf32, #tpu.memory_space<hbm>> -> memref<632x128xf32, #tpu.memory_space<hbm>>
      %dma_wait3A_185 = arith.constant 0 : i32
      %dma_wait3A_186 = tpu.memref_slice %arg12[%mul3A_173, %dma_wait3A_185] : memref<10112x128xf32, #tpu.memory_space<vmem_shared>> -> memref<632x128xf32, #tpu.memory_space<vmem_shared>>
      tpu.wait_dma2 semaphore(%run_scoped3A : memref<!tpu.dma_semaphore, #tpu.memory_space<semaphore_mem>>) src(%dma_wait3A_186 : memref<632x128xf32, #tpu.memory_space<vmem_shared>>) dst(%dma_wait3A_184 : memref<632x128xf32, #tpu.memory_space<hbm>>)
      tpu.yield
    }) : () -> ()
    return
  }
}

#map = affine_map<(d0, d1) -> (0, 0)>
#map1 = affine_map<(d0, d1) -> (0)>
module attributes {stable_mosaic.version = 14 : i64} {
  func.func @_sc_scatter_body(%arg0: i32, %arg1: i32, %arg2: memref<10000x128xf32, #tpu.memory_space<hbm>>, %arg3: memref<320000xi32, #tpu.memory_space<hbm>>, %arg4: memref<320000xi32, #tpu.memory_space<hbm>>, %arg5: memref<320000x128xf32, #tpu.memory_space<hbm>>, %arg6: memref<10112x128xf32, #tpu.memory_space<hbm>>, %arg7: memref<20224x128xf32, #tpu.memory_space<hbm>>, %arg8: memref<2x80xi32, #tpu.memory_space<vmem>>, %arg9: memref<2x80xi32, #tpu.memory_space<vmem>>, %arg10: memref<2x80x128xf32, #tpu.memory_space<vmem>>, %arg11: memref<2x80x128xf32, #tpu.memory_space<vmem>>, %arg12: memref<10112x128xf32, #tpu.memory_space<vmem_shared>>, %arg13: memref<!tpu.dma_semaphore, #tpu.memory_space<semaphore_mem>>, %arg14: memref<!tpu.dma_semaphore, #tpu.memory_space<semaphore_mem>>, %arg15: memref<!tpu.dma_semaphore, #tpu.memory_space<semaphore_mem>>, %arg16: memref<!tpu.dma_semaphore, #tpu.memory_space<semaphore_mem>>, %arg17: memref<!tpu.dma_semaphore, #tpu.memory_space<semaphore_mem>>, %arg18: memref<!tpu.dma_semaphore, #tpu.memory_space<semaphore_mem>>, %arg19: memref<!tpu.dma_semaphore, #tpu.memory_space<semaphore_mem>>, %arg20: memref<!tpu.dma_semaphore, #tpu.memory_space<semaphore_mem>>, %arg21: memref<!tpu.dma_semaphore, #tpu.memory_space<semaphore_mem>>, %arg22: memref<!tpu.dma_semaphore, #tpu.memory_space<semaphore_mem>>) attributes {dimension_semantics = [#tpu.dimension_semantics<core_parallel>, #tpu.dimension_semantics<subcore_parallel>], iteration_bounds = array<i64: 2, 16>, scalar_prefetch = 0 : i64, scratch_operands = 15 : i64, tpu.core_type = #tpu.core_type<sc_vector_subcore>, window_params = [{transform_indices = #map}, {transform_indices = #map1}, {transform_indices = #map1}, {transform_indices = #map}, {transform_indices = #map}, {transform_indices = #map}]} {
    %mul3A = arith.constant 16 : i32
    %mul3A_0 = arith.muli %arg0, %mul3A : i32
    %add3A = arith.addi %mul3A_0, %arg1 : i32
    %mul3A_1 = arith.constant 10000 : i32
    %mul3A_2 = arith.muli %add3A, %mul3A_1 : i32
    %mul3A_3 = arith.constant 632 : i32
    %mul3A_4 = arith.muli %arg1, %mul3A_3 : i32
    %mul3A_5 = arith.constant 632 : i32
    %mul3A_6 = arith.muli %arg1, %mul3A_5 : i32
    "tpu.region"() ({
      %run_scoped3A = tpu.sem_alloc : memref<!tpu.dma_semaphore, #tpu.memory_space<semaphore_mem>>
      %dma_start3A_179 = arith.constant 0 : i32
      %dma_start3A_180 = tpu.memref_slice %arg12[%mul3A_6, %dma_start3A_179] : memref<10112x128xf32, #tpu.memory_space<vmem_shared>> -> memref<632x128xf32, #tpu.memory_space<vmem_shared>>
      %dma_start3A_181 = arith.constant 0 : i32
      %dma_start3A_182 = tpu.memref_slice %arg6[%mul3A_4, %dma_start3A_181] : memref<10112x128xf32, #tpu.memory_space<hbm>> -> memref<632x128xf32, #tpu.memory_space<hbm>>
      tpu.enqueue_dma source(%dma_start3A_182 : memref<632x128xf32, #tpu.memory_space<hbm>>) target(%dma_start3A_180 : memref<632x128xf32, #tpu.memory_space<vmem_shared>>) target_semaphore(%run_scoped3A : memref<!tpu.dma_semaphore, #tpu.memory_space<semaphore_mem>>)
      %dma_wait3A_183 = arith.constant 0 : i32
      %dma_wait3A_184 = tpu.memref_slice %arg12[%mul3A_6, %dma_wait3A_183] : memref<10112x128xf32, #tpu.memory_space<vmem_shared>> -> memref<632x128xf32, #tpu.memory_space<vmem_shared>>
      %dma_wait3A_185 = arith.constant 0 : i32
      %dma_wait3A_186 = tpu.memref_slice %arg6[%mul3A_4, %dma_wait3A_185] : memref<10112x128xf32, #tpu.memory_space<hbm>> -> memref<632x128xf32, #tpu.memory_space<hbm>>
      tpu.wait_dma2 semaphore(%run_scoped3A : memref<!tpu.dma_semaphore, #tpu.memory_space<semaphore_mem>>) src(%dma_wait3A_186 : memref<632x128xf32, #tpu.memory_space<hbm>>) dst(%dma_wait3A_184 : memref<632x128xf32, #tpu.memory_space<vmem_shared>>)
      tpu.yield
    }) : () -> ()
    %barrier3A = arith.constant 0 : index
    tpu.barrier barrier_id(%barrier3A)
    %add3A_7 = arith.constant 0 : i32
    %add3A_8 = arith.addi %mul3A_2, %add3A_7 : i32
    %dma_start3A = arith.constant 0 : i32
    %dma_start3A_9 = arith.constant 0 : i32
    %dma_start3A_10 = tpu.memref_slice %arg9[%dma_start3A, %dma_start3A_9] : memref<2x80xi32, #tpu.memory_space<vmem>> -> memref<1x80xi32, #tpu.memory_space<vmem>>
    %dma_start3A_11 = tpu.memref_squeeze %dma_start3A_10 : memref<1x80xi32, #tpu.memory_space<vmem>> -> memref<80xi32, #tpu.memory_space<vmem>>
    %dma_start3A_12 = tpu.memref_slice %arg4[%add3A_8] : memref<320000xi32, #tpu.memory_space<hbm>> -> memref<80xi32, #tpu.memory_space<hbm>>
    %dma_start3A_13 = arith.constant 0 : i32
    %dma_start3A_14 = tpu.memref_slice %arg9[%dma_start3A, %dma_start3A_13] : memref<2x80xi32, #tpu.memory_space<vmem>> -> memref<1x80xi32, #tpu.memory_space<vmem>>
    %dma_start3A_15 = tpu.memref_squeeze %dma_start3A_14 : memref<1x80xi32, #tpu.memory_space<vmem>> -> memref<80xi32, #tpu.memory_space<vmem>>
    %dma_start3A_16 = tpu.memref_slice %arg4[%add3A_8] : memref<320000xi32, #tpu.memory_space<hbm>> -> memref<80xi32, #tpu.memory_space<hbm>>
    tpu.enqueue_dma source(%dma_start3A_16 : memref<80xi32, #tpu.memory_space<hbm>>) target(%dma_start3A_15 : memref<80xi32, #tpu.memory_space<vmem>>) target_semaphore(%arg15 : memref<!tpu.dma_semaphore, #tpu.memory_space<semaphore_mem>>)
    %dma_start3A_17 = arith.constant 0 : i32
    %dma_start3A_18 = arith.constant 0 : i32
    %dma_start3A_19 = arith.constant 0 : i32
    %dma_start3A_20 = tpu.memref_slice %arg10[%dma_start3A_17, %dma_start3A_18, %dma_start3A_19] : memref<2x80x128xf32, #tpu.memory_space<vmem>> -> memref<1x80x128xf32, #tpu.memory_space<vmem>>
    %dma_start3A_21 = tpu.memref_squeeze %dma_start3A_20 : memref<1x80x128xf32, #tpu.memory_space<vmem>> -> memref<80x128xf32, #tpu.memory_space<vmem>>
    %dma_start3A_22 = arith.constant 0 : i32
    %dma_start3A_23 = tpu.memref_slice %arg5[%add3A_8, %dma_start3A_22] : memref<320000x128xf32, #tpu.memory_space<hbm>> -> memref<80x128xf32, #tpu.memory_space<hbm>>
    %dma_start3A_24 = arith.constant 0 : i32
    %dma_start3A_25 = arith.constant 0 : i32
    %dma_start3A_26 = tpu.memref_slice %arg10[%dma_start3A_17, %dma_start3A_24, %dma_start3A_25] : memref<2x80x128xf32, #tpu.memory_space<vmem>> -> memref<1x80x128xf32, #tpu.memory_space<vmem>>
    %dma_start3A_27 = tpu.memref_squeeze %dma_start3A_26 : memref<1x80x128xf32, #tpu.memory_space<vmem>> -> memref<80x128xf32, #tpu.memory_space<vmem>>
    %dma_start3A_28 = arith.constant 0 : i32
    %dma_start3A_29 = tpu.memref_slice %arg5[%add3A_8, %dma_start3A_28] : memref<320000x128xf32, #tpu.memory_space<hbm>> -> memref<80x128xf32, #tpu.memory_space<hbm>>
    tpu.enqueue_dma source(%dma_start3A_29 : memref<80x128xf32, #tpu.memory_space<hbm>>) target(%dma_start3A_27 : memref<80x128xf32, #tpu.memory_space<vmem>>) target_semaphore(%arg17 : memref<!tpu.dma_semaphore, #tpu.memory_space<semaphore_mem>>)
    %add3A_30 = arith.constant 0 : i32
    %add3A_31 = arith.addi %mul3A_2, %add3A_30 : i32
    %dma_start3A_32 = arith.constant 0 : i32
    %dma_start3A_33 = arith.constant 0 : i32
    %dma_start3A_34 = tpu.memref_slice %arg8[%dma_start3A_32, %dma_start3A_33] : memref<2x80xi32, #tpu.memory_space<vmem>> -> memref<1x80xi32, #tpu.memory_space<vmem>>
    %dma_start3A_35 = tpu.memref_squeeze %dma_start3A_34 : memref<1x80xi32, #tpu.memory_space<vmem>> -> memref<80xi32, #tpu.memory_space<vmem>>
    %dma_start3A_36 = tpu.memref_slice %arg3[%add3A_31] : memref<320000xi32, #tpu.memory_space<hbm>> -> memref<80xi32, #tpu.memory_space<hbm>>
    %dma_start3A_37 = arith.constant 0 : i32
    %dma_start3A_38 = tpu.memref_slice %arg8[%dma_start3A_32, %dma_start3A_37] : memref<2x80xi32, #tpu.memory_space<vmem>> -> memref<1x80xi32, #tpu.memory_space<vmem>>
    %dma_start3A_39 = tpu.memref_squeeze %dma_start3A_38 : memref<1x80xi32, #tpu.memory_space<vmem>> -> memref<80xi32, #tpu.memory_space<vmem>>
    %dma_start3A_40 = tpu.memref_slice %arg3[%add3A_31] : memref<320000xi32, #tpu.memory_space<hbm>> -> memref<80xi32, #tpu.memory_space<hbm>>
    tpu.enqueue_dma source(%dma_start3A_40 : memref<80xi32, #tpu.memory_space<hbm>>) target(%dma_start3A_39 : memref<80xi32, #tpu.memory_space<vmem>>) target_semaphore(%arg13 : memref<!tpu.dma_semaphore, #tpu.memory_space<semaphore_mem>>)
    %add3A_41 = arith.constant 80 : i32
    %add3A_42 = arith.addi %mul3A_2, %add3A_41 : i32
    %dma_start3A_43 = arith.constant 1 : i32
    %dma_start3A_44 = arith.constant 0 : i32
    %dma_start3A_45 = tpu.memref_slice %arg9[%dma_start3A_43, %dma_start3A_44] : memref<2x80xi32, #tpu.memory_space<vmem>> -> memref<1x80xi32, #tpu.memory_space<vmem>>
    %dma_start3A_46 = tpu.memref_squeeze %dma_start3A_45 : memref<1x80xi32, #tpu.memory_space<vmem>> -> memref<80xi32, #tpu.memory_space<vmem>>
    %dma_start3A_47 = tpu.memref_slice %arg4[%add3A_42] : memref<320000xi32, #tpu.memory_space<hbm>> -> memref<80xi32, #tpu.memory_space<hbm>>
    %dma_start3A_48 = arith.constant 0 : i32
    %dma_start3A_49 = tpu.memref_slice %arg9[%dma_start3A_43, %dma_start3A_48] : memref<2x80xi32, #tpu.memory_space<vmem>> -> memref<1x80xi32, #tpu.memory_space<vmem>>
    %dma_start3A_50 = tpu.memref_squeeze %dma_start3A_49 : memref<1x80xi32, #tpu.memory_space<vmem>> -> memref<80xi32, #tpu.memory_space<vmem>>
    %dma_start3A_51 = tpu.memref_slice %arg4[%add3A_42] : memref<320000xi32, #tpu.memory_space<hbm>> -> memref<80xi32, #tpu.memory_space<hbm>>
    tpu.enqueue_dma source(%dma_start3A_51 : memref<80xi32, #tpu.memory_space<hbm>>) target(%dma_start3A_50 : memref<80xi32, #tpu.memory_space<vmem>>) target_semaphore(%arg16 : memref<!tpu.dma_semaphore, #tpu.memory_space<semaphore_mem>>)
    %dma_start3A_52 = arith.constant 1 : i32
    %dma_start3A_53 = arith.constant 0 : i32
    %dma_start3A_54 = arith.constant 0 : i32
    %dma_start3A_55 = tpu.memref_slice %arg10[%dma_start3A_52, %dma_start3A_53, %dma_start3A_54] : memref<2x80x128xf32, #tpu.memory_space<vmem>> -> memref<1x80x128xf32, #tpu.memory_space<vmem>>
    %dma_start3A_56 = tpu.memref_squeeze %dma_start3A_55 : memref<1x80x128xf32, #tpu.memory_space<vmem>> -> memref<80x128xf32, #tpu.memory_space<vmem>>
    %dma_start3A_57 = arith.constant 0 : i32
    %dma_start3A_58 = tpu.memref_slice %arg5[%add3A_42, %dma_start3A_57] : memref<320000x128xf32, #tpu.memory_space<hbm>> -> memref<80x128xf32, #tpu.memory_space<hbm>>
    %dma_start3A_59 = arith.constant 0 : i32
    %dma_start3A_60 = arith.constant 0 : i32
    %dma_start3A_61 = tpu.memref_slice %arg10[%dma_start3A_52, %dma_start3A_59, %dma_start3A_60] : memref<2x80x128xf32, #tpu.memory_space<vmem>> -> memref<1x80x128xf32, #tpu.memory_space<vmem>>
    %dma_start3A_62 = tpu.memref_squeeze %dma_start3A_61 : memref<1x80x128xf32, #tpu.memory_space<vmem>> -> memref<80x128xf32, #tpu.memory_space<vmem>>
    %dma_start3A_63 = arith.constant 0 : i32
    %dma_start3A_64 = tpu.memref_slice %arg5[%add3A_42, %dma_start3A_63] : memref<320000x128xf32, #tpu.memory_space<hbm>> -> memref<80x128xf32, #tpu.memory_space<hbm>>
    tpu.enqueue_dma source(%dma_start3A_64 : memref<80x128xf32, #tpu.memory_space<hbm>>) target(%dma_start3A_62 : memref<80x128xf32, #tpu.memory_space<vmem>>) target_semaphore(%arg18 : memref<!tpu.dma_semaphore, #tpu.memory_space<semaphore_mem>>)
    %add3A_65 = arith.constant 80 : i32
    %add3A_66 = arith.addi %mul3A_2, %add3A_65 : i32
    %dma_start3A_67 = arith.constant 1 : i32
    %dma_start3A_68 = arith.constant 0 : i32
    %dma_start3A_69 = tpu.memref_slice %arg8[%dma_start3A_67, %dma_start3A_68] : memref<2x80xi32, #tpu.memory_space<vmem>> -> memref<1x80xi32, #tpu.memory_space<vmem>>
    %dma_start3A_70 = tpu.memref_squeeze %dma_start3A_69 : memref<1x80xi32, #tpu.memory_space<vmem>> -> memref<80xi32, #tpu.memory_space<vmem>>
    %dma_start3A_71 = tpu.memref_slice %arg3[%add3A_66] : memref<320000xi32, #tpu.memory_space<hbm>> -> memref<80xi32, #tpu.memory_space<hbm>>
    %dma_start3A_72 = arith.constant 0 : i32
    %dma_start3A_73 = tpu.memref_slice %arg8[%dma_start3A_67, %dma_start3A_72] : memref<2x80xi32, #tpu.memory_space<vmem>> -> memref<1x80xi32, #tpu.memory_space<vmem>>
    %dma_start3A_74 = tpu.memref_squeeze %dma_start3A_73 : memref<1x80xi32, #tpu.memory_space<vmem>> -> memref<80xi32, #tpu.memory_space<vmem>>
    %dma_start3A_75 = tpu.memref_slice %arg3[%add3A_66] : memref<320000xi32, #tpu.memory_space<hbm>> -> memref<80xi32, #tpu.memory_space<hbm>>
    tpu.enqueue_dma source(%dma_start3A_75 : memref<80xi32, #tpu.memory_space<hbm>>) target(%dma_start3A_74 : memref<80xi32, #tpu.memory_space<vmem>>) target_semaphore(%arg14 : memref<!tpu.dma_semaphore, #tpu.memory_space<semaphore_mem>>)
    %scan3A = arith.constant 0 : i32
    %scan3A_76 = arith.constant 0 : i32
    %scan3A_77 = arith.constant 62 : i32
    %scan3A_78 = arith.addi %scan3A_76, %scan3A_77 : i32
    %scan3A_79 = arith.constant 1 : i32
    scf.for %scan3A_179 = %scan3A_76 to %scan3A_78 step %scan3A_79  : i32 {
      %mul3A_180 = arith.constant 2 : i32
      %mul3A_181 = arith.muli %mul3A_180, %scan3A_179 : i32
      %mul3A_182 = arith.constant 2 : i32
      %mul3A_183 = arith.muli %mul3A_182, %scan3A_179 : i32
      %add3A_184 = arith.constant 1 : i32
      %add3A_185 = arith.addi %mul3A_183, %add3A_184 : i32
      %mul3A_186 = arith.constant 80 : i32
      %mul3A_187 = arith.muli %mul3A_181, %mul3A_186 : i32
      %add3A_188 = arith.addi %mul3A_2, %mul3A_187 : i32
      %dma_wait3A_189 = arith.constant 0 : i32
      %dma_wait3A_190 = arith.constant 0 : i32
      %dma_wait3A_191 = tpu.memref_slice %arg9[%dma_wait3A_189, %dma_wait3A_190] : memref<2x80xi32, #tpu.memory_space<vmem>> -> memref<1x80xi32, #tpu.memory_space<vmem>>
      %dma_wait3A_192 = tpu.memref_squeeze %dma_wait3A_191 : memref<1x80xi32, #tpu.memory_space<vmem>> -> memref<80xi32, #tpu.memory_space<vmem>>
      %dma_wait3A_193 = tpu.memref_slice %arg4[%add3A_188] : memref<320000xi32, #tpu.memory_space<hbm>> -> memref<80xi32, #tpu.memory_space<hbm>>
      %dma_wait3A_194 = arith.constant 0 : i32
      %dma_wait3A_195 = tpu.memref_slice %arg9[%dma_wait3A_189, %dma_wait3A_194] : memref<2x80xi32, #tpu.memory_space<vmem>> -> memref<1x80xi32, #tpu.memory_space<vmem>>
      %dma_wait3A_196 = tpu.memref_squeeze %dma_wait3A_195 : memref<1x80xi32, #tpu.memory_space<vmem>> -> memref<80xi32, #tpu.memory_space<vmem>>
      %dma_wait3A_197 = tpu.memref_slice %arg4[%add3A_188] : memref<320000xi32, #tpu.memory_space<hbm>> -> memref<80xi32, #tpu.memory_space<hbm>>
      tpu.wait_dma2 semaphore(%arg15 : memref<!tpu.dma_semaphore, #tpu.memory_space<semaphore_mem>>) src(%dma_wait3A_197 : memref<80xi32, #tpu.memory_space<hbm>>) dst(%dma_wait3A_196 : memref<80xi32, #tpu.memory_space<vmem>>)
      %dma_start3A_198 = arith.constant 0 : i32
      %dma_start3A_199 = arith.constant 0 : i32
      %dma_start3A_200 = arith.constant 0 : i32
      %dma_start3A_201 = arith.constant 0 : i32
      %dma_start3A_202 = tpu.memref_slice %arg11[%dma_start3A_199, %dma_start3A_200, %dma_start3A_201] : memref<2x80x128xf32, #tpu.memory_space<vmem>> -> memref<1x80x128xf32, #tpu.memory_space<vmem>>
      %dma_start3A_203 = tpu.memref_squeeze %dma_start3A_202 : memref<1x80x128xf32, #tpu.memory_space<vmem>> -> memref<80x128xf32, #tpu.memory_space<vmem>>
      %dma_start3A_204 = arith.constant 0 : i32
      %dma_start3A_205 = tpu.memref_slice %arg9[%dma_start3A_198, %dma_start3A_204] : memref<2x80xi32, #tpu.memory_space<vmem>> -> memref<1x80xi32, #tpu.memory_space<vmem>>
      %dma_start3A_206 = tpu.memref_squeeze %dma_start3A_205 : memref<1x80xi32, #tpu.memory_space<vmem>> -> memref<80xi32, #tpu.memory_space<vmem>>
      %dma_start3A_207 = arith.constant 0 : i32
      %dma_start3A_208 = arith.constant 0 : i32
      %dma_start3A_209 = tpu.memref_slice %arg2[%dma_start3A_207, %dma_start3A_208] : memref<10000x128xf32, #tpu.memory_space<hbm>> -> memref<10000x128xf32, #tpu.memory_space<hbm>>
      tpu.enqueue_indirect_dma source(%dma_start3A_209 : memref<10000x128xf32, #tpu.memory_space<hbm>>) target(%dma_start3A_203 : memref<80x128xf32, #tpu.memory_space<vmem>>) offsets(%dma_start3A_206 : memref<80xi32, #tpu.memory_space<vmem>>) semaphore(%arg19 : memref<!tpu.dma_semaphore, #tpu.memory_space<semaphore_mem>>)
      %mul3A_210 = arith.constant 80 : i32
      %mul3A_211 = arith.muli %add3A_185, %mul3A_210 : i32
      %add3A_212 = arith.addi %mul3A_2, %mul3A_211 : i32
      %dma_wait3A_213 = arith.constant 1 : i32
      %dma_wait3A_214 = arith.constant 0 : i32
      %dma_wait3A_215 = tpu.memref_slice %arg9[%dma_wait3A_213, %dma_wait3A_214] : memref<2x80xi32, #tpu.memory_space<vmem>> -> memref<1x80xi32, #tpu.memory_space<vmem>>
      %dma_wait3A_216 = tpu.memref_squeeze %dma_wait3A_215 : memref<1x80xi32, #tpu.memory_space<vmem>> -> memref<80xi32, #tpu.memory_space<vmem>>
      %dma_wait3A_217 = tpu.memref_slice %arg4[%add3A_212] : memref<320000xi32, #tpu.memory_space<hbm>> -> memref<80xi32, #tpu.memory_space<hbm>>
      %dma_wait3A_218 = arith.constant 0 : i32
      %dma_wait3A_219 = tpu.memref_slice %arg9[%dma_wait3A_213, %dma_wait3A_218] : memref<2x80xi32, #tpu.memory_space<vmem>> -> memref<1x80xi32, #tpu.memory_space<vmem>>
      %dma_wait3A_220 = tpu.memref_squeeze %dma_wait3A_219 : memref<1x80xi32, #tpu.memory_space<vmem>> -> memref<80xi32, #tpu.memory_space<vmem>>
      %dma_wait3A_221 = tpu.memref_slice %arg4[%add3A_212] : memref<320000xi32, #tpu.memory_space<hbm>> -> memref<80xi32, #tpu.memory_space<hbm>>
      tpu.wait_dma2 semaphore(%arg16 : memref<!tpu.dma_semaphore, #tpu.memory_space<semaphore_mem>>) src(%dma_wait3A_221 : memref<80xi32, #tpu.memory_space<hbm>>) dst(%dma_wait3A_220 : memref<80xi32, #tpu.memory_space<vmem>>)
      %dma_start3A_222 = arith.constant 1 : i32
      %dma_start3A_223 = arith.constant 1 : i32
      %dma_start3A_224 = arith.constant 0 : i32
      %dma_start3A_225 = arith.constant 0 : i32
      %dma_start3A_226 = tpu.memref_slice %arg11[%dma_start3A_223, %dma_start3A_224, %dma_start3A_225] : memref<2x80x128xf32, #tpu.memory_space<vmem>> -> memref<1x80x128xf32, #tpu.memory_space<vmem>>
      %dma_start3A_227 = tpu.memref_squeeze %dma_start3A_226 : memref<1x80x128xf32, #tpu.memory_space<vmem>> -> memref<80x128xf32, #tpu.memory_space<vmem>>
      %dma_start3A_228 = arith.constant 0 : i32
      %dma_start3A_229 = tpu.memref_slice %arg9[%dma_start3A_222, %dma_start3A_228] : memref<2x80xi32, #tpu.memory_space<vmem>> -> memref<1x80xi32, #tpu.memory_space<vmem>>
      %dma_start3A_230 = tpu.memref_squeeze %dma_start3A_229 : memref<1x80xi32, #tpu.memory_space<vmem>> -> memref<80xi32, #tpu.memory_space<vmem>>
      %dma_start3A_231 = arith.constant 0 : i32
      %dma_start3A_232 = arith.constant 0 : i32
      %dma_start3A_233 = tpu.memref_slice %arg2[%dma_start3A_231, %dma_start3A_232] : memref<10000x128xf32, #tpu.memory_space<hbm>> -> memref<10000x128xf32, #tpu.memory_space<hbm>>
      tpu.enqueue_indirect_dma source(%dma_start3A_233 : memref<10000x128xf32, #tpu.memory_space<hbm>>) target(%dma_start3A_227 : memref<80x128xf32, #tpu.memory_space<vmem>>) offsets(%dma_start3A_230 : memref<80xi32, #tpu.memory_space<vmem>>) semaphore(%arg20 : memref<!tpu.dma_semaphore, #tpu.memory_space<semaphore_mem>>)
      %dma_wait3A_234 = arith.constant 0 : i32
      %dma_wait3A_235 = arith.constant 0 : i32
      %dma_wait3A_236 = arith.constant 0 : i32
      %dma_wait3A_237 = arith.constant 0 : i32
      %dma_wait3A_238 = tpu.memref_slice %arg11[%dma_wait3A_235, %dma_wait3A_236, %dma_wait3A_237] : memref<2x80x128xf32, #tpu.memory_space<vmem>> -> memref<1x80x128xf32, #tpu.memory_space<vmem>>
      %dma_wait3A_239 = tpu.memref_squeeze %dma_wait3A_238 : memref<1x80x128xf32, #tpu.memory_space<vmem>> -> memref<80x128xf32, #tpu.memory_space<vmem>>
      %dma_wait3A_240 = arith.constant 0 : i32
      %dma_wait3A_241 = tpu.memref_slice %arg9[%dma_wait3A_234, %dma_wait3A_240] : memref<2x80xi32, #tpu.memory_space<vmem>> -> memref<1x80xi32, #tpu.memory_space<vmem>>
      %dma_wait3A_242 = tpu.memref_squeeze %dma_wait3A_241 : memref<1x80xi32, #tpu.memory_space<vmem>> -> memref<80xi32, #tpu.memory_space<vmem>>
      %dma_wait3A_243 = arith.constant 0 : i32
      %dma_wait3A_244 = arith.constant 0 : i32
      %dma_wait3A_245 = tpu.memref_slice %arg2[%dma_wait3A_243, %dma_wait3A_244] : memref<10000x128xf32, #tpu.memory_space<hbm>> -> memref<10000x128xf32, #tpu.memory_space<hbm>>
      tpu.wait_indirect_dma semaphore(%arg19 : memref<!tpu.dma_semaphore, #tpu.memory_space<semaphore_mem>>) src(%dma_wait3A_245 : memref<10000x128xf32, #tpu.memory_space<hbm>>) dst(%dma_wait3A_239 : memref<80x128xf32, #tpu.memory_space<vmem>>)
      %mul3A_246 = arith.constant 80 : i32
      %mul3A_247 = arith.muli %mul3A_181, %mul3A_246 : i32
      %add3A_248 = arith.addi %mul3A_2, %mul3A_247 : i32
      %dma_wait3A_249 = arith.constant 0 : i32
      %dma_wait3A_250 = arith.constant 0 : i32
      %dma_wait3A_251 = arith.constant 0 : i32
      %dma_wait3A_252 = tpu.memref_slice %arg10[%dma_wait3A_249, %dma_wait3A_250, %dma_wait3A_251] : memref<2x80x128xf32, #tpu.memory_space<vmem>> -> memref<1x80x128xf32, #tpu.memory_space<vmem>>
      %dma_wait3A_253 = tpu.memref_squeeze %dma_wait3A_252 : memref<1x80x128xf32, #tpu.memory_space<vmem>> -> memref<80x128xf32, #tpu.memory_space<vmem>>
      %dma_wait3A_254 = arith.constant 0 : i32
      %dma_wait3A_255 = tpu.memref_slice %arg5[%add3A_248, %dma_wait3A_254] : memref<320000x128xf32, #tpu.memory_space<hbm>> -> memref<80x128xf32, #tpu.memory_space<hbm>>
      %dma_wait3A_256 = arith.constant 0 : i32
      %dma_wait3A_257 = arith.constant 0 : i32
      %dma_wait3A_258 = tpu.memref_slice %arg10[%dma_wait3A_249, %dma_wait3A_256, %dma_wait3A_257] : memref<2x80x128xf32, #tpu.memory_space<vmem>> -> memref<1x80x128xf32, #tpu.memory_space<vmem>>
      %dma_wait3A_259 = tpu.memref_squeeze %dma_wait3A_258 : memref<1x80x128xf32, #tpu.memory_space<vmem>> -> memref<80x128xf32, #tpu.memory_space<vmem>>
      %dma_wait3A_260 = arith.constant 0 : i32
      %dma_wait3A_261 = tpu.memref_slice %arg5[%add3A_248, %dma_wait3A_260] : memref<320000x128xf32, #tpu.memory_space<hbm>> -> memref<80x128xf32, #tpu.memory_space<hbm>>
      tpu.wait_dma2 semaphore(%arg17 : memref<!tpu.dma_semaphore, #tpu.memory_space<semaphore_mem>>) src(%dma_wait3A_261 : memref<80x128xf32, #tpu.memory_space<hbm>>) dst(%dma_wait3A_259 : memref<80x128xf32, #tpu.memory_space<vmem>>)
      %scan3A_262 = arith.constant 0 : i32
      %scan3A_263 = arith.constant 0 : i32
      %scan3A_264 = arith.constant 80 : i32
      %scan3A_265 = arith.addi %scan3A_263, %scan3A_264 : i32
      %scan3A_266 = arith.constant 1 : i32
      scf.for %scan3A_399 = %scan3A_263 to %scan3A_265 step %scan3A_266  : i32 {
        %get3A = arith.constant 0 : i32
        %get3A_400 = arith.index_cast %get3A : i32 to index
        %get3A_401 = arith.index_cast %scan3A_399 : i32 to index
        %get3A_402 = arith.constant 0 : index
        %get3A_403 = tpu.vector_load %arg11[%get3A_400, %get3A_401, %get3A_402] {strides = array<i32>} : memref<2x80x128xf32, #tpu.memory_space<vmem>>, vector<1x1x16xf32>,
        %get3A_404 = vector.shape_cast %get3A_403 : vector<1x1x16xf32> to vector<16xf32>
        %get3A_405 = arith.constant 0 : i32
        %get3A_406 = arith.index_cast %get3A_405 : i32 to index
        %get3A_407 = arith.index_cast %scan3A_399 : i32 to index
        %get3A_408 = arith.constant 0 : index
        %get3A_409 = tpu.vector_load %arg10[%get3A_406, %get3A_407, %get3A_408] {strides = array<i32>} : memref<2x80x128xf32, #tpu.memory_space<vmem>>, vector<1x1x16xf32>,
        %get3A_410 = vector.shape_cast %get3A_409 : vector<1x1x16xf32> to vector<16xf32>
        %add3A_411 = arith.addf %get3A_404, %get3A_410 : vector<16xf32>
        %swap3A = arith.constant 0 : i32
        %swap3A_412 = arith.index_cast %swap3A : i32 to index
        %swap3A_413 = arith.index_cast %scan3A_399 : i32 to index
        %swap3A_414 = arith.constant 0 : index
        %swap3A_415 = tpu.vector_load %arg11[%swap3A_412, %swap3A_413, %swap3A_414] {strides = array<i32>} : memref<2x80x128xf32, #tpu.memory_space<vmem>>, vector<1x1x16xf32>,
        %swap3A_416 = vector.shape_cast %swap3A_415 : vector<1x1x16xf32> to vector<16xf32>
        %swap3A_417 = vector.shape_cast %add3A_411 : vector<16xf32> to vector<1x1x16xf32>
        tpu.vector_store %arg11[%swap3A_412, %swap3A_413, %swap3A_414], %swap3A_417 {strides = array<i32>} : memref<2x80x128xf32, #tpu.memory_space<vmem>>, vector<1x1x16xf32>,
        %get3A_418 = arith.constant 0 : i32
        %get3A_419 = arith.index_cast %get3A_418 : i32 to index
        %get3A_420 = arith.index_cast %scan3A_399 : i32 to index
        %get3A_421 = arith.constant 16 : index
        %get3A_422 = tpu.vector_load %arg11[%get3A_419, %get3A_420, %get3A_421] {strides = array<i32>} : memref<2x80x128xf32, #tpu.memory_space<vmem>>, vector<1x1x16xf32>,
        %get3A_423 = vector.shape_cast %get3A_422 : vector<1x1x16xf32> to vector<16xf32>
        %get3A_424 = arith.constant 0 : i32
        %get3A_425 = arith.index_cast %get3A_424 : i32 to index
        %get3A_426 = arith.index_cast %scan3A_399 : i32 to index
        %get3A_427 = arith.constant 16 : index
        %get3A_428 = tpu.vector_load %arg10[%get3A_425, %get3A_426, %get3A_427] {strides = array<i32>} : memref<2x80x128xf32, #tpu.memory_space<vmem>>, vector<1x1x16xf32>,
        %get3A_429 = vector.shape_cast %get3A_428 : vector<1x1x16xf32> to vector<16xf32>
        %add3A_430 = arith.addf %get3A_423, %get3A_429 : vector<16xf32>
        %swap3A_431 = arith.constant 0 : i32
        %swap3A_432 = arith.index_cast %swap3A_431 : i32 to index
        %swap3A_433 = arith.index_cast %scan3A_399 : i32 to index
        %swap3A_434 = arith.constant 16 : index
        %swap3A_435 = tpu.vector_load %arg11[%swap3A_432, %swap3A_433, %swap3A_434] {strides = array<i32>} : memref<2x80x128xf32, #tpu.memory_space<vmem>>, vector<1x1x16xf32>,
        %swap3A_436 = vector.shape_cast %swap3A_435 : vector<1x1x16xf32> to vector<16xf32>
        %swap3A_437 = vector.shape_cast %add3A_430 : vector<16xf32> to vector<1x1x16xf32>
        tpu.vector_store %arg11[%swap3A_432, %swap3A_433, %swap3A_434], %swap3A_437 {strides = array<i32>} : memref<2x80x128xf32, #tpu.memory_space<vmem>>, vector<1x1x16xf32>,
        %get3A_438 = arith.constant 0 : i32
        %get3A_439 = arith.index_cast %get3A_438 : i32 to index
        %get3A_440 = arith.index_cast %scan3A_399 : i32 to index
        %get3A_441 = arith.constant 32 : index
        %get3A_442 = tpu.vector_load %arg11[%get3A_439, %get3A_440, %get3A_441] {strides = array<i32>} : memref<2x80x128xf32, #tpu.memory_space<vmem>>, vector<1x1x16xf32>,
        %get3A_443 = vector.shape_cast %get3A_442 : vector<1x1x16xf32> to vector<16xf32>
        %get3A_444 = arith.constant 0 : i32
        %get3A_445 = arith.index_cast %get3A_444 : i32 to index
        %get3A_446 = arith.index_cast %scan3A_399 : i32 to index
        %get3A_447 = arith.constant 32 : index
        %get3A_448 = tpu.vector_load %arg10[%get3A_445, %get3A_446, %get3A_447] {strides = array<i32>} : memref<2x80x128xf32, #tpu.memory_space<vmem>>, vector<1x1x16xf32>,
        %get3A_449 = vector.shape_cast %get3A_448 : vector<1x1x16xf32> to vector<16xf32>
        %add3A_450 = arith.addf %get3A_443, %get3A_449 : vector<16xf32>
        %swap3A_451 = arith.constant 0 : i32
        %swap3A_452 = arith.index_cast %swap3A_451 : i32 to index
        %swap3A_453 = arith.index_cast %scan3A_399 : i32 to index
        %swap3A_454 = arith.constant 32 : index
        %swap3A_455 = tpu.vector_load %arg11[%swap3A_452, %swap3A_453, %swap3A_454] {strides = array<i32>} : memref<2x80x128xf32, #tpu.memory_space<vmem>>, vector<1x1x16xf32>,
        %swap3A_456 = vector.shape_cast %swap3A_455 : vector<1x1x16xf32> to vector<16xf32>
        %swap3A_457 = vector.shape_cast %add3A_450 : vector<16xf32> to vector<1x1x16xf32>
        tpu.vector_store %arg11[%swap3A_452, %swap3A_453, %swap3A_454], %swap3A_457 {strides = array<i32>} : memref<2x80x128xf32, #tpu.memory_space<vmem>>, vector<1x1x16xf32>,
        %get3A_458 = arith.constant 0 : i32
        %get3A_459 = arith.index_cast %get3A_458 : i32 to index
        %get3A_460 = arith.index_cast %scan3A_399 : i32 to index
        %get3A_461 = arith.constant 48 : index
        %get3A_462 = tpu.vector_load %arg11[%get3A_459, %get3A_460, %get3A_461] {strides = array<i32>} : memref<2x80x128xf32, #tpu.memory_space<vmem>>, vector<1x1x16xf32>,
        %get3A_463 = vector.shape_cast %get3A_462 : vector<1x1x16xf32> to vector<16xf32>
        %get3A_464 = arith.constant 0 : i32
        %get3A_465 = arith.index_cast %get3A_464 : i32 to index
        %get3A_466 = arith.index_cast %scan3A_399 : i32 to index
        %get3A_467 = arith.constant 48 : index
        %get3A_468 = tpu.vector_load %arg10[%get3A_465, %get3A_466, %get3A_467] {strides = array<i32>} : memref<2x80x128xf32, #tpu.memory_space<vmem>>, vector<1x1x16xf32>,
        %get3A_469 = vector.shape_cast %get3A_468 : vector<1x1x16xf32> to vector<16xf32>
        %add3A_470 = arith.addf %get3A_463, %get3A_469 : vector<16xf32>
        %swap3A_471 = arith.constant 0 : i32
        %swap3A_472 = arith.index_cast %swap3A_471 : i32 to index
        %swap3A_473 = arith.index_cast %scan3A_399 : i32 to index
        %swap3A_474 = arith.constant 48 : index
        %swap3A_475 = tpu.vector_load %arg11[%swap3A_472, %swap3A_473, %swap3A_474] {strides = array<i32>} : memref<2x80x128xf32, #tpu.memory_space<vmem>>, vector<1x1x16xf32>,
        %swap3A_476 = vector.shape_cast %swap3A_475 : vector<1x1x16xf32> to vector<16xf32>
        %swap3A_477 = vector.shape_cast %add3A_470 : vector<16xf32> to vector<1x1x16xf32>
        tpu.vector_store %arg11[%swap3A_472, %swap3A_473, %swap3A_474], %swap3A_477 {strides = array<i32>} : memref<2x80x128xf32, #tpu.memory_space<vmem>>, vector<1x1x16xf32>,
        %get3A_478 = arith.constant 0 : i32
        %get3A_479 = arith.index_cast %get3A_478 : i32 to index
        %get3A_480 = arith.index_cast %scan3A_399 : i32 to index
        %get3A_481 = arith.constant 64 : index
        %get3A_482 = tpu.vector_load %arg11[%get3A_479, %get3A_480, %get3A_481] {strides = array<i32>} : memref<2x80x128xf32, #tpu.memory_space<vmem>>, vector<1x1x16xf32>,
        %get3A_483 = vector.shape_cast %get3A_482 : vector<1x1x16xf32> to vector<16xf32>
        %get3A_484 = arith.constant 0 : i32
        %get3A_485 = arith.index_cast %get3A_484 : i32 to index
        %get3A_486 = arith.index_cast %scan3A_399 : i32 to index
        %get3A_487 = arith.constant 64 : index
        %get3A_488 = tpu.vector_load %arg10[%get3A_485, %get3A_486, %get3A_487] {strides = array<i32>} : memref<2x80x128xf32, #tpu.memory_space<vmem>>, vector<1x1x16xf32>,
        %get3A_489 = vector.shape_cast %get3A_488 : vector<1x1x16xf32> to vector<16xf32>
        %add3A_490 = arith.addf %get3A_483, %get3A_489 : vector<16xf32>
        %swap3A_491 = arith.constant 0 : i32
        %swap3A_492 = arith.index_cast %swap3A_491 : i32 to index
        %swap3A_493 = arith.index_cast %scan3A_399 : i32 to index
        %swap3A_494 = arith.constant 64 : index
        %swap3A_495 = tpu.vector_load %arg11[%swap3A_492, %swap3A_493, %swap3A_494] {strides = array<i32>} : memref<2x80x128xf32, #tpu.memory_space<vmem>>, vector<1x1x16xf32>,
        %swap3A_496 = vector.shape_cast %swap3A_495 : vector<1x1x16xf32> to vector<16xf32>
        %swap3A_497 = vector.shape_cast %add3A_490 : vector<16xf32> to vector<1x1x16xf32>
        tpu.vector_store %arg11[%swap3A_492, %swap3A_493, %swap3A_494], %swap3A_497 {strides = array<i32>} : memref<2x80x128xf32, #tpu.memory_space<vmem>>, vector<1x1x16xf32>,
        %get3A_498 = arith.constant 0 : i32
        %get3A_499 = arith.index_cast %get3A_498 : i32 to index
        %get3A_500 = arith.index_cast %scan3A_399 : i32 to index
        %get3A_501 = arith.constant 80 : index
        %get3A_502 = tpu.vector_load %arg11[%get3A_499, %get3A_500, %get3A_501] {strides = array<i32>} : memref<2x80x128xf32, #tpu.memory_space<vmem>>, vector<1x1x16xf32>,
        %get3A_503 = vector.shape_cast %get3A_502 : vector<1x1x16xf32> to vector<16xf32>
        %get3A_504 = arith.constant 0 : i32
        %get3A_505 = arith.index_cast %get3A_504 : i32 to index
        %get3A_506 = arith.index_cast %scan3A_399 : i32 to index
        %get3A_507 = arith.constant 80 : index
        %get3A_508 = tpu.vector_load %arg10[%get3A_505, %get3A_506, %get3A_507] {strides = array<i32>} : memref<2x80x128xf32, #tpu.memory_space<vmem>>, vector<1x1x16xf32>,
        %get3A_509 = vector.shape_cast %get3A_508 : vector<1x1x16xf32> to vector<16xf32>
        %add3A_510 = arith.addf %get3A_503, %get3A_509 : vector<16xf32>
        %swap3A_511 = arith.constant 0 : i32
        %swap3A_512 = arith.index_cast %swap3A_511 : i32 to index
        %swap3A_513 = arith.index_cast %scan3A_399 : i32 to index
        %swap3A_514 = arith.constant 80 : index
        %swap3A_515 = tpu.vector_load %arg11[%swap3A_512, %swap3A_513, %swap3A_514] {strides = array<i32>} : memref<2x80x128xf32, #tpu.memory_space<vmem>>, vector<1x1x16xf32>,
        %swap3A_516 = vector.shape_cast %swap3A_515 : vector<1x1x16xf32> to vector<16xf32>
        %swap3A_517 = vector.shape_cast %add3A_510 : vector<16xf32> to vector<1x1x16xf32>
        tpu.vector_store %arg11[%swap3A_512, %swap3A_513, %swap3A_514], %swap3A_517 {strides = array<i32>} : memref<2x80x128xf32, #tpu.memory_space<vmem>>, vector<1x1x16xf32>,
        %get3A_518 = arith.constant 0 : i32
        %get3A_519 = arith.index_cast %get3A_518 : i32 to index
        %get3A_520 = arith.index_cast %scan3A_399 : i32 to index
        %get3A_521 = arith.constant 96 : index
        %get3A_522 = tpu.vector_load %arg11[%get3A_519, %get3A_520, %get3A_521] {strides = array<i32>} : memref<2x80x128xf32, #tpu.memory_space<vmem>>, vector<1x1x16xf32>,
        %get3A_523 = vector.shape_cast %get3A_522 : vector<1x1x16xf32> to vector<16xf32>
        %get3A_524 = arith.constant 0 : i32
        %get3A_525 = arith.index_cast %get3A_524 : i32 to index
        %get3A_526 = arith.index_cast %scan3A_399 : i32 to index
        %get3A_527 = arith.constant 96 : index
        %get3A_528 = tpu.vector_load %arg10[%get3A_525, %get3A_526, %get3A_527] {strides = array<i32>} : memref<2x80x128xf32, #tpu.memory_space<vmem>>, vector<1x1x16xf32>,
        %get3A_529 = vector.shape_cast %get3A_528 : vector<1x1x16xf32> to vector<16xf32>
        %add3A_530 = arith.addf %get3A_523, %get3A_529 : vector<16xf32>
        %swap3A_531 = arith.constant 0 : i32
        %swap3A_532 = arith.index_cast %swap3A_531 : i32 to index
        %swap3A_533 = arith.index_cast %scan3A_399 : i32 to index
        %swap3A_534 = arith.constant 96 : index
        %swap3A_535 = tpu.vector_load %arg11[%swap3A_532, %swap3A_533, %swap3A_534] {strides = array<i32>} : memref<2x80x128xf32, #tpu.memory_space<vmem>>, vector<1x1x16xf32>,
        %swap3A_536 = vector.shape_cast %swap3A_535 : vector<1x1x16xf32> to vector<16xf32>
        %swap3A_537 = vector.shape_cast %add3A_530 : vector<16xf32> to vector<1x1x16xf32>
        tpu.vector_store %arg11[%swap3A_532, %swap3A_533, %swap3A_534], %swap3A_537 {strides = array<i32>} : memref<2x80x128xf32, #tpu.memory_space<vmem>>, vector<1x1x16xf32>,
        %get3A_538 = arith.constant 0 : i32
        %get3A_539 = arith.index_cast %get3A_538 : i32 to index
        %get3A_540 = arith.index_cast %scan3A_399 : i32 to index
        %get3A_541 = arith.constant 112 : index
        %get3A_542 = tpu.vector_load %arg11[%get3A_539, %get3A_540, %get3A_541] {strides = array<i32>} : memref<2x80x128xf32, #tpu.memory_space<vmem>>, vector<1x1x16xf32>,
        %get3A_543 = vector.shape_cast %get3A_542 : vector<1x1x16xf32> to vector<16xf32>
        %get3A_544 = arith.constant 0 : i32
        %get3A_545 = arith.index_cast %get3A_544 : i32 to index
        %get3A_546 = arith.index_cast %scan3A_399 : i32 to index
        %get3A_547 = arith.constant 112 : index
        %get3A_548 = tpu.vector_load %arg10[%get3A_545, %get3A_546, %get3A_547] {strides = array<i32>} : memref<2x80x128xf32, #tpu.memory_space<vmem>>, vector<1x1x16xf32>,
        %get3A_549 = vector.shape_cast %get3A_548 : vector<1x1x16xf32> to vector<16xf32>
        %add3A_550 = arith.addf %get3A_543, %get3A_549 : vector<16xf32>
        %swap3A_551 = arith.constant 0 : i32
        %swap3A_552 = arith.index_cast %swap3A_551 : i32 to index
        %swap3A_553 = arith.index_cast %scan3A_399 : i32 to index
        %swap3A_554 = arith.constant 112 : index
        %swap3A_555 = tpu.vector_load %arg11[%swap3A_552, %swap3A_553, %swap3A_554] {strides = array<i32>} : memref<2x80x128xf32, #tpu.memory_space<vmem>>, vector<1x1x16xf32>,
        %swap3A_556 = vector.shape_cast %swap3A_555 : vector<1x1x16xf32> to vector<16xf32>
        %swap3A_557 = vector.shape_cast %add3A_550 : vector<16xf32> to vector<1x1x16xf32>
        tpu.vector_store %arg11[%swap3A_552, %swap3A_553, %swap3A_554], %swap3A_557 {strides = array<i32>} : memref<2x80x128xf32, #tpu.memory_space<vmem>>, vector<1x1x16xf32>,
      }
      %scan3A_267 = arith.constant 80 : i32
      %mul3A_268 = arith.constant 80 : i32
      %mul3A_269 = arith.muli %mul3A_181, %mul3A_268 : i32
      %add3A_270 = arith.addi %mul3A_2, %mul3A_269 : i32
      %dma_wait3A_271 = arith.constant 0 : i32
      %dma_wait3A_272 = arith.constant 0 : i32
      %dma_wait3A_273 = tpu.memref_slice %arg8[%dma_wait3A_271, %dma_wait3A_272] : memref<2x80xi32, #tpu.memory_space<vmem>> -> memref<1x80xi32, #tpu.memory_space<vmem>>
      %dma_wait3A_274 = tpu.memref_squeeze %dma_wait3A_273 : memref<1x80xi32, #tpu.memory_space<vmem>> -> memref<80xi32, #tpu.memory_space<vmem>>
      %dma_wait3A_275 = tpu.memref_slice %arg3[%add3A_270] : memref<320000xi32, #tpu.memory_space<hbm>> -> memref<80xi32, #tpu.memory_space<hbm>>
      %dma_wait3A_276 = arith.constant 0 : i32
      %dma_wait3A_277 = tpu.memref_slice %arg8[%dma_wait3A_271, %dma_wait3A_276] : memref<2x80xi32, #tpu.memory_space<vmem>> -> memref<1x80xi32, #tpu.memory_space<vmem>>
      %dma_wait3A_278 = tpu.memref_squeeze %dma_wait3A_277 : memref<1x80xi32, #tpu.memory_space<vmem>> -> memref<80xi32, #tpu.memory_space<vmem>>
      %dma_wait3A_279 = tpu.memref_slice %arg3[%add3A_270] : memref<320000xi32, #tpu.memory_space<hbm>> -> memref<80xi32, #tpu.memory_space<hbm>>
      tpu.wait_dma2 semaphore(%arg13 : memref<!tpu.dma_semaphore, #tpu.memory_space<semaphore_mem>>) src(%dma_wait3A_279 : memref<80xi32, #tpu.memory_space<hbm>>) dst(%dma_wait3A_278 : memref<80xi32, #tpu.memory_space<vmem>>)
      %dma_start3A_280 = arith.constant 0 : i32
      %dma_start3A_281 = arith.constant 0 : i32
      %dma_start3A_282 = arith.constant 0 : i32
      %dma_start3A_283 = arith.constant 0 : i32
      %dma_start3A_284 = tpu.memref_slice %arg11[%dma_start3A_280, %dma_start3A_282, %dma_start3A_283] : memref<2x80x128xf32, #tpu.memory_space<vmem>> -> memref<1x80x128xf32, #tpu.memory_space<vmem>>
      %dma_start3A_285 = tpu.memref_squeeze %dma_start3A_284 : memref<1x80x128xf32, #tpu.memory_space<vmem>> -> memref<80x128xf32, #tpu.memory_space<vmem>>
      %dma_start3A_286 = arith.constant 0 : i32
      %dma_start3A_287 = tpu.memref_slice %arg8[%dma_start3A_281, %dma_start3A_286] : memref<2x80xi32, #tpu.memory_space<vmem>> -> memref<1x80xi32, #tpu.memory_space<vmem>>
      %dma_start3A_288 = tpu.memref_squeeze %dma_start3A_287 : memref<1x80xi32, #tpu.memory_space<vmem>> -> memref<80xi32, #tpu.memory_space<vmem>>
      %dma_start3A_289 = arith.constant 0 : i32
      %dma_start3A_290 = arith.constant 0 : i32
      %dma_start3A_291 = tpu.memref_slice %arg12[%dma_start3A_289, %dma_start3A_290] : memref<10112x128xf32, #tpu.memory_space<vmem_shared>> -> memref<10112x128xf32, #tpu.memory_space<vmem_shared>>
      tpu.enqueue_indirect_dma source(%dma_start3A_285 : memref<80x128xf32, #tpu.memory_space<vmem>>) target(%dma_start3A_291 : memref<10112x128xf32, #tpu.memory_space<vmem_shared>>) offsets(%dma_start3A_288 : memref<80xi32, #tpu.memory_space<vmem>>) semaphore(%arg21 : memref<!tpu.dma_semaphore, #tpu.memory_space<semaphore_mem>>) {add = true}
      %add3A_292 = arith.constant 2 : i32
      %add3A_293 = arith.addi %mul3A_181, %add3A_292 : i32
      %lt3A = arith.constant 125 : i32
      %lt3A_294 = arith.cmpi slt, %add3A_293, %lt3A : i32
      %convert_element_type3A = arith.extui %lt3A_294 : i1 to i32
      %cond3A = arith.constant 0 : i32
      %cond3A_295 = arith.cmpi ne, %convert_element_type3A, %cond3A : i32
      scf.if %cond3A_295 {
        %add3A_399 = arith.constant 2 : i32
        %add3A_400 = arith.addi %mul3A_181, %add3A_399 : i32
        %mul3A_401 = arith.constant 80 : i32
        %mul3A_402 = arith.muli %add3A_400, %mul3A_401 : i32
        %add3A_403 = arith.addi %mul3A_2, %mul3A_402 : i32
        %dma_start3A_404 = arith.constant 0 : i32
        %dma_start3A_405 = arith.constant 0 : i32
        %dma_start3A_406 = tpu.memref_slice %arg9[%dma_start3A_404, %dma_start3A_405] : memref<2x80xi32, #tpu.memory_space<vmem>> -> memref<1x80xi32, #tpu.memory_space<vmem>>
        %dma_start3A_407 = tpu.memref_squeeze %dma_start3A_406 : memref<1x80xi32, #tpu.memory_space<vmem>> -> memref<80xi32, #tpu.memory_space<vmem>>
        %dma_start3A_408 = tpu.memref_slice %arg4[%add3A_403] : memref<320000xi32, #tpu.memory_space<hbm>> -> memref<80xi32, #tpu.memory_space<hbm>>
        %dma_start3A_409 = arith.constant 0 : i32
        %dma_start3A_410 = tpu.memref_slice %arg9[%dma_start3A_404, %dma_start3A_409] : memref<2x80xi32, #tpu.memory_space<vmem>> -> memref<1x80xi32, #tpu.memory_space<vmem>>
        %dma_start3A_411 = tpu.memref_squeeze %dma_start3A_410 : memref<1x80xi32, #tpu.memory_space<vmem>> -> memref<80xi32, #tpu.memory_space<vmem>>
        %dma_start3A_412 = tpu.memref_slice %arg4[%add3A_403] : memref<320000xi32, #tpu.memory_space<hbm>> -> memref<80xi32, #tpu.memory_space<hbm>>
        tpu.enqueue_dma source(%dma_start3A_412 : memref<80xi32, #tpu.memory_space<hbm>>) target(%dma_start3A_411 : memref<80xi32, #tpu.memory_space<vmem>>) target_semaphore(%arg15 : memref<!tpu.dma_semaphore, #tpu.memory_space<semaphore_mem>>)
        %dma_start3A_413 = arith.constant 0 : i32
        %dma_start3A_414 = arith.constant 0 : i32
        %dma_start3A_415 = arith.constant 0 : i32
        %dma_start3A_416 = tpu.memref_slice %arg10[%dma_start3A_413, %dma_start3A_414, %dma_start3A_415] : memref<2x80x128xf32, #tpu.memory_space<vmem>> -> memref<1x80x128xf32, #tpu.memory_space<vmem>>
        %dma_start3A_417 = tpu.memref_squeeze %dma_start3A_416 : memref<1x80x128xf32, #tpu.memory_space<vmem>> -> memref<80x128xf32, #tpu.memory_space<vmem>>
        %dma_start3A_418 = arith.constant 0 : i32
        %dma_start3A_419 = tpu.memref_slice %arg5[%add3A_403, %dma_start3A_418] : memref<320000x128xf32, #tpu.memory_space<hbm>> -> memref<80x128xf32, #tpu.memory_space<hbm>>
        %dma_start3A_420 = arith.constant 0 : i32
        %dma_start3A_421 = arith.constant 0 : i32
        %dma_start3A_422 = tpu.memref_slice %arg10[%dma_start3A_413, %dma_start3A_420, %dma_start3A_421] : memref<2x80x128xf32, #tpu.memory_space<vmem>> -> memref<1x80x128xf32, #tpu.memory_space<vmem>>
        %dma_start3A_423 = tpu.memref_squeeze %dma_start3A_422 : memref<1x80x128xf32, #tpu.memory_space<vmem>> -> memref<80x128xf32, #tpu.memory_space<vmem>>
        %dma_start3A_424 = arith.constant 0 : i32
        %dma_start3A_425 = tpu.memref_slice %arg5[%add3A_403, %dma_start3A_424] : memref<320000x128xf32, #tpu.memory_space<hbm>> -> memref<80x128xf32, #tpu.memory_space<hbm>>
        tpu.enqueue_dma source(%dma_start3A_425 : memref<80x128xf32, #tpu.memory_space<hbm>>) target(%dma_start3A_423 : memref<80x128xf32, #tpu.memory_space<vmem>>) target_semaphore(%arg17 : memref<!tpu.dma_semaphore, #tpu.memory_space<semaphore_mem>>)
      } else {
      }
      %dma_wait3A_296 = arith.constant 1 : i32
      %dma_wait3A_297 = arith.constant 1 : i32
      %dma_wait3A_298 = arith.constant 0 : i32
      %dma_wait3A_299 = arith.constant 0 : i32
      %dma_wait3A_300 = tpu.memref_slice %arg11[%dma_wait3A_297, %dma_wait3A_298, %dma_wait3A_299] : memref<2x80x128xf32, #tpu.memory_space<vmem>> -> memref<1x80x128xf32, #tpu.memory_space<vmem>>
      %dma_wait3A_301 = tpu.memref_squeeze %dma_wait3A_300 : memref<1x80x128xf32, #tpu.memory_space<vmem>> -> memref<80x128xf32, #tpu.memory_space<vmem>>
      %dma_wait3A_302 = arith.constant 0 : i32
      %dma_wait3A_303 = tpu.memref_slice %arg9[%dma_wait3A_296, %dma_wait3A_302] : memref<2x80xi32, #tpu.memory_space<vmem>> -> memref<1x80xi32, #tpu.memory_space<vmem>>
      %dma_wait3A_304 = tpu.memref_squeeze %dma_wait3A_303 : memref<1x80xi32, #tpu.memory_space<vmem>> -> memref<80xi32, #tpu.memory_space<vmem>>
      %dma_wait3A_305 = arith.constant 0 : i32
      %dma_wait3A_306 = arith.constant 0 : i32
      %dma_wait3A_307 = tpu.memref_slice %arg2[%dma_wait3A_305, %dma_wait3A_306] : memref<10000x128xf32, #tpu.memory_space<hbm>> -> memref<10000x128xf32, #tpu.memory_space<hbm>>
      tpu.wait_indirect_dma semaphore(%arg20 : memref<!tpu.dma_semaphore, #tpu.memory_space<semaphore_mem>>) src(%dma_wait3A_307 : memref<10000x128xf32, #tpu.memory_space<hbm>>) dst(%dma_wait3A_301 : memref<80x128xf32, #tpu.memory_space<vmem>>)
      %mul3A_308 = arith.constant 80 : i32
      %mul3A_309 = arith.muli %add3A_185, %mul3A_308 : i32
      %add3A_310 = arith.addi %mul3A_2, %mul3A_309 : i32
      %dma_wait3A_311 = arith.constant 1 : i32
      %dma_wait3A_312 = arith.constant 0 : i32
      %dma_wait3A_313 = arith.constant 0 : i32
      %dma_wait3A_314 = tpu.memref_slice %arg10[%dma_wait3A_311, %dma_wait3A_312, %dma_wait3A_313] : memref<2x80x128xf32, #tpu.memory_space<vmem>> -> memref<1x80x128xf32, #tpu.memory_space<vmem>>
      %dma_wait3A_315 = tpu.memref_squeeze %dma_wait3A_314 : memref<1x80x128xf32, #tpu.memory_space<vmem>> -> memref<80x128xf32, #tpu.memory_space<vmem>>
      %dma_wait3A_316 = arith.constant 0 : i32
      %dma_wait3A_317 = tpu.memref_slice %arg5[%add3A_310, %dma_wait3A_316] : memref<320000x128xf32, #tpu.memory_space<hbm>> -> memref<80x128xf32, #tpu.memory_space<hbm>>
      %dma_wait3A_318 = arith.constant 0 : i32
      %dma_wait3A_319 = arith.constant 0 : i32
      %dma_wait3A_320 = tpu.memref_slice %arg10[%dma_wait3A_311, %dma_wait3A_318, %dma_wait3A_319] : memref<2x80x128xf32, #tpu.memory_space<vmem>> -> memref<1x80x128xf32, #tpu.memory_space<vmem>>
      %dma_wait3A_321 = tpu.memref_squeeze %dma_wait3A_320 : memref<1x80x128xf32, #tpu.memory_space<vmem>> -> memref<80x128xf32, #tpu.memory_space<vmem>>
      %dma_wait3A_322 = arith.constant 0 : i32
      %dma_wait3A_323 = tpu.memref_slice %arg5[%add3A_310, %dma_wait3A_322] : memref<320000x128xf32, #tpu.memory_space<hbm>> -> memref<80x128xf32, #tpu.memory_space<hbm>>
      tpu.wait_dma2 semaphore(%arg18 : memref<!tpu.dma_semaphore, #tpu.memory_space<semaphore_mem>>) src(%dma_wait3A_323 : memref<80x128xf32, #tpu.memory_space<hbm>>) dst(%dma_wait3A_321 : memref<80x128xf32, #tpu.memory_space<vmem>>)
      %scan3A_324 = arith.constant 0 : i32
      %scan3A_325 = arith.constant 0 : i32
      %scan3A_326 = arith.constant 80 : i32
      %scan3A_327 = arith.addi %scan3A_325, %scan3A_326 : i32
      %scan3A_328 = arith.constant 1 : i32
      scf.for %scan3A_399 = %scan3A_325 to %scan3A_327 step %scan3A_328  : i32 {
        %get3A = arith.constant 1 : i32
        %get3A_400 = arith.index_cast %get3A : i32 to index
        %get3A_401 = arith.index_cast %scan3A_399 : i32 to index
        %get3A_402 = arith.constant 0 : index
        %get3A_403 = tpu.vector_load %arg11[%get3A_400, %get3A_401, %get3A_402] {strides = array<i32>} : memref<2x80x128xf32, #tpu.memory_space<vmem>>, vector<1x1x16xf32>,
        %get3A_404 = vector.shape_cast %get3A_403 : vector<1x1x16xf32> to vector<16xf32>
        %get3A_405 = arith.constant 1 : i32
        %get3A_406 = arith.index_cast %get3A_405 : i32 to index
        %get3A_407 = arith.index_cast %scan3A_399 : i32 to index
        %get3A_408 = arith.constant 0 : index
        %get3A_409 = tpu.vector_load %arg10[%get3A_406, %get3A_407, %get3A_408] {strides = array<i32>} : memref<2x80x128xf32, #tpu.memory_space<vmem>>, vector<1x1x16xf32>,
        %get3A_410 = vector.shape_cast %get3A_409 : vector<1x1x16xf32> to vector<16xf32>
        %add3A_411 = arith.addf %get3A_404, %get3A_410 : vector<16xf32>
        %swap3A = arith.constant 1 : i32
        %swap3A_412 = arith.index_cast %swap3A : i32 to index
        %swap3A_413 = arith.index_cast %scan3A_399 : i32 to index
        %swap3A_414 = arith.constant 0 : index
        %swap3A_415 = tpu.vector_load %arg11[%swap3A_412, %swap3A_413, %swap3A_414] {strides = array<i32>} : memref<2x80x128xf32, #tpu.memory_space<vmem>>, vector<1x1x16xf32>,
        %swap3A_416 = vector.shape_cast %swap3A_415 : vector<1x1x16xf32> to vector<16xf32>
        %swap3A_417 = vector.shape_cast %add3A_411 : vector<16xf32> to vector<1x1x16xf32>
        tpu.vector_store %arg11[%swap3A_412, %swap3A_413, %swap3A_414], %swap3A_417 {strides = array<i32>} : memref<2x80x128xf32, #tpu.memory_space<vmem>>, vector<1x1x16xf32>,
        %get3A_418 = arith.constant 1 : i32
        %get3A_419 = arith.index_cast %get3A_418 : i32 to index
        %get3A_420 = arith.index_cast %scan3A_399 : i32 to index
        %get3A_421 = arith.constant 16 : index
        %get3A_422 = tpu.vector_load %arg11[%get3A_419, %get3A_420, %get3A_421] {strides = array<i32>} : memref<2x80x128xf32, #tpu.memory_space<vmem>>, vector<1x1x16xf32>,
        %get3A_423 = vector.shape_cast %get3A_422 : vector<1x1x16xf32> to vector<16xf32>
        %get3A_424 = arith.constant 1 : i32
        %get3A_425 = arith.index_cast %get3A_424 : i32 to index
        %get3A_426 = arith.index_cast %scan3A_399 : i32 to index
        %get3A_427 = arith.constant 16 : index
        %get3A_428 = tpu.vector_load %arg10[%get3A_425, %get3A_426, %get3A_427] {strides = array<i32>} : memref<2x80x128xf32, #tpu.memory_space<vmem>>, vector<1x1x16xf32>,
        %get3A_429 = vector.shape_cast %get3A_428 : vector<1x1x16xf32> to vector<16xf32>
        %add3A_430 = arith.addf %get3A_423, %get3A_429 : vector<16xf32>
        %swap3A_431 = arith.constant 1 : i32
        %swap3A_432 = arith.index_cast %swap3A_431 : i32 to index
        %swap3A_433 = arith.index_cast %scan3A_399 : i32 to index
        %swap3A_434 = arith.constant 16 : index
        %swap3A_435 = tpu.vector_load %arg11[%swap3A_432, %swap3A_433, %swap3A_434] {strides = array<i32>} : memref<2x80x128xf32, #tpu.memory_space<vmem>>, vector<1x1x16xf32>,
        %swap3A_436 = vector.shape_cast %swap3A_435 : vector<1x1x16xf32> to vector<16xf32>
        %swap3A_437 = vector.shape_cast %add3A_430 : vector<16xf32> to vector<1x1x16xf32>
        tpu.vector_store %arg11[%swap3A_432, %swap3A_433, %swap3A_434], %swap3A_437 {strides = array<i32>} : memref<2x80x128xf32, #tpu.memory_space<vmem>>, vector<1x1x16xf32>,
        %get3A_438 = arith.constant 1 : i32
        %get3A_439 = arith.index_cast %get3A_438 : i32 to index
        %get3A_440 = arith.index_cast %scan3A_399 : i32 to index
        %get3A_441 = arith.constant 32 : index
        %get3A_442 = tpu.vector_load %arg11[%get3A_439, %get3A_440, %get3A_441] {strides = array<i32>} : memref<2x80x128xf32, #tpu.memory_space<vmem>>, vector<1x1x16xf32>,
        %get3A_443 = vector.shape_cast %get3A_442 : vector<1x1x16xf32> to vector<16xf32>
        %get3A_444 = arith.constant 1 : i32
        %get3A_445 = arith.index_cast %get3A_444 : i32 to index
        %get3A_446 = arith.index_cast %scan3A_399 : i32 to index
        %get3A_447 = arith.constant 32 : index
        %get3A_448 = tpu.vector_load %arg10[%get3A_445, %get3A_446, %get3A_447] {strides = array<i32>} : memref<2x80x128xf32, #tpu.memory_space<vmem>>, vector<1x1x16xf32>,
        %get3A_449 = vector.shape_cast %get3A_448 : vector<1x1x16xf32> to vector<16xf32>
        %add3A_450 = arith.addf %get3A_443, %get3A_449 : vector<16xf32>
        %swap3A_451 = arith.constant 1 : i32
        %swap3A_452 = arith.index_cast %swap3A_451 : i32 to index
        %swap3A_453 = arith.index_cast %scan3A_399 : i32 to index
        %swap3A_454 = arith.constant 32 : index
        %swap3A_455 = tpu.vector_load %arg11[%swap3A_452, %swap3A_453, %swap3A_454] {strides = array<i32>} : memref<2x80x128xf32, #tpu.memory_space<vmem>>, vector<1x1x16xf32>,
        %swap3A_456 = vector.shape_cast %swap3A_455 : vector<1x1x16xf32> to vector<16xf32>
        %swap3A_457 = vector.shape_cast %add3A_450 : vector<16xf32> to vector<1x1x16xf32>
        tpu.vector_store %arg11[%swap3A_452, %swap3A_453, %swap3A_454], %swap3A_457 {strides = array<i32>} : memref<2x80x128xf32, #tpu.memory_space<vmem>>, vector<1x1x16xf32>,
        %get3A_458 = arith.constant 1 : i32
        %get3A_459 = arith.index_cast %get3A_458 : i32 to index
        %get3A_460 = arith.index_cast %scan3A_399 : i32 to index
        %get3A_461 = arith.constant 48 : index
        %get3A_462 = tpu.vector_load %arg11[%get3A_459, %get3A_460, %get3A_461] {strides = array<i32>} : memref<2x80x128xf32, #tpu.memory_space<vmem>>, vector<1x1x16xf32>,
        %get3A_463 = vector.shape_cast %get3A_462 : vector<1x1x16xf32> to vector<16xf32>
        %get3A_464 = arith.constant 1 : i32
        %get3A_465 = arith.index_cast %get3A_464 : i32 to index
        %get3A_466 = arith.index_cast %scan3A_399 : i32 to index
        %get3A_467 = arith.constant 48 : index
        %get3A_468 = tpu.vector_load %arg10[%get3A_465, %get3A_466, %get3A_467] {strides = array<i32>} : memref<2x80x128xf32, #tpu.memory_space<vmem>>, vector<1x1x16xf32>,
        %get3A_469 = vector.shape_cast %get3A_468 : vector<1x1x16xf32> to vector<16xf32>
        %add3A_470 = arith.addf %get3A_463, %get3A_469 : vector<16xf32>
        %swap3A_471 = arith.constant 1 : i32
        %swap3A_472 = arith.index_cast %swap3A_471 : i32 to index
        %swap3A_473 = arith.index_cast %scan3A_399 : i32 to index
        %swap3A_474 = arith.constant 48 : index
        %swap3A_475 = tpu.vector_load %arg11[%swap3A_472, %swap3A_473, %swap3A_474] {strides = array<i32>} : memref<2x80x128xf32, #tpu.memory_space<vmem>>, vector<1x1x16xf32>,
        %swap3A_476 = vector.shape_cast %swap3A_475 : vector<1x1x16xf32> to vector<16xf32>
        %swap3A_477 = vector.shape_cast %add3A_470 : vector<16xf32> to vector<1x1x16xf32>
        tpu.vector_store %arg11[%swap3A_472, %swap3A_473, %swap3A_474], %swap3A_477 {strides = array<i32>} : memref<2x80x128xf32, #tpu.memory_space<vmem>>, vector<1x1x16xf32>,
        %get3A_478 = arith.constant 1 : i32
        %get3A_479 = arith.index_cast %get3A_478 : i32 to index
        %get3A_480 = arith.index_cast %scan3A_399 : i32 to index
        %get3A_481 = arith.constant 64 : index
        %get3A_482 = tpu.vector_load %arg11[%get3A_479, %get3A_480, %get3A_481] {strides = array<i32>} : memref<2x80x128xf32, #tpu.memory_space<vmem>>, vector<1x1x16xf32>,
        %get3A_483 = vector.shape_cast %get3A_482 : vector<1x1x16xf32> to vector<16xf32>
        %get3A_484 = arith.constant 1 : i32
        %get3A_485 = arith.index_cast %get3A_484 : i32 to index
        %get3A_486 = arith.index_cast %scan3A_399 : i32 to index
        %get3A_487 = arith.constant 64 : index
        %get3A_488 = tpu.vector_load %arg10[%get3A_485, %get3A_486, %get3A_487] {strides = array<i32>} : memref<2x80x128xf32, #tpu.memory_space<vmem>>, vector<1x1x16xf32>,
        %get3A_489 = vector.shape_cast %get3A_488 : vector<1x1x16xf32> to vector<16xf32>
        %add3A_490 = arith.addf %get3A_483, %get3A_489 : vector<16xf32>
        %swap3A_491 = arith.constant 1 : i32
        %swap3A_492 = arith.index_cast %swap3A_491 : i32 to index
        %swap3A_493 = arith.index_cast %scan3A_399 : i32 to index
        %swap3A_494 = arith.constant 64 : index
        %swap3A_495 = tpu.vector_load %arg11[%swap3A_492, %swap3A_493, %swap3A_494] {strides = array<i32>} : memref<2x80x128xf32, #tpu.memory_space<vmem>>, vector<1x1x16xf32>,
        %swap3A_496 = vector.shape_cast %swap3A_495 : vector<1x1x16xf32> to vector<16xf32>
        %swap3A_497 = vector.shape_cast %add3A_490 : vector<16xf32> to vector<1x1x16xf32>
        tpu.vector_store %arg11[%swap3A_492, %swap3A_493, %swap3A_494], %swap3A_497 {strides = array<i32>} : memref<2x80x128xf32, #tpu.memory_space<vmem>>, vector<1x1x16xf32>,
        %get3A_498 = arith.constant 1 : i32
        %get3A_499 = arith.index_cast %get3A_498 : i32 to index
        %get3A_500 = arith.index_cast %scan3A_399 : i32 to index
        %get3A_501 = arith.constant 80 : index
        %get3A_502 = tpu.vector_load %arg11[%get3A_499, %get3A_500, %get3A_501] {strides = array<i32>} : memref<2x80x128xf32, #tpu.memory_space<vmem>>, vector<1x1x16xf32>,
        %get3A_503 = vector.shape_cast %get3A_502 : vector<1x1x16xf32> to vector<16xf32>
        %get3A_504 = arith.constant 1 : i32
        %get3A_505 = arith.index_cast %get3A_504 : i32 to index
        %get3A_506 = arith.index_cast %scan3A_399 : i32 to index
        %get3A_507 = arith.constant 80 : index
        %get3A_508 = tpu.vector_load %arg10[%get3A_505, %get3A_506, %get3A_507] {strides = array<i32>} : memref<2x80x128xf32, #tpu.memory_space<vmem>>, vector<1x1x16xf32>,
        %get3A_509 = vector.shape_cast %get3A_508 : vector<1x1x16xf32> to vector<16xf32>
        %add3A_510 = arith.addf %get3A_503, %get3A_509 : vector<16xf32>
        %swap3A_511 = arith.constant 1 : i32
        %swap3A_512 = arith.index_cast %swap3A_511 : i32 to index
        %swap3A_513 = arith.index_cast %scan3A_399 : i32 to index
        %swap3A_514 = arith.constant 80 : index
        %swap3A_515 = tpu.vector_load %arg11[%swap3A_512, %swap3A_513, %swap3A_514] {strides = array<i32>} : memref<2x80x128xf32, #tpu.memory_space<vmem>>, vector<1x1x16xf32>,
        %swap3A_516 = vector.shape_cast %swap3A_515 : vector<1x1x16xf32> to vector<16xf32>
        %swap3A_517 = vector.shape_cast %add3A_510 : vector<16xf32> to vector<1x1x16xf32>
        tpu.vector_store %arg11[%swap3A_512, %swap3A_513, %swap3A_514], %swap3A_517 {strides = array<i32>} : memref<2x80x128xf32, #tpu.memory_space<vmem>>, vector<1x1x16xf32>,
        %get3A_518 = arith.constant 1 : i32
        %get3A_519 = arith.index_cast %get3A_518 : i32 to index
        %get3A_520 = arith.index_cast %scan3A_399 : i32 to index
        %get3A_521 = arith.constant 96 : index
        %get3A_522 = tpu.vector_load %arg11[%get3A_519, %get3A_520, %get3A_521] {strides = array<i32>} : memref<2x80x128xf32, #tpu.memory_space<vmem>>, vector<1x1x16xf32>,
        %get3A_523 = vector.shape_cast %get3A_522 : vector<1x1x16xf32> to vector<16xf32>
        %get3A_524 = arith.constant 1 : i32
        %get3A_525 = arith.index_cast %get3A_524 : i32 to index
        %get3A_526 = arith.index_cast %scan3A_399 : i32 to index
        %get3A_527 = arith.constant 96 : index
        %get3A_528 = tpu.vector_load %arg10[%get3A_525, %get3A_526, %get3A_527] {strides = array<i32>} : memref<2x80x128xf32, #tpu.memory_space<vmem>>, vector<1x1x16xf32>,
        %get3A_529 = vector.shape_cast %get3A_528 : vector<1x1x16xf32> to vector<16xf32>
        %add3A_530 = arith.addf %get3A_523, %get3A_529 : vector<16xf32>
        %swap3A_531 = arith.constant 1 : i32
        %swap3A_532 = arith.index_cast %swap3A_531 : i32 to index
        %swap3A_533 = arith.index_cast %scan3A_399 : i32 to index
        %swap3A_534 = arith.constant 96 : index
        %swap3A_535 = tpu.vector_load %arg11[%swap3A_532, %swap3A_533, %swap3A_534] {strides = array<i32>} : memref<2x80x128xf32, #tpu.memory_space<vmem>>, vector<1x1x16xf32>,
        %swap3A_536 = vector.shape_cast %swap3A_535 : vector<1x1x16xf32> to vector<16xf32>
        %swap3A_537 = vector.shape_cast %add3A_530 : vector<16xf32> to vector<1x1x16xf32>
        tpu.vector_store %arg11[%swap3A_532, %swap3A_533, %swap3A_534], %swap3A_537 {strides = array<i32>} : memref<2x80x128xf32, #tpu.memory_space<vmem>>, vector<1x1x16xf32>,
        %get3A_538 = arith.constant 1 : i32
        %get3A_539 = arith.index_cast %get3A_538 : i32 to index
        %get3A_540 = arith.index_cast %scan3A_399 : i32 to index
        %get3A_541 = arith.constant 112 : index
        %get3A_542 = tpu.vector_load %arg11[%get3A_539, %get3A_540, %get3A_541] {strides = array<i32>} : memref<2x80x128xf32, #tpu.memory_space<vmem>>, vector<1x1x16xf32>,
        %get3A_543 = vector.shape_cast %get3A_542 : vector<1x1x16xf32> to vector<16xf32>
        %get3A_544 = arith.constant 1 : i32
        %get3A_545 = arith.index_cast %get3A_544 : i32 to index
        %get3A_546 = arith.index_cast %scan3A_399 : i32 to index
        %get3A_547 = arith.constant 112 : index
        %get3A_548 = tpu.vector_load %arg10[%get3A_545, %get3A_546, %get3A_547] {strides = array<i32>} : memref<2x80x128xf32, #tpu.memory_space<vmem>>, vector<1x1x16xf32>,
        %get3A_549 = vector.shape_cast %get3A_548 : vector<1x1x16xf32> to vector<16xf32>
        %add3A_550 = arith.addf %get3A_543, %get3A_549 : vector<16xf32>
        %swap3A_551 = arith.constant 1 : i32
        %swap3A_552 = arith.index_cast %swap3A_551 : i32 to index
        %swap3A_553 = arith.index_cast %scan3A_399 : i32 to index
        %swap3A_554 = arith.constant 112 : index
        %swap3A_555 = tpu.vector_load %arg11[%swap3A_552, %swap3A_553, %swap3A_554] {strides = array<i32>} : memref<2x80x128xf32, #tpu.memory_space<vmem>>, vector<1x1x16xf32>,
        %swap3A_556 = vector.shape_cast %swap3A_555 : vector<1x1x16xf32> to vector<16xf32>
        %swap3A_557 = vector.shape_cast %add3A_550 : vector<16xf32> to vector<1x1x16xf32>
        tpu.vector_store %arg11[%swap3A_552, %swap3A_553, %swap3A_554], %swap3A_557 {strides = array<i32>} : memref<2x80x128xf32, #tpu.memory_space<vmem>>, vector<1x1x16xf32>,
      }
      %scan3A_329 = arith.constant 80 : i32
      %mul3A_330 = arith.constant 80 : i32
      %mul3A_331 = arith.muli %add3A_185, %mul3A_330 : i32
      %add3A_332 = arith.addi %mul3A_2, %mul3A_331 : i32
      %dma_wait3A_333 = arith.constant 1 : i32
      %dma_wait3A_334 = arith.constant 0 : i32
      %dma_wait3A_335 = tpu.memref_slice %arg8[%dma_wait3A_333, %dma_wait3A_334] : memref<2x80xi32, #tpu.memory_space<vmem>> -> memref<1x80xi32, #tpu.memory_space<vmem>>
      %dma_wait3A_336 = tpu.memref_squeeze %dma_wait3A_335 : memref<1x80xi32, #tpu.memory_space<vmem>> -> memref<80xi32, #tpu.memory_space<vmem>>
      %dma_wait3A_337 = tpu.memref_slice %arg3[%add3A_332] : memref<320000xi32, #tpu.memory_space<hbm>> -> memref<80xi32, #tpu.memory_space<hbm>>
      %dma_wait3A_338 = arith.constant 0 : i32
      %dma_wait3A_339 = tpu.memref_slice %arg8[%dma_wait3A_333, %dma_wait3A_338] : memref<2x80xi32, #tpu.memory_space<vmem>> -> memref<1x80xi32, #tpu.memory_space<vmem>>
      %dma_wait3A_340 = tpu.memref_squeeze %dma_wait3A_339 : memref<1x80xi32, #tpu.memory_space<vmem>> -> memref<80xi32, #tpu.memory_space<vmem>>
      %dma_wait3A_341 = tpu.memref_slice %arg3[%add3A_332] : memref<320000xi32, #tpu.memory_space<hbm>> -> memref<80xi32, #tpu.memory_space<hbm>>
      tpu.wait_dma2 semaphore(%arg14 : memref<!tpu.dma_semaphore, #tpu.memory_space<semaphore_mem>>) src(%dma_wait3A_341 : memref<80xi32, #tpu.memory_space<hbm>>) dst(%dma_wait3A_340 : memref<80xi32, #tpu.memory_space<vmem>>)
      %dma_start3A_342 = arith.constant 1 : i32
      %dma_start3A_343 = arith.constant 1 : i32
      %dma_start3A_344 = arith.constant 0 : i32
      %dma_start3A_345 = arith.constant 0 : i32
      %dma_start3A_346 = tpu.memref_slice %arg11[%dma_start3A_342, %dma_start3A_344, %dma_start3A_345] : memref<2x80x128xf32, #tpu.memory_space<vmem>> -> memref<1x80x128xf32, #tpu.memory_space<vmem>>
      %dma_start3A_347 = tpu.memref_squeeze %dma_start3A_346 : memref<1x80x128xf32, #tpu.memory_space<vmem>> -> memref<80x128xf32, #tpu.memory_space<vmem>>
      %dma_start3A_348 = arith.constant 0 : i32
      %dma_start3A_349 = tpu.memref_slice %arg8[%dma_start3A_343, %dma_start3A_348] : memref<2x80xi32, #tpu.memory_space<vmem>> -> memref<1x80xi32, #tpu.memory_space<vmem>>
      %dma_start3A_350 = tpu.memref_squeeze %dma_start3A_349 : memref<1x80xi32, #tpu.memory_space<vmem>> -> memref<80xi32, #tpu.memory_space<vmem>>
      %dma_start3A_351 = arith.constant 0 : i32
      %dma_start3A_352 = arith.constant 0 : i32
      %dma_start3A_353 = tpu.memref_slice %arg12[%dma_start3A_351, %dma_start3A_352] : memref<10112x128xf32, #tpu.memory_space<vmem_shared>> -> memref<10112x128xf32, #tpu.memory_space<vmem_shared>>
      tpu.enqueue_indirect_dma source(%dma_start3A_347 : memref<80x128xf32, #tpu.memory_space<vmem>>) target(%dma_start3A_353 : memref<10112x128xf32, #tpu.memory_space<vmem_shared>>) offsets(%dma_start3A_350 : memref<80xi32, #tpu.memory_space<vmem>>) semaphore(%arg22 : memref<!tpu.dma_semaphore, #tpu.memory_space<semaphore_mem>>) {add = true}
      %add3A_354 = arith.constant 2 : i32
      %add3A_355 = arith.addi %add3A_185, %add3A_354 : i32
      %lt3A_356 = arith.constant 125 : i32
      %lt3A_357 = arith.cmpi slt, %add3A_355, %lt3A_356 : i32
      %convert_element_type3A_358 = arith.extui %lt3A_357 : i1 to i32
      %cond3A_359 = arith.constant 0 : i32
      %cond3A_360 = arith.cmpi ne, %convert_element_type3A_358, %cond3A_359 : i32
      scf.if %cond3A_360 {
        %add3A_399 = arith.constant 2 : i32
        %add3A_400 = arith.addi %add3A_185, %add3A_399 : i32
        %mul3A_401 = arith.constant 80 : i32
        %mul3A_402 = arith.muli %add3A_400, %mul3A_401 : i32
        %add3A_403 = arith.addi %mul3A_2, %mul3A_402 : i32
        %dma_start3A_404 = arith.constant 1 : i32
        %dma_start3A_405 = arith.constant 0 : i32
        %dma_start3A_406 = tpu.memref_slice %arg9[%dma_start3A_404, %dma_start3A_405] : memref<2x80xi32, #tpu.memory_space<vmem>> -> memref<1x80xi32, #tpu.memory_space<vmem>>
        %dma_start3A_407 = tpu.memref_squeeze %dma_start3A_406 : memref<1x80xi32, #tpu.memory_space<vmem>> -> memref<80xi32, #tpu.memory_space<vmem>>
        %dma_start3A_408 = tpu.memref_slice %arg4[%add3A_403] : memref<320000xi32, #tpu.memory_space<hbm>> -> memref<80xi32, #tpu.memory_space<hbm>>
        %dma_start3A_409 = arith.constant 0 : i32
        %dma_start3A_410 = tpu.memref_slice %arg9[%dma_start3A_404, %dma_start3A_409] : memref<2x80xi32, #tpu.memory_space<vmem>> -> memref<1x80xi32, #tpu.memory_space<vmem>>
        %dma_start3A_411 = tpu.memref_squeeze %dma_start3A_410 : memref<1x80xi32, #tpu.memory_space<vmem>> -> memref<80xi32, #tpu.memory_space<vmem>>
        %dma_start3A_412 = tpu.memref_slice %arg4[%add3A_403] : memref<320000xi32, #tpu.memory_space<hbm>> -> memref<80xi32, #tpu.memory_space<hbm>>
        tpu.enqueue_dma source(%dma_start3A_412 : memref<80xi32, #tpu.memory_space<hbm>>) target(%dma_start3A_411 : memref<80xi32, #tpu.memory_space<vmem>>) target_semaphore(%arg16 : memref<!tpu.dma_semaphore, #tpu.memory_space<semaphore_mem>>)
        %dma_start3A_413 = arith.constant 1 : i32
        %dma_start3A_414 = arith.constant 0 : i32
        %dma_start3A_415 = arith.constant 0 : i32
        %dma_start3A_416 = tpu.memref_slice %arg10[%dma_start3A_413, %dma_start3A_414, %dma_start3A_415] : memref<2x80x128xf32, #tpu.memory_space<vmem>> -> memref<1x80x128xf32, #tpu.memory_space<vmem>>
        %dma_start3A_417 = tpu.memref_squeeze %dma_start3A_416 : memref<1x80x128xf32, #tpu.memory_space<vmem>> -> memref<80x128xf32, #tpu.memory_space<vmem>>
        %dma_start3A_418 = arith.constant 0 : i32
        %dma_start3A_419 = tpu.memref_slice %arg5[%add3A_403, %dma_start3A_418] : memref<320000x128xf32, #tpu.memory_space<hbm>> -> memref<80x128xf32, #tpu.memory_space<hbm>>
        %dma_start3A_420 = arith.constant 0 : i32
        %dma_start3A_421 = arith.constant 0 : i32
        %dma_start3A_422 = tpu.memref_slice %arg10[%dma_start3A_413, %dma_start3A_420, %dma_start3A_421] : memref<2x80x128xf32, #tpu.memory_space<vmem>> -> memref<1x80x128xf32, #tpu.memory_space<vmem>>
        %dma_start3A_423 = tpu.memref_squeeze %dma_start3A_422 : memref<1x80x128xf32, #tpu.memory_space<vmem>> -> memref<80x128xf32, #tpu.memory_space<vmem>>
        %dma_start3A_424 = arith.constant 0 : i32
        %dma_start3A_425 = tpu.memref_slice %arg5[%add3A_403, %dma_start3A_424] : memref<320000x128xf32, #tpu.memory_space<hbm>> -> memref<80x128xf32, #tpu.memory_space<hbm>>
        tpu.enqueue_dma source(%dma_start3A_425 : memref<80x128xf32, #tpu.memory_space<hbm>>) target(%dma_start3A_423 : memref<80x128xf32, #tpu.memory_space<vmem>>) target_semaphore(%arg18 : memref<!tpu.dma_semaphore, #tpu.memory_space<semaphore_mem>>)
      } else {
      }
      %dma_wait3A_361 = arith.constant 0 : i32
      %dma_wait3A_362 = arith.constant 0 : i32
      %dma_wait3A_363 = arith.constant 0 : i32
      %dma_wait3A_364 = arith.constant 0 : i32
      %dma_wait3A_365 = tpu.memref_slice %arg11[%dma_wait3A_361, %dma_wait3A_363, %dma_wait3A_364] : memref<2x80x128xf32, #tpu.memory_space<vmem>> -> memref<1x80x128xf32, #tpu.memory_space<vmem>>
      %dma_wait3A_366 = tpu.memref_squeeze %dma_wait3A_365 : memref<1x80x128xf32, #tpu.memory_space<vmem>> -> memref<80x128xf32, #tpu.memory_space<vmem>>
      %dma_wait3A_367 = arith.constant 0 : i32
      %dma_wait3A_368 = tpu.memref_slice %arg8[%dma_wait3A_362, %dma_wait3A_367] : memref<2x80xi32, #tpu.memory_space<vmem>> -> memref<1x80xi32, #tpu.memory_space<vmem>>
      %dma_wait3A_369 = tpu.memref_squeeze %dma_wait3A_368 : memref<1x80xi32, #tpu.memory_space<vmem>> -> memref<80xi32, #tpu.memory_space<vmem>>
      %dma_wait3A_370 = arith.constant 0 : i32
      %dma_wait3A_371 = arith.constant 0 : i32
      %dma_wait3A_372 = tpu.memref_slice %arg12[%dma_wait3A_370, %dma_wait3A_371] : memref<10112x128xf32, #tpu.memory_space<vmem_shared>> -> memref<10112x128xf32, #tpu.memory_space<vmem_shared>>
      tpu.wait_indirect_dma semaphore(%arg21 : memref<!tpu.dma_semaphore, #tpu.memory_space<semaphore_mem>>) src(%dma_wait3A_366 : memref<80x128xf32, #tpu.memory_space<vmem>>) dst(%dma_wait3A_372 : memref<10112x128xf32, #tpu.memory_space<vmem_shared>>)
      %add3A_373 = arith.constant 2 : i32
      %add3A_374 = arith.addi %mul3A_181, %add3A_373 : i32
      %lt3A_375 = arith.constant 125 : i32
      %lt3A_376 = arith.cmpi slt, %add3A_374, %lt3A_375 : i32
      %convert_element_type3A_377 = arith.extui %lt3A_376 : i1 to i32
      %cond3A_378 = arith.constant 0 : i32
      %cond3A_379 = arith.cmpi ne, %convert_element_type3A_377, %cond3A_378 : i32
      scf.if %cond3A_379 {
        %add3A_399 = arith.constant 2 : i32
        %add3A_400 = arith.addi %mul3A_181, %add3A_399 : i32
        %mul3A_401 = arith.constant 80 : i32
        %mul3A_402 = arith.muli %add3A_400, %mul3A_401 : i32
        %add3A_403 = arith.addi %mul3A_2, %mul3A_402 : i32
        %dma_start3A_404 = arith.constant 0 : i32
        %dma_start3A_405 = arith.constant 0 : i32
        %dma_start3A_406 = tpu.memref_slice %arg8[%dma_start3A_404, %dma_start3A_405] : memref<2x80xi32, #tpu.memory_space<vmem>> -> memref<1x80xi32, #tpu.memory_space<vmem>>
        %dma_start3A_407 = tpu.memref_squeeze %dma_start3A_406 : memref<1x80xi32, #tpu.memory_space<vmem>> -> memref<80xi32, #tpu.memory_space<vmem>>
        %dma_start3A_408 = tpu.memref_slice %arg3[%add3A_403] : memref<320000xi32, #tpu.memory_space<hbm>> -> memref<80xi32, #tpu.memory_space<hbm>>
        %dma_start3A_409 = arith.constant 0 : i32
        %dma_start3A_410 = tpu.memref_slice %arg8[%dma_start3A_404, %dma_start3A_409] : memref<2x80xi32, #tpu.memory_space<vmem>> -> memref<1x80xi32, #tpu.memory_space<vmem>>
        %dma_start3A_411 = tpu.memref_squeeze %dma_start3A_410 : memref<1x80xi32, #tpu.memory_space<vmem>> -> memref<80xi32, #tpu.memory_space<vmem>>
        %dma_start3A_412 = tpu.memref_slice %arg3[%add3A_403] : memref<320000xi32, #tpu.memory_space<hbm>> -> memref<80xi32, #tpu.memory_space<hbm>>
        tpu.enqueue_dma source(%dma_start3A_412 : memref<80xi32, #tpu.memory_space<hbm>>) target(%dma_start3A_411 : memref<80xi32, #tpu.memory_space<vmem>>) target_semaphore(%arg13 : memref<!tpu.dma_semaphore, #tpu.memory_space<semaphore_mem>>)
      } else {
      }
      %dma_wait3A_380 = arith.constant 1 : i32
      %dma_wait3A_381 = arith.constant 1 : i32
      %dma_wait3A_382 = arith.constant 0 : i32
      %dma_wait3A_383 = arith.constant 0 : i32
      %dma_wait3A_384 = tpu.memref_slice %arg11[%dma_wait3A_380, %dma_wait3A_382, %dma_wait3A_383] : memref<2x80x128xf32, #tpu.memory_space<vmem>> -> memref<1x80x128xf32, #tpu.memory_space<vmem>>
      %dma_wait3A_385 = tpu.memref_squeeze %dma_wait3A_384 : memref<1x80x128xf32, #tpu.memory_space<vmem>> -> memref<80x128xf32, #tpu.memory_space<vmem>>
      %dma_wait3A_386 = arith.constant 0 : i32
      %dma_wait3A_387 = tpu.memref_slice %arg8[%dma_wait3A_381, %dma_wait3A_386] : memref<2x80xi32, #tpu.memory_space<vmem>> -> memref<1x80xi32, #tpu.memory_space<vmem>>
      %dma_wait3A_388 = tpu.memref_squeeze %dma_wait3A_387 : memref<1x80xi32, #tpu.memory_space<vmem>> -> memref<80xi32, #tpu.memory_space<vmem>>
      %dma_wait3A_389 = arith.constant 0 : i32
      %dma_wait3A_390 = arith.constant 0 : i32
      %dma_wait3A_391 = tpu.memref_slice %arg12[%dma_wait3A_389, %dma_wait3A_390] : memref<10112x128xf32, #tpu.memory_space<vmem_shared>> -> memref<10112x128xf32, #tpu.memory_space<vmem_shared>>
      tpu.wait_indirect_dma semaphore(%arg22 : memref<!tpu.dma_semaphore, #tpu.memory_space<semaphore_mem>>) src(%dma_wait3A_385 : memref<80x128xf32, #tpu.memory_space<vmem>>) dst(%dma_wait3A_391 : memref<10112x128xf32, #tpu.memory_space<vmem_shared>>)
      %add3A_392 = arith.constant 2 : i32
      %add3A_393 = arith.addi %add3A_185, %add3A_392 : i32
      %lt3A_394 = arith.constant 125 : i32
      %lt3A_395 = arith.cmpi slt, %add3A_393, %lt3A_394 : i32
      %convert_element_type3A_396 = arith.extui %lt3A_395 : i1 to i32
      %cond3A_397 = arith.constant 0 : i32
      %cond3A_398 = arith.cmpi ne, %convert_element_type3A_396, %cond3A_397 : i32
      scf.if %cond3A_398 {
        %add3A_399 = arith.constant 2 : i32
        %add3A_400 = arith.addi %add3A_185, %add3A_399 : i32
        %mul3A_401 = arith.constant 80 : i32
        %mul3A_402 = arith.muli %add3A_400, %mul3A_401 : i32
        %add3A_403 = arith.addi %mul3A_2, %mul3A_402 : i32
        %dma_start3A_404 = arith.constant 1 : i32
        %dma_start3A_405 = arith.constant 0 : i32
        %dma_start3A_406 = tpu.memref_slice %arg8[%dma_start3A_404, %dma_start3A_405] : memref<2x80xi32, #tpu.memory_space<vmem>> -> memref<1x80xi32, #tpu.memory_space<vmem>>
        %dma_start3A_407 = tpu.memref_squeeze %dma_start3A_406 : memref<1x80xi32, #tpu.memory_space<vmem>> -> memref<80xi32, #tpu.memory_space<vmem>>
        %dma_start3A_408 = tpu.memref_slice %arg3[%add3A_403] : memref<320000xi32, #tpu.memory_space<hbm>> -> memref<80xi32, #tpu.memory_space<hbm>>
        %dma_start3A_409 = arith.constant 0 : i32
        %dma_start3A_410 = tpu.memref_slice %arg8[%dma_start3A_404, %dma_start3A_409] : memref<2x80xi32, #tpu.memory_space<vmem>> -> memref<1x80xi32, #tpu.memory_space<vmem>>
        %dma_start3A_411 = tpu.memref_squeeze %dma_start3A_410 : memref<1x80xi32, #tpu.memory_space<vmem>> -> memref<80xi32, #tpu.memory_space<vmem>>
        %dma_start3A_412 = tpu.memref_slice %arg3[%add3A_403] : memref<320000xi32, #tpu.memory_space<hbm>> -> memref<80xi32, #tpu.memory_space<hbm>>
        tpu.enqueue_dma source(%dma_start3A_412 : memref<80xi32, #tpu.memory_space<hbm>>) target(%dma_start3A_411 : memref<80xi32, #tpu.memory_space<vmem>>) target_semaphore(%arg14 : memref<!tpu.dma_semaphore, #tpu.memory_space<semaphore_mem>>)
      } else {
      }
    }
    %scan3A_80 = arith.constant 62 : i32
    %add3A_81 = arith.constant 9920 : i32
    %add3A_82 = arith.addi %mul3A_2, %add3A_81 : i32
    %dma_wait3A = arith.constant 0 : i32
    %dma_wait3A_83 = arith.constant 0 : i32
    %dma_wait3A_84 = tpu.memref_slice %arg9[%dma_wait3A, %dma_wait3A_83] : memref<2x80xi32, #tpu.memory_space<vmem>> -> memref<1x80xi32, #tpu.memory_space<vmem>>
    %dma_wait3A_85 = tpu.memref_squeeze %dma_wait3A_84 : memref<1x80xi32, #tpu.memory_space<vmem>> -> memref<80xi32, #tpu.memory_space<vmem>>
    %dma_wait3A_86 = tpu.memref_slice %arg4[%add3A_82] : memref<320000xi32, #tpu.memory_space<hbm>> -> memref<80xi32, #tpu.memory_space<hbm>>
    %dma_wait3A_87 = arith.constant 0 : i32
    %dma_wait3A_88 = tpu.memref_slice %arg9[%dma_wait3A, %dma_wait3A_87] : memref<2x80xi32, #tpu.memory_space<vmem>> -> memref<1x80xi32, #tpu.memory_space<vmem>>
    %dma_wait3A_89 = tpu.memref_squeeze %dma_wait3A_88 : memref<1x80xi32, #tpu.memory_space<vmem>> -> memref<80xi32, #tpu.memory_space<vmem>>
    %dma_wait3A_90 = tpu.memref_slice %arg4[%add3A_82] : memref<320000xi32, #tpu.memory_space<hbm>> -> memref<80xi32, #tpu.memory_space<hbm>>
    tpu.wait_dma2 semaphore(%arg15 : memref<!tpu.dma_semaphore, #tpu.memory_space<semaphore_mem>>) src(%dma_wait3A_90 : memref<80xi32, #tpu.memory_space<hbm>>) dst(%dma_wait3A_89 : memref<80xi32, #tpu.memory_space<vmem>>)
    %dma_start3A_91 = arith.constant 0 : i32
    %dma_start3A_92 = arith.constant 0 : i32
    %dma_start3A_93 = arith.constant 0 : i32
    %dma_start3A_94 = arith.constant 0 : i32
    %dma_start3A_95 = tpu.memref_slice %arg11[%dma_start3A_92, %dma_start3A_93, %dma_start3A_94] : memref<2x80x128xf32, #tpu.memory_space<vmem>> -> memref<1x80x128xf32, #tpu.memory_space<vmem>>
    %dma_start3A_96 = tpu.memref_squeeze %dma_start3A_95 : memref<1x80x128xf32, #tpu.memory_space<vmem>> -> memref<80x128xf32, #tpu.memory_space<vmem>>
    %dma_start3A_97 = arith.constant 0 : i32
    %dma_start3A_98 = tpu.memref_slice %arg9[%dma_start3A_91, %dma_start3A_97] : memref<2x80xi32, #tpu.memory_space<vmem>> -> memref<1x80xi32, #tpu.memory_space<vmem>>
    %dma_start3A_99 = tpu.memref_squeeze %dma_start3A_98 : memref<1x80xi32, #tpu.memory_space<vmem>> -> memref<80xi32, #tpu.memory_space<vmem>>
    %dma_start3A_100 = arith.constant 0 : i32
    %dma_start3A_101 = arith.constant 0 : i32
    %dma_start3A_102 = tpu.memref_slice %arg2[%dma_start3A_100, %dma_start3A_101] : memref<10000x128xf32, #tpu.memory_space<hbm>> -> memref<10000x128xf32, #tpu.memory_space<hbm>>
    tpu.enqueue_indirect_dma source(%dma_start3A_102 : memref<10000x128xf32, #tpu.memory_space<hbm>>) target(%dma_start3A_96 : memref<80x128xf32, #tpu.memory_space<vmem>>) offsets(%dma_start3A_99 : memref<80xi32, #tpu.memory_space<vmem>>) semaphore(%arg19 : memref<!tpu.dma_semaphore, #tpu.memory_space<semaphore_mem>>)
    %dma_wait3A_103 = arith.constant 0 : i32
    %dma_wait3A_104 = arith.constant 0 : i32
    %dma_wait3A_105 = arith.constant 0 : i32
    %dma_wait3A_106 = arith.constant 0 : i32
    %dma_wait3A_107 = tpu.memref_slice %arg11[%dma_wait3A_104, %dma_wait3A_105, %dma_wait3A_106] : memref<2x80x128xf32, #tpu.memory_space<vmem>> -> memref<1x80x128xf32, #tpu.memory_space<vmem>>
    %dma_wait3A_108 = tpu.memref_squeeze %dma_wait3A_107 : memref<1x80x128xf32, #tpu.memory_space<vmem>> -> memref<80x128xf32, #tpu.memory_space<vmem>>
    %dma_wait3A_109 = arith.constant 0 : i32
    %dma_wait3A_110 = tpu.memref_slice %arg9[%dma_wait3A_103, %dma_wait3A_109] : memref<2x80xi32, #tpu.memory_space<vmem>> -> memref<1x80xi32, #tpu.memory_space<vmem>>
    %dma_wait3A_111 = tpu.memref_squeeze %dma_wait3A_110 : memref<1x80xi32, #tpu.memory_space<vmem>> -> memref<80xi32, #tpu.memory_space<vmem>>
    %dma_wait3A_112 = arith.constant 0 : i32
    %dma_wait3A_113 = arith.constant 0 : i32
    %dma_wait3A_114 = tpu.memref_slice %arg2[%dma_wait3A_112, %dma_wait3A_113] : memref<10000x128xf32, #tpu.memory_space<hbm>> -> memref<10000x128xf32, #tpu.memory_space<hbm>>
    tpu.wait_indirect_dma semaphore(%arg19 : memref<!tpu.dma_semaphore, #tpu.memory_space<semaphore_mem>>) src(%dma_wait3A_114 : memref<10000x128xf32, #tpu.memory_space<hbm>>) dst(%dma_wait3A_108 : memref<80x128xf32, #tpu.memory_space<vmem>>)
    %add3A_115 = arith.constant 9920 : i32
    %add3A_116 = arith.addi %mul3A_2, %add3A_115 : i32
    %dma_wait3A_117 = arith.constant 0 : i32
    %dma_wait3A_118 = arith.constant 0 : i32
    %dma_wait3A_119 = arith.constant 0 : i32
    %dma_wait3A_120 = tpu.memref_slice %arg10[%dma_wait3A_117, %dma_wait3A_118, %dma_wait3A_119] : memref<2x80x128xf32, #tpu.memory_space<vmem>> -> memref<1x80x128xf32, #tpu.memory_space<vmem>>
    %dma_wait3A_121 = tpu.memref_squeeze %dma_wait3A_120 : memref<1x80x128xf32, #tpu.memory_space<vmem>> -> memref<80x128xf32, #tpu.memory_space<vmem>>
    %dma_wait3A_122 = arith.constant 0 : i32
    %dma_wait3A_123 = tpu.memref_slice %arg5[%add3A_116, %dma_wait3A_122] : memref<320000x128xf32, #tpu.memory_space<hbm>> -> memref<80x128xf32, #tpu.memory_space<hbm>>
    %dma_wait3A_124 = arith.constant 0 : i32
    %dma_wait3A_125 = arith.constant 0 : i32
    %dma_wait3A_126 = tpu.memref_slice %arg10[%dma_wait3A_117, %dma_wait3A_124, %dma_wait3A_125] : memref<2x80x128xf32, #tpu.memory_space<vmem>> -> memref<1x80x128xf32, #tpu.memory_space<vmem>>
    %dma_wait3A_127 = tpu.memref_squeeze %dma_wait3A_126 : memref<1x80x128xf32, #tpu.memory_space<vmem>> -> memref<80x128xf32, #tpu.memory_space<vmem>>
    %dma_wait3A_128 = arith.constant 0 : i32
    %dma_wait3A_129 = tpu.memref_slice %arg5[%add3A_116, %dma_wait3A_128] : memref<320000x128xf32, #tpu.memory_space<hbm>> -> memref<80x128xf32, #tpu.memory_space<hbm>>
    tpu.wait_dma2 semaphore(%arg17 : memref<!tpu.dma_semaphore, #tpu.memory_space<semaphore_mem>>) src(%dma_wait3A_129 : memref<80x128xf32, #tpu.memory_space<hbm>>) dst(%dma_wait3A_127 : memref<80x128xf32, #tpu.memory_space<vmem>>)
    %scan3A_130 = arith.constant 0 : i32
    %scan3A_131 = arith.constant 0 : i32
    %scan3A_132 = arith.constant 80 : i32
    %scan3A_133 = arith.addi %scan3A_131, %scan3A_132 : i32
    %scan3A_134 = arith.constant 1 : i32
    scf.for %scan3A_179 = %scan3A_131 to %scan3A_133 step %scan3A_134  : i32 {
      %get3A = arith.constant 0 : i32
      %get3A_180 = arith.index_cast %get3A : i32 to index
      %get3A_181 = arith.index_cast %scan3A_179 : i32 to index
      %get3A_182 = arith.constant 0 : index
      %get3A_183 = tpu.vector_load %arg11[%get3A_180, %get3A_181, %get3A_182] {strides = array<i32>} : memref<2x80x128xf32, #tpu.memory_space<vmem>>, vector<1x1x16xf32>,
      %get3A_184 = vector.shape_cast %get3A_183 : vector<1x1x16xf32> to vector<16xf32>
      %get3A_185 = arith.constant 0 : i32
      %get3A_186 = arith.index_cast %get3A_185 : i32 to index
      %get3A_187 = arith.index_cast %scan3A_179 : i32 to index
      %get3A_188 = arith.constant 0 : index
      %get3A_189 = tpu.vector_load %arg10[%get3A_186, %get3A_187, %get3A_188] {strides = array<i32>} : memref<2x80x128xf32, #tpu.memory_space<vmem>>, vector<1x1x16xf32>,
      %get3A_190 = vector.shape_cast %get3A_189 : vector<1x1x16xf32> to vector<16xf32>
      %add3A_191 = arith.addf %get3A_184, %get3A_190 : vector<16xf32>
      %swap3A = arith.constant 0 : i32
      %swap3A_192 = arith.index_cast %swap3A : i32 to index
      %swap3A_193 = arith.index_cast %scan3A_179 : i32 to index
      %swap3A_194 = arith.constant 0 : index
      %swap3A_195 = tpu.vector_load %arg11[%swap3A_192, %swap3A_193, %swap3A_194] {strides = array<i32>} : memref<2x80x128xf32, #tpu.memory_space<vmem>>, vector<1x1x16xf32>,
      %swap3A_196 = vector.shape_cast %swap3A_195 : vector<1x1x16xf32> to vector<16xf32>
      %swap3A_197 = vector.shape_cast %add3A_191 : vector<16xf32> to vector<1x1x16xf32>
      tpu.vector_store %arg11[%swap3A_192, %swap3A_193, %swap3A_194], %swap3A_197 {strides = array<i32>} : memref<2x80x128xf32, #tpu.memory_space<vmem>>, vector<1x1x16xf32>,
      %get3A_198 = arith.constant 0 : i32
      %get3A_199 = arith.index_cast %get3A_198 : i32 to index
      %get3A_200 = arith.index_cast %scan3A_179 : i32 to index
      %get3A_201 = arith.constant 16 : index
      %get3A_202 = tpu.vector_load %arg11[%get3A_199, %get3A_200, %get3A_201] {strides = array<i32>} : memref<2x80x128xf32, #tpu.memory_space<vmem>>, vector<1x1x16xf32>,
      %get3A_203 = vector.shape_cast %get3A_202 : vector<1x1x16xf32> to vector<16xf32>
      %get3A_204 = arith.constant 0 : i32
      %get3A_205 = arith.index_cast %get3A_204 : i32 to index
      %get3A_206 = arith.index_cast %scan3A_179 : i32 to index
      %get3A_207 = arith.constant 16 : index
      %get3A_208 = tpu.vector_load %arg10[%get3A_205, %get3A_206, %get3A_207] {strides = array<i32>} : memref<2x80x128xf32, #tpu.memory_space<vmem>>, vector<1x1x16xf32>,
      %get3A_209 = vector.shape_cast %get3A_208 : vector<1x1x16xf32> to vector<16xf32>
      %add3A_210 = arith.addf %get3A_203, %get3A_209 : vector<16xf32>
      %swap3A_211 = arith.constant 0 : i32
      %swap3A_212 = arith.index_cast %swap3A_211 : i32 to index
      %swap3A_213 = arith.index_cast %scan3A_179 : i32 to index
      %swap3A_214 = arith.constant 16 : index
      %swap3A_215 = tpu.vector_load %arg11[%swap3A_212, %swap3A_213, %swap3A_214] {strides = array<i32>} : memref<2x80x128xf32, #tpu.memory_space<vmem>>, vector<1x1x16xf32>,
      %swap3A_216 = vector.shape_cast %swap3A_215 : vector<1x1x16xf32> to vector<16xf32>
      %swap3A_217 = vector.shape_cast %add3A_210 : vector<16xf32> to vector<1x1x16xf32>
      tpu.vector_store %arg11[%swap3A_212, %swap3A_213, %swap3A_214], %swap3A_217 {strides = array<i32>} : memref<2x80x128xf32, #tpu.memory_space<vmem>>, vector<1x1x16xf32>,
      %get3A_218 = arith.constant 0 : i32
      %get3A_219 = arith.index_cast %get3A_218 : i32 to index
      %get3A_220 = arith.index_cast %scan3A_179 : i32 to index
      %get3A_221 = arith.constant 32 : index
      %get3A_222 = tpu.vector_load %arg11[%get3A_219, %get3A_220, %get3A_221] {strides = array<i32>} : memref<2x80x128xf32, #tpu.memory_space<vmem>>, vector<1x1x16xf32>,
      %get3A_223 = vector.shape_cast %get3A_222 : vector<1x1x16xf32> to vector<16xf32>
      %get3A_224 = arith.constant 0 : i32
      %get3A_225 = arith.index_cast %get3A_224 : i32 to index
      %get3A_226 = arith.index_cast %scan3A_179 : i32 to index
      %get3A_227 = arith.constant 32 : index
      %get3A_228 = tpu.vector_load %arg10[%get3A_225, %get3A_226, %get3A_227] {strides = array<i32>} : memref<2x80x128xf32, #tpu.memory_space<vmem>>, vector<1x1x16xf32>,
      %get3A_229 = vector.shape_cast %get3A_228 : vector<1x1x16xf32> to vector<16xf32>
      %add3A_230 = arith.addf %get3A_223, %get3A_229 : vector<16xf32>
      %swap3A_231 = arith.constant 0 : i32
      %swap3A_232 = arith.index_cast %swap3A_231 : i32 to index
      %swap3A_233 = arith.index_cast %scan3A_179 : i32 to index
      %swap3A_234 = arith.constant 32 : index
      %swap3A_235 = tpu.vector_load %arg11[%swap3A_232, %swap3A_233, %swap3A_234] {strides = array<i32>} : memref<2x80x128xf32, #tpu.memory_space<vmem>>, vector<1x1x16xf32>,
      %swap3A_236 = vector.shape_cast %swap3A_235 : vector<1x1x16xf32> to vector<16xf32>
      %swap3A_237 = vector.shape_cast %add3A_230 : vector<16xf32> to vector<1x1x16xf32>
      tpu.vector_store %arg11[%swap3A_232, %swap3A_233, %swap3A_234], %swap3A_237 {strides = array<i32>} : memref<2x80x128xf32, #tpu.memory_space<vmem>>, vector<1x1x16xf32>,
      %get3A_238 = arith.constant 0 : i32
      %get3A_239 = arith.index_cast %get3A_238 : i32 to index
      %get3A_240 = arith.index_cast %scan3A_179 : i32 to index
      %get3A_241 = arith.constant 48 : index
      %get3A_242 = tpu.vector_load %arg11[%get3A_239, %get3A_240, %get3A_241] {strides = array<i32>} : memref<2x80x128xf32, #tpu.memory_space<vmem>>, vector<1x1x16xf32>,
      %get3A_243 = vector.shape_cast %get3A_242 : vector<1x1x16xf32> to vector<16xf32>
      %get3A_244 = arith.constant 0 : i32
      %get3A_245 = arith.index_cast %get3A_244 : i32 to index
      %get3A_246 = arith.index_cast %scan3A_179 : i32 to index
      %get3A_247 = arith.constant 48 : index
      %get3A_248 = tpu.vector_load %arg10[%get3A_245, %get3A_246, %get3A_247] {strides = array<i32>} : memref<2x80x128xf32, #tpu.memory_space<vmem>>, vector<1x1x16xf32>,
      %get3A_249 = vector.shape_cast %get3A_248 : vector<1x1x16xf32> to vector<16xf32>
      %add3A_250 = arith.addf %get3A_243, %get3A_249 : vector<16xf32>
      %swap3A_251 = arith.constant 0 : i32
      %swap3A_252 = arith.index_cast %swap3A_251 : i32 to index
      %swap3A_253 = arith.index_cast %scan3A_179 : i32 to index
      %swap3A_254 = arith.constant 48 : index
      %swap3A_255 = tpu.vector_load %arg11[%swap3A_252, %swap3A_253, %swap3A_254] {strides = array<i32>} : memref<2x80x128xf32, #tpu.memory_space<vmem>>, vector<1x1x16xf32>,
      %swap3A_256 = vector.shape_cast %swap3A_255 : vector<1x1x16xf32> to vector<16xf32>
      %swap3A_257 = vector.shape_cast %add3A_250 : vector<16xf32> to vector<1x1x16xf32>
      tpu.vector_store %arg11[%swap3A_252, %swap3A_253, %swap3A_254], %swap3A_257 {strides = array<i32>} : memref<2x80x128xf32, #tpu.memory_space<vmem>>, vector<1x1x16xf32>,
      %get3A_258 = arith.constant 0 : i32
      %get3A_259 = arith.index_cast %get3A_258 : i32 to index
      %get3A_260 = arith.index_cast %scan3A_179 : i32 to index
      %get3A_261 = arith.constant 64 : index
      %get3A_262 = tpu.vector_load %arg11[%get3A_259, %get3A_260, %get3A_261] {strides = array<i32>} : memref<2x80x128xf32, #tpu.memory_space<vmem>>, vector<1x1x16xf32>,
      %get3A_263 = vector.shape_cast %get3A_262 : vector<1x1x16xf32> to vector<16xf32>
      %get3A_264 = arith.constant 0 : i32
      %get3A_265 = arith.index_cast %get3A_264 : i32 to index
      %get3A_266 = arith.index_cast %scan3A_179 : i32 to index
      %get3A_267 = arith.constant 64 : index
      %get3A_268 = tpu.vector_load %arg10[%get3A_265, %get3A_266, %get3A_267] {strides = array<i32>} : memref<2x80x128xf32, #tpu.memory_space<vmem>>, vector<1x1x16xf32>,
      %get3A_269 = vector.shape_cast %get3A_268 : vector<1x1x16xf32> to vector<16xf32>
      %add3A_270 = arith.addf %get3A_263, %get3A_269 : vector<16xf32>
      %swap3A_271 = arith.constant 0 : i32
      %swap3A_272 = arith.index_cast %swap3A_271 : i32 to index
      %swap3A_273 = arith.index_cast %scan3A_179 : i32 to index
      %swap3A_274 = arith.constant 64 : index
      %swap3A_275 = tpu.vector_load %arg11[%swap3A_272, %swap3A_273, %swap3A_274] {strides = array<i32>} : memref<2x80x128xf32, #tpu.memory_space<vmem>>, vector<1x1x16xf32>,
      %swap3A_276 = vector.shape_cast %swap3A_275 : vector<1x1x16xf32> to vector<16xf32>
      %swap3A_277 = vector.shape_cast %add3A_270 : vector<16xf32> to vector<1x1x16xf32>
      tpu.vector_store %arg11[%swap3A_272, %swap3A_273, %swap3A_274], %swap3A_277 {strides = array<i32>} : memref<2x80x128xf32, #tpu.memory_space<vmem>>, vector<1x1x16xf32>,
      %get3A_278 = arith.constant 0 : i32
      %get3A_279 = arith.index_cast %get3A_278 : i32 to index
      %get3A_280 = arith.index_cast %scan3A_179 : i32 to index
      %get3A_281 = arith.constant 80 : index
      %get3A_282 = tpu.vector_load %arg11[%get3A_279, %get3A_280, %get3A_281] {strides = array<i32>} : memref<2x80x128xf32, #tpu.memory_space<vmem>>, vector<1x1x16xf32>,
      %get3A_283 = vector.shape_cast %get3A_282 : vector<1x1x16xf32> to vector<16xf32>
      %get3A_284 = arith.constant 0 : i32
      %get3A_285 = arith.index_cast %get3A_284 : i32 to index
      %get3A_286 = arith.index_cast %scan3A_179 : i32 to index
      %get3A_287 = arith.constant 80 : index
      %get3A_288 = tpu.vector_load %arg10[%get3A_285, %get3A_286, %get3A_287] {strides = array<i32>} : memref<2x80x128xf32, #tpu.memory_space<vmem>>, vector<1x1x16xf32>,
      %get3A_289 = vector.shape_cast %get3A_288 : vector<1x1x16xf32> to vector<16xf32>
      %add3A_290 = arith.addf %get3A_283, %get3A_289 : vector<16xf32>
      %swap3A_291 = arith.constant 0 : i32
      %swap3A_292 = arith.index_cast %swap3A_291 : i32 to index
      %swap3A_293 = arith.index_cast %scan3A_179 : i32 to index
      %swap3A_294 = arith.constant 80 : index
      %swap3A_295 = tpu.vector_load %arg11[%swap3A_292, %swap3A_293, %swap3A_294] {strides = array<i32>} : memref<2x80x128xf32, #tpu.memory_space<vmem>>, vector<1x1x16xf32>,
      %swap3A_296 = vector.shape_cast %swap3A_295 : vector<1x1x16xf32> to vector<16xf32>
      %swap3A_297 = vector.shape_cast %add3A_290 : vector<16xf32> to vector<1x1x16xf32>
      tpu.vector_store %arg11[%swap3A_292, %swap3A_293, %swap3A_294], %swap3A_297 {strides = array<i32>} : memref<2x80x128xf32, #tpu.memory_space<vmem>>, vector<1x1x16xf32>,
      %get3A_298 = arith.constant 0 : i32
      %get3A_299 = arith.index_cast %get3A_298 : i32 to index
      %get3A_300 = arith.index_cast %scan3A_179 : i32 to index
      %get3A_301 = arith.constant 96 : index
      %get3A_302 = tpu.vector_load %arg11[%get3A_299, %get3A_300, %get3A_301] {strides = array<i32>} : memref<2x80x128xf32, #tpu.memory_space<vmem>>, vector<1x1x16xf32>,
      %get3A_303 = vector.shape_cast %get3A_302 : vector<1x1x16xf32> to vector<16xf32>
      %get3A_304 = arith.constant 0 : i32
      %get3A_305 = arith.index_cast %get3A_304 : i32 to index
      %get3A_306 = arith.index_cast %scan3A_179 : i32 to index
      %get3A_307 = arith.constant 96 : index
      %get3A_308 = tpu.vector_load %arg10[%get3A_305, %get3A_306, %get3A_307] {strides = array<i32>} : memref<2x80x128xf32, #tpu.memory_space<vmem>>, vector<1x1x16xf32>,
      %get3A_309 = vector.shape_cast %get3A_308 : vector<1x1x16xf32> to vector<16xf32>
      %add3A_310 = arith.addf %get3A_303, %get3A_309 : vector<16xf32>
      %swap3A_311 = arith.constant 0 : i32
      %swap3A_312 = arith.index_cast %swap3A_311 : i32 to index
      %swap3A_313 = arith.index_cast %scan3A_179 : i32 to index
      %swap3A_314 = arith.constant 96 : index
      %swap3A_315 = tpu.vector_load %arg11[%swap3A_312, %swap3A_313, %swap3A_314] {strides = array<i32>} : memref<2x80x128xf32, #tpu.memory_space<vmem>>, vector<1x1x16xf32>,
      %swap3A_316 = vector.shape_cast %swap3A_315 : vector<1x1x16xf32> to vector<16xf32>
      %swap3A_317 = vector.shape_cast %add3A_310 : vector<16xf32> to vector<1x1x16xf32>
      tpu.vector_store %arg11[%swap3A_312, %swap3A_313, %swap3A_314], %swap3A_317 {strides = array<i32>} : memref<2x80x128xf32, #tpu.memory_space<vmem>>, vector<1x1x16xf32>,
      %get3A_318 = arith.constant 0 : i32
      %get3A_319 = arith.index_cast %get3A_318 : i32 to index
      %get3A_320 = arith.index_cast %scan3A_179 : i32 to index
      %get3A_321 = arith.constant 112 : index
      %get3A_322 = tpu.vector_load %arg11[%get3A_319, %get3A_320, %get3A_321] {strides = array<i32>} : memref<2x80x128xf32, #tpu.memory_space<vmem>>, vector<1x1x16xf32>,
      %get3A_323 = vector.shape_cast %get3A_322 : vector<1x1x16xf32> to vector<16xf32>
      %get3A_324 = arith.constant 0 : i32
      %get3A_325 = arith.index_cast %get3A_324 : i32 to index
      %get3A_326 = arith.index_cast %scan3A_179 : i32 to index
      %get3A_327 = arith.constant 112 : index
      %get3A_328 = tpu.vector_load %arg10[%get3A_325, %get3A_326, %get3A_327] {strides = array<i32>} : memref<2x80x128xf32, #tpu.memory_space<vmem>>, vector<1x1x16xf32>,
      %get3A_329 = vector.shape_cast %get3A_328 : vector<1x1x16xf32> to vector<16xf32>
      %add3A_330 = arith.addf %get3A_323, %get3A_329 : vector<16xf32>
      %swap3A_331 = arith.constant 0 : i32
      %swap3A_332 = arith.index_cast %swap3A_331 : i32 to index
      %swap3A_333 = arith.index_cast %scan3A_179 : i32 to index
      %swap3A_334 = arith.constant 112 : index
      %swap3A_335 = tpu.vector_load %arg11[%swap3A_332, %swap3A_333, %swap3A_334] {strides = array<i32>} : memref<2x80x128xf32, #tpu.memory_space<vmem>>, vector<1x1x16xf32>,
      %swap3A_336 = vector.shape_cast %swap3A_335 : vector<1x1x16xf32> to vector<16xf32>
      %swap3A_337 = vector.shape_cast %add3A_330 : vector<16xf32> to vector<1x1x16xf32>
      tpu.vector_store %arg11[%swap3A_332, %swap3A_333, %swap3A_334], %swap3A_337 {strides = array<i32>} : memref<2x80x128xf32, #tpu.memory_space<vmem>>, vector<1x1x16xf32>,
    }
    %scan3A_135 = arith.constant 80 : i32
    %add3A_136 = arith.constant 9920 : i32
    %add3A_137 = arith.addi %mul3A_2, %add3A_136 : i32
    %dma_wait3A_138 = arith.constant 0 : i32
    %dma_wait3A_139 = arith.constant 0 : i32
    %dma_wait3A_140 = tpu.memref_slice %arg8[%dma_wait3A_138, %dma_wait3A_139] : memref<2x80xi32, #tpu.memory_space<vmem>> -> memref<1x80xi32, #tpu.memory_space<vmem>>
    %dma_wait3A_141 = tpu.memref_squeeze %dma_wait3A_140 : memref<1x80xi32, #tpu.memory_space<vmem>> -> memref<80xi32, #tpu.memory_space<vmem>>
    %dma_wait3A_142 = tpu.memref_slice %arg3[%add3A_137] : memref<320000xi32, #tpu.memory_space<hbm>> -> memref<80xi32, #tpu.memory_space<hbm>>
    %dma_wait3A_143 = arith.constant 0 : i32
    %dma_wait3A_144 = tpu.memref_slice %arg8[%dma_wait3A_138, %dma_wait3A_143] : memref<2x80xi32, #tpu.memory_space<vmem>> -> memref<1x80xi32, #tpu.memory_space<vmem>>
    %dma_wait3A_145 = tpu.memref_squeeze %dma_wait3A_144 : memref<1x80xi32, #tpu.memory_space<vmem>> -> memref<80xi32, #tpu.memory_space<vmem>>
    %dma_wait3A_146 = tpu.memref_slice %arg3[%add3A_137] : memref<320000xi32, #tpu.memory_space<hbm>> -> memref<80xi32, #tpu.memory_space<hbm>>
    tpu.wait_dma2 semaphore(%arg13 : memref<!tpu.dma_semaphore, #tpu.memory_space<semaphore_mem>>) src(%dma_wait3A_146 : memref<80xi32, #tpu.memory_space<hbm>>) dst(%dma_wait3A_145 : memref<80xi32, #tpu.memory_space<vmem>>)
    %dma_start3A_147 = arith.constant 0 : i32
    %dma_start3A_148 = arith.constant 0 : i32
    %dma_start3A_149 = arith.constant 0 : i32
    %dma_start3A_150 = arith.constant 0 : i32
    %dma_start3A_151 = tpu.memref_slice %arg11[%dma_start3A_147, %dma_start3A_149, %dma_start3A_150] : memref<2x80x128xf32, #tpu.memory_space<vmem>> -> memref<1x80x128xf32, #tpu.memory_space<vmem>>
    %dma_start3A_152 = tpu.memref_squeeze %dma_start3A_151 : memref<1x80x128xf32, #tpu.memory_space<vmem>> -> memref<80x128xf32, #tpu.memory_space<vmem>>
    %dma_start3A_153 = arith.constant 0 : i32
    %dma_start3A_154 = tpu.memref_slice %arg8[%dma_start3A_148, %dma_start3A_153] : memref<2x80xi32, #tpu.memory_space<vmem>> -> memref<1x80xi32, #tpu.memory_space<vmem>>
    %dma_start3A_155 = tpu.memref_squeeze %dma_start3A_154 : memref<1x80xi32, #tpu.memory_space<vmem>> -> memref<80xi32, #tpu.memory_space<vmem>>
    %dma_start3A_156 = arith.constant 0 : i32
    %dma_start3A_157 = arith.constant 0 : i32
    %dma_start3A_158 = tpu.memref_slice %arg12[%dma_start3A_156, %dma_start3A_157] : memref<10112x128xf32, #tpu.memory_space<vmem_shared>> -> memref<10112x128xf32, #tpu.memory_space<vmem_shared>>
    tpu.enqueue_indirect_dma source(%dma_start3A_152 : memref<80x128xf32, #tpu.memory_space<vmem>>) target(%dma_start3A_158 : memref<10112x128xf32, #tpu.memory_space<vmem_shared>>) offsets(%dma_start3A_155 : memref<80xi32, #tpu.memory_space<vmem>>) semaphore(%arg21 : memref<!tpu.dma_semaphore, #tpu.memory_space<semaphore_mem>>) {add = true}
    %dma_wait3A_159 = arith.constant 0 : i32
    %dma_wait3A_160 = arith.constant 0 : i32
    %dma_wait3A_161 = arith.constant 0 : i32
    %dma_wait3A_162 = arith.constant 0 : i32
    %dma_wait3A_163 = tpu.memref_slice %arg11[%dma_wait3A_159, %dma_wait3A_161, %dma_wait3A_162] : memref<2x80x128xf32, #tpu.memory_space<vmem>> -> memref<1x80x128xf32, #tpu.memory_space<vmem>>
    %dma_wait3A_164 = tpu.memref_squeeze %dma_wait3A_163 : memref<1x80x128xf32, #tpu.memory_space<vmem>> -> memref<80x128xf32, #tpu.memory_space<vmem>>
    %dma_wait3A_165 = arith.constant 0 : i32
    %dma_wait3A_166 = tpu.memref_slice %arg8[%dma_wait3A_160, %dma_wait3A_165] : memref<2x80xi32, #tpu.memory_space<vmem>> -> memref<1x80xi32, #tpu.memory_space<vmem>>
    %dma_wait3A_167 = tpu.memref_squeeze %dma_wait3A_166 : memref<1x80xi32, #tpu.memory_space<vmem>> -> memref<80xi32, #tpu.memory_space<vmem>>
    %dma_wait3A_168 = arith.constant 0 : i32
    %dma_wait3A_169 = arith.constant 0 : i32
    %dma_wait3A_170 = tpu.memref_slice %arg12[%dma_wait3A_168, %dma_wait3A_169] : memref<10112x128xf32, #tpu.memory_space<vmem_shared>> -> memref<10112x128xf32, #tpu.memory_space<vmem_shared>>
    tpu.wait_indirect_dma semaphore(%arg21 : memref<!tpu.dma_semaphore, #tpu.memory_space<semaphore_mem>>) src(%dma_wait3A_164 : memref<80x128xf32, #tpu.memory_space<vmem>>) dst(%dma_wait3A_170 : memref<10112x128xf32, #tpu.memory_space<vmem_shared>>)
    %barrier3A_171 = arith.constant 0 : index
    tpu.barrier barrier_id(%barrier3A_171)
    %mul3A_172 = arith.constant 632 : i32
    %mul3A_173 = arith.muli %arg1, %mul3A_172 : i32
    %mul3A_174 = arith.constant 10112 : i32
    %mul3A_175 = arith.muli %arg0, %mul3A_174 : i32
    %mul3A_176 = arith.constant 632 : i32
    %mul3A_177 = arith.muli %arg1, %mul3A_176 : i32
    %add3A_178 = arith.addi %mul3A_175, %mul3A_177 : i32
    "tpu.region"() ({
      %run_scoped3A = tpu.sem_alloc : memref<!tpu.dma_semaphore, #tpu.memory_space<semaphore_mem>>
      %dma_start3A_179 = arith.constant 0 : i32
      %dma_start3A_180 = tpu.memref_slice %arg7[%add3A_178, %dma_start3A_179] : memref<20224x128xf32, #tpu.memory_space<hbm>> -> memref<632x128xf32, #tpu.memory_space<hbm>>
      %dma_start3A_181 = arith.constant 0 : i32
      %dma_start3A_182 = tpu.memref_slice %arg12[%mul3A_173, %dma_start3A_181] : memref<10112x128xf32, #tpu.memory_space<vmem_shared>> -> memref<632x128xf32, #tpu.memory_space<vmem_shared>>
      tpu.enqueue_dma source(%dma_start3A_182 : memref<632x128xf32, #tpu.memory_space<vmem_shared>>) target(%dma_start3A_180 : memref<632x128xf32, #tpu.memory_space<hbm>>) target_semaphore(%run_scoped3A : memref<!tpu.dma_semaphore, #tpu.memory_space<semaphore_mem>>)
      %dma_wait3A_183 = arith.constant 0 : i32
      %dma_wait3A_184 = tpu.memref_slice %arg7[%add3A_178, %dma_wait3A_183] : memref<20224x128xf32, #tpu.memory_space<hbm>> -> memref<632x128xf32, #tpu.memory_space<hbm>>
      %dma_wait3A_185 = arith.constant 0 : i32
      %dma_wait3A_186 = tpu.memref_slice %arg12[%mul3A_173, %dma_wait3A_185] : memref<10112x128xf32, #tpu.memory_space<vmem_shared>> -> memref<632x128xf32, #tpu.memory_space<vmem_shared>>
      tpu.wait_dma2 semaphore(%run_scoped3A : memref<!tpu.dma_semaphore, #tpu.memory_space<semaphore_mem>>) src(%dma_wait3A_186 : memref<632x128xf32, #tpu.memory_space<vmem_shared>>) dst(%dma_wait3A_184 : memref<632x128xf32, #tpu.memory_space<hbm>>)
      tpu.yield
    }) : () -> ()
    return
  }
}

module attributes {stable_mosaic.version = 14 : i64} {
  func.func @_node_update_body(%arg0: memref<10000x128xf32, #tpu.memory_space<vmem>>, %arg1: memref<2x10112x128xf32, #tpu.memory_space<vmem>>, %arg2: memref<256x128xf32, #tpu.memory_space<vmem>>, %arg3: memref<128xf32, #tpu.memory_space<vmem>>, %arg4: memref<128x128xf32, #tpu.memory_space<vmem>>, %arg5: memref<128xf32, #tpu.memory_space<vmem>>, %arg6: memref<10000x128xf32, #tpu.memory_space<vmem>>) attributes {dimension_semantics = [], scalar_prefetch = 0 : i64, scratch_operands = 0 : i64, tpu.core_type = #tpu.core_type<tc>} {
    %get3A = arith.constant 0 : index
    %get3A_0 = arith.constant 0 : index
    %get3A_1 = vector.load %arg0[%get3A, %get3A_0] : memref<10000x128xf32, #tpu.memory_space<vmem>>, vector<10000x128xf32>
    %get3A_2 = arith.constant 0 : index
    %get3A_3 = arith.constant 0 : index
    %get3A_4 = arith.constant 0 : index
    %get3A_5 = vector.load %arg1[%get3A_2, %get3A_3, %get3A_4] : memref<2x10112x128xf32, #tpu.memory_space<vmem>>, vector<1x10000x128xf32>
    %get3A_6 = vector.shape_cast %get3A_5 : vector<1x10000x128xf32> to vector<10000x128xf32>
    %get3A_7 = arith.constant 1 : index
    %get3A_8 = arith.constant 0 : index
    %get3A_9 = arith.constant 0 : index
    %get3A_10 = vector.load %arg1[%get3A_7, %get3A_8, %get3A_9] : memref<2x10112x128xf32, #tpu.memory_space<vmem>>, vector<1x10000x128xf32>
    %get3A_11 = vector.shape_cast %get3A_10 : vector<1x10000x128xf32> to vector<10000x128xf32>
    %add3A = arith.addf %get3A_6, %get3A_11 : vector<10000x128xf32>
    %get3A_12 = arith.constant 0 : index
    %get3A_13 = arith.constant 0 : index
    %get3A_14 = vector.load %arg2[%get3A_12, %get3A_13] : memref<256x128xf32, #tpu.memory_space<vmem>>, vector<128x128xf32>
    %dot_general3A = arith.constant dense<0.000000e+00> : vector<10000x128xf32>
    %dot_general3A_15 = tpu.matmul %get3A_1, %get3A_14, %dot_general3A {dimension_numbers = #tpu.dot_dimension_numbers<[1], [0], [0], [1], [0, 0, 1, 1], [], []>, transpose_lhs_hint = false} : vector<10000x128xf32>, vector<128x128xf32>, vector<10000x128xf32> -> vector<10000x128xf32>
    %get3A_16 = arith.constant 128 : index
    %get3A_17 = arith.constant 0 : index
    %get3A_18 = vector.load %arg2[%get3A_16, %get3A_17] : memref<256x128xf32, #tpu.memory_space<vmem>>, vector<128x128xf32>
    %dot_general3A_19 = arith.constant dense<0.000000e+00> : vector<10000x128xf32>
    %dot_general3A_20 = tpu.matmul %add3A, %get3A_18, %dot_general3A_19 {dimension_numbers = #tpu.dot_dimension_numbers<[1], [0], [0], [1], [0, 0, 1, 1], [], []>, transpose_lhs_hint = false} : vector<10000x128xf32>, vector<128x128xf32>, vector<10000x128xf32> -> vector<10000x128xf32>
    %add3A_21 = arith.addf %dot_general3A_15, %dot_general3A_20 : vector<10000x128xf32>
    %get3A_22 = arith.constant 0 : index
    %get3A_23 = vector.load %arg3[%get3A_22] : memref<128xf32, #tpu.memory_space<vmem>>, vector<128xf32>
    %broadcast_in_dim3A = vector.shape_cast %get3A_23 : vector<128xf32> to vector<1x128xf32>
    %add3A_24 = vector.broadcast %broadcast_in_dim3A : vector<1x128xf32> to vector<10000x128xf32>
    %add3A_25 = arith.addf %add3A_21, %add3A_24 : vector<10000x128xf32>
    %max3A = arith.constant 0.000000e+00 : f32
    %max3A_26 = vector.broadcast %max3A : f32 to vector<10000x128xf32>
    %max3A_27 = arith.maximumf %add3A_25, %max3A_26 : vector<10000x128xf32>
    %get3A_28 = arith.constant 0 : index
    %get3A_29 = arith.constant 0 : index
    %get3A_30 = vector.load %arg4[%get3A_28, %get3A_29] : memref<128x128xf32, #tpu.memory_space<vmem>>, vector<128x128xf32>
    %dot_general3A_31 = arith.constant dense<0.000000e+00> : vector<10000x128xf32>
    %dot_general3A_32 = tpu.matmul %max3A_27, %get3A_30, %dot_general3A_31 {dimension_numbers = #tpu.dot_dimension_numbers<[1], [0], [0], [1], [0, 0, 1, 1], [], []>, transpose_lhs_hint = false} : vector<10000x128xf32>, vector<128x128xf32>, vector<10000x128xf32> -> vector<10000x128xf32>
    %add3A_33 = arith.addf %get3A_1, %dot_general3A_32 : vector<10000x128xf32>
    %get3A_34 = arith.constant 0 : index
    %get3A_35 = vector.load %arg5[%get3A_34] : memref<128xf32, #tpu.memory_space<vmem>>, vector<128xf32>
    %broadcast_in_dim3A_36 = vector.shape_cast %get3A_35 : vector<128xf32> to vector<1x128xf32>
    %add3A_37 = vector.broadcast %broadcast_in_dim3A_36 : vector<1x128xf32> to vector<10000x128xf32>
    %add3A_38 = arith.addf %add3A_33, %add3A_37 : vector<10000x128xf32>
    %swap3A = arith.constant 0 : index
    %swap3A_39 = arith.constant 0 : index
    %swap3A_40 = vector.load %arg6[%swap3A, %swap3A_39] : memref<10000x128xf32, #tpu.memory_space<vmem>>, vector<10000x128xf32>
    tpu.vector_store %arg6[%swap3A, %swap3A_39], %add3A_38 {strides = array<i32>} : memref<10000x128xf32, #tpu.memory_space<vmem>>, vector<10000x128xf32>,
    return
  }
}

module attributes {stable_mosaic.version = 14 : i64} {
  func.func @_edge_mlp_body(%arg0: i32, %arg1: memref<4x12800xf32, #tpu.memory_space<vmem>>, %arg2: memref<4x128xf32, #tpu.memory_space<vmem>>, %arg3: memref<128xf32, #tpu.memory_space<vmem>>, %arg4: memref<128x128xf32, #tpu.memory_space<vmem>>, %arg5: memref<128xf32, #tpu.memory_space<vmem>>, %arg6: memref<12800x128xf32, #tpu.memory_space<vmem>>) attributes {dimension_semantics = [#tpu.dimension_semantics<arbitrary>], iteration_bounds = array<i64: 25>, scalar_prefetch = 0 : i64, scratch_operands = 0 : i64, tpu.core_type = #tpu.core_type<tc>, window_params = [{transform_indices = @transform_0, window_bounds = array<i64: 4, 12800>}, {pipeline_mode = #tpu.pipeline_mode<synchronous>, transform_indices = @transform_1, window_bounds = array<i64: 4, 128>}, {pipeline_mode = #tpu.pipeline_mode<synchronous>, transform_indices = @transform_2, window_bounds = array<i64: 128>}, {pipeline_mode = #tpu.pipeline_mode<synchronous>, transform_indices = @transform_3, window_bounds = array<i64: 128, 128>}, {pipeline_mode = #tpu.pipeline_mode<synchronous>, transform_indices = @transform_4, window_bounds = array<i64: 128>}, {transform_indices = @transform_5, window_bounds = array<i64: 12800, 128>}]} {
    %get3A = arith.constant 0 : index
    %get3A_0 = arith.constant 0 : index
    %get3A_1 = vector.load %arg1[%get3A, %get3A_0] : memref<4x12800xf32, #tpu.memory_space<vmem>>, vector<4x12800xf32>
    %get3A_2 = arith.constant 0 : index
    %get3A_3 = arith.constant 0 : index
    %get3A_4 = vector.load %arg2[%get3A_2, %get3A_3] : memref<4x128xf32, #tpu.memory_space<vmem>>, vector<4x128xf32>
    %dot_general3A = arith.constant dense<0.000000e+00> : vector<12800x128xf32>
    %dot_general3A_5 = tpu.matmul %get3A_1, %get3A_4, %dot_general3A {dimension_numbers = #tpu.dot_dimension_numbers<[0], [0], [1], [1], [0, 1, 1, 1], [], []>, transpose_lhs_hint = false} : vector<4x12800xf32>, vector<4x128xf32>, vector<12800x128xf32> -> vector<12800x128xf32>
    %get3A_6 = arith.constant 0 : index
    %get3A_7 = vector.load %arg3[%get3A_6] : memref<128xf32, #tpu.memory_space<vmem>>, vector<128xf32>
    %broadcast_in_dim3A = vector.shape_cast %get3A_7 : vector<128xf32> to vector<1x128xf32>
    %add3A = vector.broadcast %broadcast_in_dim3A : vector<1x128xf32> to vector<12800x128xf32>
    %add3A_8 = arith.addf %dot_general3A_5, %add3A : vector<12800x128xf32>
    %max3A = arith.constant 0.000000e+00 : f32
    %max3A_9 = vector.broadcast %max3A : f32 to vector<12800x128xf32>
    %max3A_10 = arith.maximumf %add3A_8, %max3A_9 : vector<12800x128xf32>
    %convert_element_type3A = arith.truncf %max3A_10 : vector<12800x128xf32> to vector<12800x128xbf16>
    %get3A_11 = arith.constant 0 : index
    %get3A_12 = arith.constant 0 : index
    %get3A_13 = vector.load %arg4[%get3A_11, %get3A_12] : memref<128x128xf32, #tpu.memory_space<vmem>>, vector<128x128xf32>
    %convert_element_type3A_14 = arith.truncf %get3A_13 : vector<128x128xf32> to vector<128x128xbf16>
    %dot_general3A_15 = arith.constant dense<0.000000e+00> : vector<12800x128xf32>
    %dot_general3A_16 = tpu.matmul %convert_element_type3A, %convert_element_type3A_14, %dot_general3A_15 {dimension_numbers = #tpu.dot_dimension_numbers<[1], [0], [0], [1], [0, 0, 1, 1], [], []>, transpose_lhs_hint = false} : vector<12800x128xbf16>, vector<128x128xbf16>, vector<12800x128xf32> -> vector<12800x128xf32>
    %get3A_17 = arith.constant 0 : index
    %get3A_18 = vector.load %arg5[%get3A_17] : memref<128xf32, #tpu.memory_space<vmem>>, vector<128xf32>
    %broadcast_in_dim3A_19 = vector.shape_cast %get3A_18 : vector<128xf32> to vector<1x128xf32>
    %add3A_20 = vector.broadcast %broadcast_in_dim3A_19 : vector<1x128xf32> to vector<12800x128xf32>
    %add3A_21 = arith.addf %dot_general3A_16, %add3A_20 : vector<12800x128xf32>
    %swap3A = arith.constant 0 : index
    %swap3A_22 = arith.constant 0 : index
    %swap3A_23 = vector.load %arg6[%swap3A, %swap3A_22] : memref<12800x128xf32, #tpu.memory_space<vmem>>, vector<12800x128xf32>
    tpu.vector_store %arg6[%swap3A, %swap3A_22], %add3A_21 {strides = array<i32>} : memref<12800x128xf32, #tpu.memory_space<vmem>>, vector<12800x128xf32>,
    return
  }
  func.func @transform_0(%arg0: i32) -> (i32, i32) {
    %c0_i32 = arith.constant 0 : i32
    %c0_i32_0 = arith.constant 0 : i32
    return %c0_i32, %arg0 : i32, i32
  }
  func.func @transform_1(%arg0: i32) -> (i32, i32) {
    %c0_i32 = arith.constant 0 : i32
    %c0_i32_0 = arith.constant 0 : i32
    %c0_i32_1 = arith.constant 0 : i32
    return %c0_i32, %c0_i32_0 : i32, i32
  }
  func.func @transform_2(%arg0: i32) -> i32 {
    %c0_i32 = arith.constant 0 : i32
    %c0_i32_0 = arith.constant 0 : i32
    return %c0_i32 : i32
  }
  func.func @transform_3(%arg0: i32) -> (i32, i32) {
    %c0_i32 = arith.constant 0 : i32
    %c0_i32_0 = arith.constant 0 : i32
    %c0_i32_1 = arith.constant 0 : i32
    return %c0_i32, %c0_i32_0 : i32, i32
  }
  func.func @transform_4(%arg0: i32) -> i32 {
    %c0_i32 = arith.constant 0 : i32
    %c0_i32_0 = arith.constant 0 : i32
    return %c0_i32 : i32
  }
  func.func @transform_5(%arg0: i32) -> (i32, i32) {
    %c0_i32 = arith.constant 0 : i32
    %c0_i32_0 = arith.constant 0 : i32
    return %arg0, %c0_i32 : i32, i32
  }
}

module attributes {stable_mosaic.version = 14 : i64} {
  func.func @_node_update_body(%arg0: memref<10000x128xf32, #tpu.memory_space<vmem>>, %arg1: memref<2x10112x128xf32, #tpu.memory_space<vmem>>, %arg2: memref<256x128xf32, #tpu.memory_space<vmem>>, %arg3: memref<128xf32, #tpu.memory_space<vmem>>, %arg4: memref<128x128xf32, #tpu.memory_space<vmem>>, %arg5: memref<128xf32, #tpu.memory_space<vmem>>, %arg6: memref<10000x128xf32, #tpu.memory_space<vmem>>) attributes {dimension_semantics = [], scalar_prefetch = 0 : i64, scratch_operands = 0 : i64, tpu.core_type = #tpu.core_type<tc>} {
    %get3A = arith.constant 0 : index
    %get3A_0 = arith.constant 0 : index
    %get3A_1 = vector.load %arg0[%get3A, %get3A_0] : memref<10000x128xf32, #tpu.memory_space<vmem>>, vector<10000x128xf32>
    %get3A_2 = arith.constant 0 : index
    %get3A_3 = arith.constant 0 : index
    %get3A_4 = arith.constant 0 : index
    %get3A_5 = vector.load %arg1[%get3A_2, %get3A_3, %get3A_4] : memref<2x10112x128xf32, #tpu.memory_space<vmem>>, vector<1x10000x128xf32>
    %get3A_6 = vector.shape_cast %get3A_5 : vector<1x10000x128xf32> to vector<10000x128xf32>
    %get3A_7 = arith.constant 1 : index
    %get3A_8 = arith.constant 0 : index
    %get3A_9 = arith.constant 0 : index
    %get3A_10 = vector.load %arg1[%get3A_7, %get3A_8, %get3A_9] : memref<2x10112x128xf32, #tpu.memory_space<vmem>>, vector<1x10000x128xf32>
    %get3A_11 = vector.shape_cast %get3A_10 : vector<1x10000x128xf32> to vector<10000x128xf32>
    %add3A = arith.addf %get3A_6, %get3A_11 : vector<10000x128xf32>
    %get3A_12 = arith.constant 0 : index
    %get3A_13 = arith.constant 0 : index
    %get3A_14 = vector.load %arg2[%get3A_12, %get3A_13] : memref<256x128xf32, #tpu.memory_space<vmem>>, vector<128x128xf32>
    %dot_general3A = arith.constant dense<0.000000e+00> : vector<10000x128xf32>
    %dot_general3A_15 = tpu.matmul %get3A_1, %get3A_14, %dot_general3A {dimension_numbers = #tpu.dot_dimension_numbers<[1], [0], [0], [1], [0, 0, 1, 1], [], []>, transpose_lhs_hint = false} : vector<10000x128xf32>, vector<128x128xf32>, vector<10000x128xf32> -> vector<10000x128xf32>
    %get3A_16 = arith.constant 128 : index
    %get3A_17 = arith.constant 0 : index
    %get3A_18 = vector.load %arg2[%get3A_16, %get3A_17] : memref<256x128xf32, #tpu.memory_space<vmem>>, vector<128x128xf32>
    %dot_general3A_19 = arith.constant dense<0.000000e+00> : vector<10000x128xf32>
    %dot_general3A_20 = tpu.matmul %add3A, %get3A_18, %dot_general3A_19 {dimension_numbers = #tpu.dot_dimension_numbers<[1], [0], [0], [1], [0, 0, 1, 1], [], []>, transpose_lhs_hint = false} : vector<10000x128xf32>, vector<128x128xf32>, vector<10000x128xf32> -> vector<10000x128xf32>
    %add3A_21 = arith.addf %dot_general3A_15, %dot_general3A_20 : vector<10000x128xf32>
    %get3A_22 = arith.constant 0 : index
    %get3A_23 = vector.load %arg3[%get3A_22] : memref<128xf32, #tpu.memory_space<vmem>>, vector<128xf32>
    %broadcast_in_dim3A = vector.shape_cast %get3A_23 : vector<128xf32> to vector<1x128xf32>
    %add3A_24 = vector.broadcast %broadcast_in_dim3A : vector<1x128xf32> to vector<10000x128xf32>
    %add3A_25 = arith.addf %add3A_21, %add3A_24 : vector<10000x128xf32>
    %max3A = arith.constant 0.000000e+00 : f32
    %max3A_26 = vector.broadcast %max3A : f32 to vector<10000x128xf32>
    %max3A_27 = arith.maximumf %add3A_25, %max3A_26 : vector<10000x128xf32>
    %get3A_28 = arith.constant 0 : index
    %get3A_29 = arith.constant 0 : index
    %get3A_30 = vector.load %arg4[%get3A_28, %get3A_29] : memref<128x128xf32, #tpu.memory_space<vmem>>, vector<128x128xf32>
    %dot_general3A_31 = arith.constant dense<0.000000e+00> : vector<10000x128xf32>
    %dot_general3A_32 = tpu.matmul %max3A_27, %get3A_30, %dot_general3A_31 {dimension_numbers = #tpu.dot_dimension_numbers<[1], [0], [0], [1], [0, 0, 1, 1], [], []>, transpose_lhs_hint = false} : vector<10000x128xf32>, vector<128x128xf32>, vector<10000x128xf32> -> vector<10000x128xf32>
    %add3A_33 = arith.addf %get3A_1, %dot_general3A_32 : vector<10000x128xf32>
    %get3A_34 = arith.constant 0 : index
    %get3A_35 = vector.load %arg5[%get3A_34] : memref<128xf32, #tpu.memory_space<vmem>>, vector<128xf32>
    %broadcast_in_dim3A_36 = vector.shape_cast %get3A_35 : vector<128xf32> to vector<1x128xf32>
    %add3A_37 = vector.broadcast %broadcast_in_dim3A_36 : vector<1x128xf32> to vector<10000x128xf32>
    %add3A_38 = arith.addf %add3A_33, %add3A_37 : vector<10000x128xf32>
    %swap3A = arith.constant 0 : index
    %swap3A_39 = arith.constant 0 : index
    %swap3A_40 = vector.load %arg6[%swap3A, %swap3A_39] : memref<10000x128xf32, #tpu.memory_space<vmem>>, vector<10000x128xf32>
    tpu.vector_store %arg6[%swap3A, %swap3A_39], %add3A_38 {strides = array<i32>} : memref<10000x128xf32, #tpu.memory_space<vmem>>, vector<10000x128xf32>,
    return
  }
}

</mosaic_0001>

<sc_bundles>
// kernel: kernel.11.cloned.1.call-start
scs
__scs_entry_jumppad:
0x0: {  	(pc) =	sbr.rel $0x88, $3  }
0x1: {  	(tag) =	ssettag $0x0;
	lr =	simm.s32 $0x1  }
0x2: {  	[smem:$0x3F8E] =	sst lr;
	_ =	strace $0xD0000000  }
0x3: {  	_ = 	snop  }
0x4: {  	_ = 	snop  }
0x5: {  	_ = 	snop  }
0x6: {  	_ = 	snop  }
0x7: {  	_ = 	snop  }
__scs_overlays_trampoline_lowered:
0x8: {  	[smem:$0x3F9D] =	sst s0  }
0x9: {  	[smem:$0x3F9E] =	sst s1  }
0xa: {  	[smem:$0x3F9F] =	sst s2  }
0xb: {  	[smem:$0x3FA0] =	sst s3  }
0xc: {  	[smem:$0x3FA1] =	sst s4  }
0xd: {  	[smem:$0x3FA2] =	sst s5  }
0xe: {  	[smem:$0x3FA3] =	sst s6  }
0xf: {  	[smem:$0x3FA4] =	sst s7  }
0x10: {  	[smem:$0x3FA5] =	sst s8  }
0x11: {  	[smem:$0x3FA6] =	sst s9;
	s0 =	simm.s32 @!p0 $0x0  }
0x12: {  	s1 =	sld [smem:$0x3F8C];
	s0 =	simm.s32 @p0 $0x1  }
0x13: {  	[smem:$0x3FA7] =	sst s0;
	s0 =	simm.s32 @!p1 $0x0  }
0x14: {  	s2 =	sld [smem:$0x3F8B];
	s0 =	simm.s32 @p1 $0x1  }
0x15: {  	[smem:$0x3FA8] =	sst s0;
	s0 =	simm.s32 @!p2 $0x0  }
0x16: {  	s3 =	sld [smem:$0x3FDB];
	s0 =	simm.s32 @p2 $0x1  }
0x17: {  	s4 =	simm.s32 $0x1BF5;
	[smem:$0x3FAA] =	sst s0  }
0x18: {  	s0 =	sld [smem:$0x3F8D];
	_ =	swait.ge [sflag:s4], $0x0  }
0x19: {  	s7 =	sld [smem:$0x3F8E]  }
0x1a: {  	s8 =	sadd.s32 $0xFFFFE003, lr  }
0x1b: {  	s9 =	sadd.s32 $0xFFFFFEF7, lr;
	s5 =	simm.s32 $0xFFFFFFFF;
	p2 =	slt.u32 s8, $0xFFFFF086  }
0x1c: {  	p1 =	slt.u32 s9, $0xF7A;
	s5 =	simm.s32 @!p2 $0x0  }
0x1d: {  	s5 =	simm.s32 @p1 $0x1;
	p0 =	seq.s32 s7, s2  }
0x1e: {  	s7 =	smul.u32 @!p0 $0xF7A, s2;
	p2 =	seq.s32 @!p0 s5, $0x0  }
0x1f: {  	s9 =	smul.u32 $0xF7A, s1;
	s8 =	simm.s32 @!p0 $0x1BF5;
	p2 =	por !p2, p0  }
0x20: {  	[sflag:s8] =	ssyncset.s32 @!p0 $0xFFFFF086;
	s6 =	sadd.s32 @!p0 s3, s7;
	s7 =	simm.s32 @!p0 $0x108  }
0x21: {  	s3 =	sadd.s32 s3, s9;
	s6 =	sadd.s32 @!p0 $0x88, s6;
	s7 =	simm.s32 @p2 $0x1082  }
0x22: {  	[simem:s7], [sflag:s8] =	dma.local @!p0 [hbm:s6], $0xF7A  }
0x23: {  	s9 =	sor.u32 $0xD0000000, s2;
	s6 =	simm.s32 $0x108;
	_ =	swait.ge @!p0 [sflag:s8], $0x0  }
0x24: {  	s3 =	sadd.s32 $0x88, s3;
	s6 =	simm.s32 @!p1 $0x1082;
	[sflag:s4] =	ssyncset.s32 $0xFFFFF086  }
0x25: {  	[simem:s6], [sflag:s4] =	dma.local [hbm:s3], $0xF7A  }
0x26: {  	[smem:$0x3F8E] =	sst s1;
	(tag) =	ssettag s2;
	_ =	strace s9  }
0x27: {  	s1 =	sld [smem:$0x3F9E]  }
0x28: {  	s2 =	sld [smem:$0x3F9F]  }
0x29: {  	s4 =	sld [smem:$0x3FA1]  }
0x2a: {  	p0 =	seq.s32 s5, $0x0;
	s5 =	sld [smem:$0x3FA2]  }
0x2b: {  	s6 =	sld [smem:$0x3FA3]  }
0x2c: {  	s7 =	sld [smem:$0x3FA4]  }
0x2d: {  	s3 =	simm.s32 $0x108;
	s8 =	sld [smem:$0x3FA5]  }
0x2e: {  	s3 =	simm.s32 @!p0 $0x1082;
	s9 =	sld [smem:$0x3FA6]  }
0x2f: {  	lr =	sadd.s32 s0, s3;
	s0 =	sld [smem:$0x3F9D]  }
0x30: {  	s3 =	sld [smem:$0x3FA0]  }
0x31: {  	[smem:$0x3FA9] =	sst s10  }
0x32: {  	s10 =	sld [smem:$0x3FA7];
	_ =	sdelay $0x3  }
0x33: {  	p0 =	seq.s32 s10, $0x1;
	s10 =	sld [smem:$0x3FA9];
	_ =	sdelay $0x3  }
0x34: {  	[smem:$0x3FA9] =	sst s10  }
0x35: {  	s10 =	sld [smem:$0x3FA8];
	_ =	sdelay $0x3  }
0x36: {  	p1 =	seq.s32 s10, $0x1;
	s10 =	sld [smem:$0x3FA9];
	_ =	sdelay $0x3  }
0x37: {  	[smem:$0x3FA9] =	sst s10  }
0x38: {  	s10 =	sld [smem:$0x3FAA]  }
0x39: {  	_ = 	snop;
	(pc) =	sbr.ind lr, $3  }
0x3a: {  	_ = 	snop  }
0x3b: {  	_ = 	snop  }
0x3c: {  	p2 =	seq.s32 s10, $0x1;
	s10 =	sld [smem:$0x3FA9]  }
0x3d: {  	_ =	shalt  }
0x3e: {  	_ =	shalt  }
0x3f: {  	_ =	shalt  }
0x40: {  	_ =	shalt  }
0x41: {  	_ =	shalt  }
0x42: {  	_ =	shalt  }
0x43: {  	_ =	shalt  }
0x44: {  	_ =	shalt  }
0x45: {  	_ =	shalt  }
0x46: {  	_ =	shalt  }
0x47: {  	_ =	shalt  }
0x48: {  	_ =	shalt  }
0x49: {  	_ =	shalt  }
0x4a: {  	_ =	shalt  }
0x4b: {  	_ =	shalt  }
0x4c: {  	_ =	shalt  }
0x4d: {  	_ =	shalt  }
0x4e: {  	_ =	shalt  }
0x4f: {  	_ =	shalt  }
0x50: {  	_ =	shalt  }
0x51: {  	_ =	shalt  }
0x52: {  	_ =	shalt  }
0x53: {  	_ =	shalt  }
0x54: {  	_ =	shalt  }
0x55: {  	_ =	shalt  }
0x56: {  	_ =	shalt  }
0x57: {  	_ =	shalt  }
0x58: {  	_ =	shalt  }
0x59: {  	_ =	shalt  }
0x5a: {  	_ =	shalt  }
0x5b: {  	_ =	shalt  }
0x5c: {  	_ =	shalt  }
0x5d: {  	_ =	shalt  }
0x5e: {  	_ =	shalt  }
0x5f: {  	_ =	shalt  }
0x60: {  	_ =	shalt  }
0x61: {  	_ =	shalt  }
0x62: {  	_ =	shalt  }
0x63: {  	_ =	shalt  }
0x64: {  	_ =	shalt  }
0x65: {  	_ =	shalt  }
0x66: {  	_ =	shalt  }
0x67: {  	_ =	shalt  }
0x68: {  	_ =	shalt  }
0x69: {  	_ =	shalt  }
0x6a: {  	_ =	shalt  }
0x6b: {  	_ =	shalt  }
0x6c: {  	_ =	shalt  }
0x6d: {  	_ =	shalt  }
0x6e: {  	_ =	shalt  }
0x6f: {  	_ =	shalt  }
0x70: {  	_ =	shalt  }
0x71: {  	_ =	shalt  }
0x72: {  	_ =	shalt  }
0x73: {  	_ =	shalt  }
0x74: {  	_ =	shalt  }
0x75: {  	_ =	shalt  }
0x76: {  	_ =	shalt  }
0x77: {  	_ =	shalt  }
0x78: {  	_ =	shalt  }
0x79: {  	_ =	shalt  }
0x7a: {  	_ =	shalt  }
0x7b: {  	_ =	shalt  }
0x7c: {  	_ =	shalt  }
0x7d: {  	_ =	shalt  }
0x7e: {  	_ =	shalt  }
0x7f: {  	_ =	shalt  }
0x80: {  	_ =	shalt  }
0x81: {  	_ =	shalt  }
0x82: {  	_ =	shalt  }
0x83: {  	_ =	shalt  }
0x84: {  	_ =	shalt  }
0x85: {  	_ =	shalt  }
0x86: {  	_ =	shalt  }
0x87: {  	_ =	shalt  }
.Lfunc_end0:
.L_simem_size_0:
called_computation.1_lowered:
.L_overlay_start_0:
0x88: {  	s2 =	sld [smem:$0x3FD9]  }
0x89: {  	s3 =	sld [smem:$0x3FFE];
	_ =	sdelay $0x1  }
0x8a: {  	s1 =	srdreg.scid  }
0x8b: {  	s0 =	sand.u32 $0x1, s1  }
0x8c: {  	s17 =	sshll.u32 s0, $0xA;
	s2 =	sadd.s32 s3, s2  }
0x8d: {  	s2 =	sadd.s32 s2, s17  }
0x8e: {  	[smem:$0x3FB5] =	sst s2  }
0x8f: {  	_ = 	snop  }
0x90: {  	s2 =	sld [smem:$0x3FD0];
	(tm) =	ssettm $0x1  }
0x91: {  	s18 =	sld [smem:$0x3FFB];
	_ =	sdelay $0x3  }
0x92: {  	_ =	strace s18  }
0x93: {  	s3 =	sld [smem:$0x3FFC];
	_ =	sdelay $0x3  }
0x94: {  	_ =	strace s3  }
0x95: {  	s3 =	sld [smem:$0x3FFD];
	_ =	sdelay $0x3  }
0x96: {  	_ =	strace s3  }
0x97: {  	_ =	strace $0x8FFFFFFF  }
0x98: {  	s19 =	sld [smem:$0x3FDB];
	_ =	sdelay $0x1  }
0x99: {  	s4 =	simm.s32 $_scs_section_size  }
0x9a: {  	s5 =	simm.s32 $_size__tile_overlayer_lowered;
	s6 =	simm.s32 $_tile_overlayer_lowered  }
0x9b: {  	s22 =	simm.s32 $0x1BFF;
	s21 =	sshll.u32 s6, $0x1;
	s3 =	sadd.s32 s4, s19  }
0x9c: {  	s7 =	simm.s32 $0x0;
	s20 =	sshll.u32 s5, $0x1;
	s5 =	sadd.s32 s21, s3  }
0x9d: {  	[timem:s7], [sflag:s22] =	dma.local [hbm:s5], s20  }
0x9e: {  	_ =	swait.ge [sflag:s22], s20  }
0x9f: {  	s4 =	ssub.s32 $0x0, s20;
	[sflag:s22] =	ssyncset.done $0x0  }
0xa0: {  	[sflag:s22] =	ssyncadd.s32 s4;
	_ =	sdelay $0x1  }
0xa1: {  	s23 =	simm.s32 $0x1B8B  }
0xa2: {  	_ =	swait.ge [sflag:s23], $0x1  }
0xa3: {  	[sflag:s23] =	ssyncset.done $0x0  }
0xa4: {  	s25 =	simm.s32 $0x1B8E;
	s24 =	sld [smem:$0x3FFE];
	[sflag:s23] =	ssyncadd.s32 $0xFFFFFFFF  }
0xa5: {  	s26 =	simm.s32 $execute0_lowered;
	[smem:$0x3FD2] =	sst s25  }
0xa6: {  	s5 =	sshll.u32 s26, $0x1;
	_ =	strace $0x80000049;
	[dreg:$0x1] =	wrdreg $0xFFFFFFFF  }
0xa7: {  	s28 =	simm.s32 $_size_execute0_lowered;
	s3 =	sadd.s32 s3, s5;
	[dreg:$0x0] =	wrdreg $0x0  }
0xa8: {  	s5 =	sshll.u32 s28, $0x1;
	[dreg:$0x2] =	wrdreg s3  }
0xa9: {  	[dreg:$0x3] =	wrdreg s5  }
0xaa: {  	[dreg:$0x4] =	wrdreg $0xC0  }
0xab: {  	_ =	task [dreg:s7], $0x5FFFF  }
0xac: {  	[dreg:$0x1] =	wrdreg $0xFFFFFFFF  }
0xad: {  	[dreg:$0x0] =	wrdreg $0x60  }
0xae: {  	[dreg:$0x2] =	wrdreg s2  }
0xaf: {  	[dreg:$0x3] =	wrdreg s24  }
0xb0: {  	[dreg:$0x4] =	wrdreg $0xA2000  }
0xb1: {  	[dreg:$0x5] =	wrdreg $0x9  }
0xb2: {  	_ =	task.clear_ibuf [dreg:s7], $0x6FFFF;
	_ =	strace $0x90000049  }
0xb3: {  	s29 =	simm.s32 $0x9;
	_ =	strace $0x8000004B  }
0xb4: {  	_ =	swait.ge [sflag:s29], $0x1  }
0xb5: {  	[sflag:s29] =	ssyncadd.s32 $0xFFFFFFFF  }
0xb6: {  	_ =	strace $0x9000004B  }
0xb7: {  	_ =	sfence  }
0xb8: {  	s30 =	sld [smem:$0x0];
	_ =	sdelay $0x2  }
0xb9: {  	s31 =	sshll.u32 s1, $0xD;
	s1 =	sshrl.u32 s1, $0x2  }
0xba: {  	s3 =	sand.u32 $0x4000, s31;
	s1 =	sadd.s32 s1, s30  }
0xbb: {  	s0 =	sor.u32 s3, s0;
	s1 =	sshll.u32 s1, $0x11  }
0xbc: {  	s0 =	sor.u32 s1, s0  }
0xbd: {  	s0 =	sadd.s32 $0x8F2B, s0  }
0xbe: {  	[sflag:s0] =	ssyncadd.remote.s32 $0x1  }
0xbf: {  	_ =	sfence.sel $0xFFFF  }
0xc0: {  	[dreg:$0x0] =	wrdreg $0xFFFFFFFF;
	(pc) =	sbr.abs _section_cstart, $3  }
0xc1: {  	[dreg:$0x1] =	wrdreg $0xFFFFFFFF  }
0xc2: {  	_ =	task.clear_ibuf [dreg:s7], $0x2FFFF;
	_ =	strace $0x9FFFFFFF  }
0xc3: {  	(tm) =	ssettm $0x7FFFFFFF  }
tec
execute0_lowered:
.L_overlay_start_1:
0x0: {  	(tag) =	ssettag $0x1  }
0x1: {  	s2 =	rddreg [dreg:$0x0]  }
0x2: {  	s0 =	rddreg [dreg:$0x1]  }
0x3: {  	s3 =	rddreg [dreg:$0x2];
	s12 =	stileid.u32  }
0x4: {  	s1 =	srdreg.scid;
	s4 =	simm.s32 $0x0;
	s28 =	simm.s32 $0x3  }
0x5: {  	s29 =	simm.s32 $0x50;
	s30 =	simm.s32 $0x5200;
	s31 =	simm.s32 $0x4  }
0x6: {  	s13 =	simm.s32 $0x2;
	s14 =	simm.s32 $0x9;
	s15 =	simm.s32 $0xA  }
0x7: {  	s8 =	smul.u32 $0x2780, s12;
	s1 =	sand.u32 $0x1, s1;
	[smem:$0x7FF] =	sst s4  }
0x8: {  	s5 =	sadd.s32 $0xCC00, s0;
	s7 =	sadd.s32 $0x56F200, s0;
	s11 =	smul.u32 $0x4F000, s12  }
0x9: {  	s6 =	sadd.s32 $0x2E00, s0;
	s9 =	smul.u32 $0x27800, s1;
	_ =	strace $0x8000004A  }
0xa: {  	s18 =	ssub.s32 $0x2, s1;
	s1 =	sshll.u32 s1, $0x4;
	s10 =	sadd.s32 s8, s0  }
0xb: {  	s19 =	sshrl.u32 s18, $0x1;
	s1 =	sor.u32 s12, s1;
	s11 =	sshrl.u32 s11, $0x2  }
0xc: {  	s12 =	sshll.u32 s12, $0x6;
	s8 =	sadd.s32 s8, s9;
	s9 =	ssub.s32 s18, s19  }
0xd: {  	s11 =	sadd.s32 s11, s3;
	s10 =	sadd.s32 $0x4F8A00, s10;
	s16 =	sor.u32 $0x1C0B, s12  }
0xe: {  	s19 =	simm.s32 $0xB;
	s0 =	sadd.s32 s8, s0;
	s8 =	smul.u32 $0x2710, s1  }
0xf: {  	s12 =	simm.s32 $0x6;
	s1 =	smul.u32 $0x27100, s1;
	[dreg:$0x4] =	wrdreg s10  }
0x10: {  	s26 =	smax.u32 s9, $0x1;
	s18 =	sshrl.u32 s11, $0x3;
	[dreg:$0x5] =	wrdreg s16  }
0x11: {  	s9 =	simm.s32 $0x1;
	s11 =	simm.s32 $0x8;
	[dreg:$0xd] =	wrdreg s26  }
0x12: {  	s0 =	sadd.s32 $0x520200, s0;
	s26 =	simm.s32 $0x80;
	[dreg:$0xe] =	wrdreg s18  }
0x13: {  	s20 =	sshrl.u32 s8, $0x3;
	s1 =	sadd.s32 s7, s1;
	[dreg:$0xc] =	wrdreg s0  }
0x14: {  	s22 =	sadd.s32 $0x50, s8;
	s21 =	sadd.s32 s6, s20;
	[dreg:$0x7] =	wrdreg s1  }
0x15: {  	s10 =	sadd.s32 s5, s20;
	s23 =	sshrl.u32 s22, $0x3;
	[dreg:$0x6] =	wrdreg s21  }
0x16: {  	s1 =	sshll.u32 s22, $0x4;
	[dreg:$0x8] =	wrdreg s10;
	s24 =	sadd.s32 s6, s23  }
0x17: {  	s17 =	sadd.s32 $0xA0, s8;
	s1 =	sadd.s32 s7, s1;
	[dreg:$0x9] =	wrdreg s24  }
0x18: {  	s0 =	simm.s32 $0x7A00;
	s25 =	sadd.s32 s5, s23;
	[dreg:$0xa] =	wrdreg s1  }
0x19: {  	s22 =	simm.s32 $0x100;
	s20 =	simm.s32 $0x0;
	[dreg:$0xb] =	wrdreg s25  }
0x1a: {  	s24 =	simm.s32 $0x180;
	s1 =	simm.s32 $0x7;
	s25 =	simm.s32 $0x5  }
.LBB2_1:
0x1b: {  	[dreg:$0xf] =	wrdreg s20  }
0x1c: {  	s10 =	rddreg [dreg:$0x4]  }
0x1d: {  	[spmem:s18], [sflag:s16] =	dma.local [hbm:s10], $0x2780  }
0x1e: {  	_ =	swait.ge [sflag:s19], $0x2780  }
0x1f: {  	[sflag:s19] =	ssyncset.done $0x0  }
0x20: {  	[sflag:s19] =	ssyncadd.s32 $0xFFFFD880  }
0x21: {  	[bflag:$0x0] =	sbarrier.arrive $0xFFFF  }
0x22: {  	s20 =	rddreg [dreg:$0x6]  }
0x23: {  	[tilespmem:s22], [sflag:$0x3] =	stream.linear.gather [hbm4b:s20+s4], $0x50, $0x38;
	[tilespmem:$0x1DE00] =	vst v63  }
0x24: {  	s23 =	simm.s32 $0x200;
	s21 =	rddreg [dreg:$0x7]  }
0x25: {  	[tilespmem:s23], [sflag:$0x5] =	stream.linear.gather [hbm4b:s21+s4], $0x2800, $0x38;
	[tilespmem:$0x1DE00] =	vst v63  }
0x26: {  	s18 =	rddreg [dreg:$0x8]  }
0x27: {  	[tilespmem:s4], [sflag:$0x1] =	stream.linear.gather [hbm4b:s18+s4], $0x50, $0x38;
	[tilespmem:$0x1DE00] =	vst v63  }
0x28: {  	s19 =	rddreg [dreg:$0x9]  }
0x29: {  	[tilespmem:s24], [sflag:$0x4] =	stream.linear.gather [hbm4b:s19+s4], $0x50, $0x38;
	[tilespmem:$0x1DE00] =	vst v63  }
0x2a: {  	s20 =	rddreg [dreg:$0xa];
	s21 =	simm.s32 $0x2A00  }
0x2b: {  	[tilespmem:s21], [sflag:$0x6] =	stream.linear.gather [hbm4b:s20+s4], $0x2800, $0x38;
	[tilespmem:$0x1DE00] =	vst v63  }
0x2c: {  	s23 =	rddreg [dreg:$0xb];
	s18 =	simm.s32 $0x0  }
0x2d: {  	[tilespmem:s26], [sflag:$0x2] =	stream.linear.gather [hbm4b:s23+s4], $0x50, $0x38;
	[tilespmem:$0x1DE00] =	vst v63  }
.LBB2_2:
0x2e: {  	_ =	swait.ge [sflag:s28], $0x50  }
0x2f: {  	[sflag:s28] =	ssyncset.done $0x0  }
0x30: {  	[sflag:s28] =	ssyncadd.s32 $0xFFFFFFB0  }
0x31: {  	[tilespmem:s30], [sflag:$0x7] =	stream.indirect.gather [hbm4b:s2+s29], $0x80, s22, s29, $0xb8;
	[tilespmem:$0x1DE00] =	vst v63  }
0x32: {  	_ =	swait.ge [sflag:s31], $0x50  }
0x33: {  	[sflag:s31] =	ssyncset.done $0x0  }
0x34: {  	[sflag:s31] =	ssyncadd.s32 $0xFFFFFFB0  }
0x35: {  	[tilespmem:s0], [sflag:$0x8] =	stream.indirect.gather [hbm4b:s2+s29], $0x80, s24, s29, $0xb8;
	[tilespmem:$0x1DE00] =	vst v63  }
0x36: {  	_ =	swait.ge [sflag:s1], $0x2800  }
0x37: {  	[sflag:s1] =	ssyncset.done $0x0  }
0x38: {  	[sflag:s1] =	ssyncadd.s32 $0xFFFFD800  }
0x39: {  	_ =	swait.ge [sflag:s25], $0x2800  }
0x3a: {  	[sflag:s25] =	ssyncset.done $0x0  }
0x3b: {  	s19 =	simm.s32 $0x0;
	[sflag:s25] =	ssyncadd.s32 $0xFFFFD800  }
0x3c: {  	v7 =	vld [tilespmem:s19+$0x200]  }
0x3d: {  	v11 =	vld [tilespmem:s19+$0x210]  }
0x3e: {  	v5 =	vld [tilespmem:s19+$0x220]  }
0x3f: {  	v4 =	vld [tilespmem:s19+$0x230]  }
0x40: {  	v3 =	vld [tilespmem:s19+$0x240]  }
0x41: {  	v2 =	vld [tilespmem:s19+$0x250]  }
0x42: {  	v1 =	vld [tilespmem:s19+$0x260]  }
0x43: {  	v0 =	vld [tilespmem:s19+$0x270]  }
0x44: {  	v12 =	vld [tilespmem:s19+$0x5200]  }
0x45: {  	v13 =	vld [tilespmem:s19+$0x5210]  }
0x46: {  	v10 =	vld [tilespmem:s19+$0x5220]  }
0x47: {  	v9 =	vld [tilespmem:s19+$0x5230]  }
0x48: {  	v8 =	vld [tilespmem:s19+$0x5240]  }
0x49: {  	v6 =	vld [tilespmem:s19+$0x5250];
	v12 =	vadd.f32 v7, v12  }
0x4a: {  	s10 =	simm.s32 $0x200;
	v11 =	vadd.f32 v11, v13;
	v7 =	vld [tilespmem:s19+$0x5260]  }
.LBB2_3:
0x4b: {  	s20 =	sshra.s32 s10, $0x2;
	p0 =	sne.s32 s10, $0x9E00;
	[tilespmem:s19+$0x5200] =	vst v12;
	v5 =	vadd.f32 v5, v10;
	v10 =	vld [tilespmem:s19+$0x5270]  }
0x4c: {  	v12 =	vld [tilespmem:s20+$0x200];
	[tilespmem:s19+$0x5210] =	vst v11;
	v4 =	vadd.f32 v4, v9  }
0x4d: {  	v11 =	vld [tilespmem:s20+$0x210];
	[tilespmem:s19+$0x5220] =	vst v5;
	v3 =	vadd.f32 v3, v8  }
0x4e: {  	v5 =	vld [tilespmem:s20+$0x220];
	[tilespmem:s19+$0x5230] =	vst v4;
	v2 =	vadd.f32 v2, v6  }
0x4f: {  	v4 =	vld [tilespmem:s20+$0x230];
	[tilespmem:s19+$0x5240] =	vst v3;
	v1 =	vadd.f32 v1, v7  }
0x50: {  	v3 =	vld [tilespmem:s20+$0x240];
	[tilespmem:s19+$0x5250] =	vst v2;
	v0 =	vadd.f32 v0, v10  }
0x51: {  	v2 =	vld [tilespmem:s20+$0x250];
	[tilespmem:s19+$0x5260] =	vst v1  }
0x52: {  	v1 =	vld [tilespmem:s20+$0x260];
	[tilespmem:s19+$0x5270] =	vst v0;
	s19 =	smov.u32 s20  }
0x53: {  	v0 =	vld [tilespmem:s19+$0x270]  }
0x54: {  	v6 =	vld [tilespmem:s19+$0x5200]  }
0x55: {  	v7 =	vld [tilespmem:s19+$0x5210]  }
.Ltmp0:
0x56: {  	v10 =	vld [tilespmem:s19+$0x5220];
	(pc) =	sbr.rel @p0 .LBB2_3-.Ltmp0, $4  }
0x57: {  	v9 =	vld [tilespmem:s19+$0x5230]  }
0x58: {  	v8 =	vld [tilespmem:s19+$0x5240]  }
0x59: {  	v12 =	vadd.f32 v12, v6;
	v6 =	vld [tilespmem:s19+$0x5250]  }
0x5a: {  	s10 =	sadd.s32 $0x200, s10;
	v11 =	vadd.f32 v11, v7;
	v7 =	vld [tilespmem:s19+$0x5260]  }
0x5b: {  	[tilespmem:s19+$0x5200] =	vst v12;
	v5 =	vadd.f32 v5, v10;
	v10 =	vld [tilespmem:s19+$0x5270]  }
0x5c: {  	[tilespmem:s19+$0x5210] =	vst v11;
	v4 =	vadd.f32 v4, v9  }
0x5d: {  	[tilespmem:s19+$0x5220] =	vst v5;
	v3 =	vadd.f32 v3, v8  }
0x5e: {  	[tilespmem:s19+$0x5230] =	vst v4;
	v2 =	vadd.f32 v2, v6  }
0x5f: {  	[tilespmem:s19+$0x5240] =	vst v3;
	v1 =	vadd.f32 v1, v7  }
0x60: {  	[tilespmem:s19+$0x5250] =	vst v2;
	v0 =	vadd.f32 v0, v10  }
0x61: {  	[tilespmem:s19+$0x5260] =	vst v1  }
0x62: {  	s23 =	smul.u32 $0xA0, s18;
	[tilespmem:s19+$0x5270] =	vst v0  }
0x63: {  	_ =	swait.ge [sflag:s9], $0x50  }
0x64: {  	s20 =	sadd.s32 s23, s17;
	[sflag:s9] =	ssyncset.done $0x0  }
0x65: {  	s10 =	simm.s32 $0x0;
	s19 =	sshrl.u32 s20, $0x3;
	[sflag:s9] =	ssyncadd.s32 $0xFFFFFFB0  }
0x66: {  	[spmem:s3] =	stream.indirect.scatter.add.f32 [tilespmem:s30], [sflag:$0x9], $0x80, s10, s29, $0xb8;
	[tilespmem:$0x1DE00] =	vst v63  }
0x67: {  	s20 =	sshll.u32 s20, $0x4;
	s21 =	sadd.s32 s6, s19  }
0x68: {  	[tilespmem:s22], [sflag:$0x3] =	stream.linear.gather [hbm4b:s21+s10], $0x50, $0x38;
	[tilespmem:$0x1DE00] =	vst v63  }
0x69: {  	s16 =	simm.s32 $0x200;
	s20 =	sadd.s32 s7, s20  }
0x6a: {  	[tilespmem:s16], [sflag:$0x5] =	stream.linear.gather [hbm4b:s20+s10], $0x2800, $0x38;
	[tilespmem:$0x1DE00] =	vst v63  }
0x6b: {  	_ =	swait.ge [sflag:s11], $0x2800  }
0x6c: {  	[sflag:s11] =	ssyncset.done $0x0  }
0x6d: {  	[sflag:s11] =	ssyncadd.s32 $0xFFFFD800  }
0x6e: {  	_ =	swait.ge [sflag:s12], $0x2800  }
0x6f: {  	[sflag:s12] =	ssyncset.done $0x0  }
0x70: {  	s10 =	simm.s32 $0x0;
	[sflag:s12] =	ssyncadd.s32 $0xFFFFD800  }
0x71: {  	v7 =	vld [tilespmem:s10+$0x2A00]  }
0x72: {  	v11 =	vld [tilespmem:s10+$0x2A10]  }
0x73: {  	v5 =	vld [tilespmem:s10+$0x2A20]  }
0x74: {  	v4 =	vld [tilespmem:s10+$0x2A30]  }
0x75: {  	v3 =	vld [tilespmem:s10+$0x2A40]  }
0x76: {  	v2 =	vld [tilespmem:s10+$0x2A50]  }
0x77: {  	v1 =	vld [tilespmem:s10+$0x2A60]  }
0x78: {  	v0 =	vld [tilespmem:s10+$0x2A70]  }
0x79: {  	v12 =	vld [tilespmem:s10+$0x7A00]  }
0x7a: {  	v13 =	vld [tilespmem:s10+$0x7A10]  }
0x7b: {  	v10 =	vld [tilespmem:s10+$0x7A20]  }
0x7c: {  	v9 =	vld [tilespmem:s10+$0x7A30]  }
0x7d: {  	v8 =	vld [tilespmem:s10+$0x7A40]  }
0x7e: {  	v6 =	vld [tilespmem:s10+$0x7A50];
	v12 =	vadd.f32 v7, v12  }
0x7f: {  	s20 =	simm.s32 $0x200;
	v11 =	vadd.f32 v11, v13;
	v7 =	vld [tilespmem:s10+$0x7A60]  }
.LBB2_5:
0x80: {  	s21 =	sshra.s32 s20, $0x2;
	p0 =	sne.s32 s20, $0x9E00;
	[tilespmem:s10+$0x7A00] =	vst v12;
	v5 =	vadd.f32 v5, v10;
	v10 =	vld [tilespmem:s10+$0x7A70]  }
0x81: {  	v12 =	vld [tilespmem:s21+$0x2A00];
	[tilespmem:s10+$0x7A10] =	vst v11;
	v4 =	vadd.f32 v4, v9  }
0x82: {  	v11 =	vld [tilespmem:s21+$0x2A10];
	[tilespmem:s10+$0x7A20] =	vst v5;
	v3 =	vadd.f32 v3, v8  }
0x83: {  	v5 =	vld [tilespmem:s21+$0x2A20];
	[tilespmem:s10+$0x7A30] =	vst v4;
	v2 =	vadd.f32 v2, v6  }
0x84: {  	v4 =	vld [tilespmem:s21+$0x2A30];
	[tilespmem:s10+$0x7A40] =	vst v3;
	v1 =	vadd.f32 v1, v7  }
0x85: {  	v3 =	vld [tilespmem:s21+$0x2A40];
	[tilespmem:s10+$0x7A50] =	vst v2;
	v0 =	vadd.f32 v0, v10  }
0x86: {  	v2 =	vld [tilespmem:s21+$0x2A50];
	[tilespmem:s10+$0x7A60] =	vst v1  }
0x87: {  	v1 =	vld [tilespmem:s21+$0x2A60];
	[tilespmem:s10+$0x7A70] =	vst v0;
	s10 =	smov.u32 s21  }
0x88: {  	v0 =	vld [tilespmem:s10+$0x2A70]  }
0x89: {  	v6 =	vld [tilespmem:s10+$0x7A00]  }
0x8a: {  	v7 =	vld [tilespmem:s10+$0x7A10]  }
.Ltmp1:
0x8b: {  	v10 =	vld [tilespmem:s10+$0x7A20];
	(pc) =	sbr.rel @p0 .LBB2_5-.Ltmp1, $4  }
0x8c: {  	v9 =	vld [tilespmem:s10+$0x7A30]  }
0x8d: {  	v8 =	vld [tilespmem:s10+$0x7A40]  }
0x8e: {  	v12 =	vadd.f32 v12, v6;
	v6 =	vld [tilespmem:s10+$0x7A50]  }
0x8f: {  	s20 =	sadd.s32 $0x200, s20;
	v11 =	vadd.f32 v11, v7;
	v7 =	vld [tilespmem:s10+$0x7A60]  }
0x90: {  	[tilespmem:s10+$0x7A00] =	vst v12;
	v5 =	vadd.f32 v5, v10;
	v63 =	vld [tilespmem:s10+$0x7A70]  }
0x91: {  	[tilespmem:s10+$0x7A10] =	vst v11;
	v4 =	vadd.f32 v4, v9  }
0x92: {  	[tilespmem:s10+$0x7A20] =	vst v5;
	v3 =	vadd.f32 v3, v8  }
0x93: {  	[tilespmem:s10+$0x7A30] =	vst v4;
	v2 =	vadd.f32 v2, v6  }
0x94: {  	[tilespmem:s10+$0x7A40] =	vst v3;
	v1 =	vadd.f32 v1, v7  }
0x95: {  	[tilespmem:s10+$0x7A50] =	vst v2;
	v0 =	vadd.f32 v0, v63  }
0x96: {  	s21 =	sshll.u32 s18, $0x1;
	[tilespmem:s10+$0x7A60] =	vst v1  }
0x97: {  	p0 =	seq.s32 s18, $0x3D;
	[tilespmem:s10+$0x7A70] =	vst v0;
	s10 =	sadd.s32 $0x3, s21  }
0x98: {  	_ =	swait.ge [sflag:s13], $0x50;
	s20 =	smul.u32 @!p0 $0x50, s10  }
0x99: {  	[sflag:s13] =	ssyncset.done $0x0  }
0x9a: {  	[sflag:s13] =	ssyncadd.s32 $0xFFFFFFB0;
	s20 =	sadd.s32 @!p0 s8, s20  }
0x9b: {  	[spmem:s3] =	stream.indirect.scatter.add.f32 [tilespmem:s0], [sflag:$0xA], $0x80, s26, s29, $0xb8;
	[tilespmem:$0x1DE00] =	vst v63  }
0x9c: {  	s16 =	simm.s32 @!p0 $0x0;
	s21 =	sshrl.u32 @!p0 s20, $0x3  }
0x9d: {  	s23 =	simm.s32 @!p0 $0x180;
	s20 =	sshll.u32 @!p0 s20, $0x4;
	s21 =	sadd.s32 @!p0 s6, s21  }
0x9e: {  	[tilespmem:s23], [sflag:$0x4] =	stream.linear.gather @!p0 [hbm4b:s21+s16], $0x50, $0x38;
	[tilespmem:$0x1DE00] =	vst v63  }
0x9f: {  	s20 =	sadd.s32 @!p0 s7, s20;
	s21 =	simm.s32 @!p0 $0x2A00  }
0xa0: {  	[tilespmem:s21], [sflag:$0x6] =	stream.linear.gather @!p0 [hbm4b:s20+s16], $0x2800, $0x38;
	[tilespmem:$0x1DE00] =	vst v63  }
0xa1: {  	_ =	swait.ge [sflag:s14], $0x2800  }
0xa2: {  	[sflag:s14] =	ssyncset.done $0x0  }
.Ltmp2:
0xa3: {  	s23 =	sadd.s32 s5, s19;
	[sflag:s14] =	ssyncadd.s32 $0xFFFFD800;
	(pc) =	sbr.rel @p0 .LBB2_8-.Ltmp2, $4  }
0xa4: {  	[tilespmem:s4], [sflag:$0x1] =	stream.linear.gather [hbm4b:s23+s4], $0x50, $0x38;
	[tilespmem:$0x1DE00] =	vst v63  }
0xa5: {  	_ =	swait.ge [sflag:s15], $0x2800  }
0xa6: {  	[sflag:s15] =	ssyncset.done $0x0  }
0xa7: {  	[sflag:s15] =	ssyncadd.s32 $0xFFFFD800  }
0xa8: {  	s10 =	smul.u32 $0x50, s10  }
.Ltmp3:
0xa9: {  	_ = 	snop;
	(pc) =	sbr.rel .LBB2_2-.Ltmp3, $4  }
0xaa: {  	s10 =	sadd.s32 s8, s10  }
0xab: {  	s10 =	sshrl.u32 s10, $0x3  }
0xac: {  	s18 =	sadd.s32 $0x1, s18;
	s10 =	sadd.s32 s5, s10  }
0xad: {  	[tilespmem:s26], [sflag:$0x2] =	stream.linear.gather [hbm4b:s10+s4], $0x50, $0x38;
	[tilespmem:$0x1DE00] =	vst v63  }
.LBB2_8:
0xae: {  	_ =	swait.ge [sflag:s28], $0x50  }
0xaf: {  	[sflag:s28] =	ssyncset.done $0x0  }
0xb0: {  	[sflag:s28] =	ssyncadd.s32 $0xFFFFFFB0  }
0xb1: {  	[tilespmem:s30], [sflag:$0x7] =	stream.indirect.gather [hbm4b:s2+s29], $0x80, s22, s29, $0xb8;
	[tilespmem:$0x1DE00] =	vst v63  }
0xb2: {  	_ =	swait.ge [sflag:s1], $0x2800  }
0xb3: {  	[sflag:s1] =	ssyncset.done $0x0  }
0xb4: {  	[sflag:s1] =	ssyncadd.s32 $0xFFFFD800  }
0xb5: {  	_ =	swait.ge [sflag:s25], $0x2800  }
0xb6: {  	[sflag:s25] =	ssyncset.done $0x0  }
0xb7: {  	s10 =	simm.s32 $0x0;
	[sflag:s25] =	ssyncadd.s32 $0xFFFFD800  }
0xb8: {  	v7 =	vld [tilespmem:s10+$0x200]  }
0xb9: {  	v11 =	vld [tilespmem:s10+$0x210]  }
0xba: {  	v5 =	vld [tilespmem:s10+$0x220]  }
0xbb: {  	v4 =	vld [tilespmem:s10+$0x230]  }
0xbc: {  	v3 =	vld [tilespmem:s10+$0x240]  }
0xbd: {  	v2 =	vld [tilespmem:s10+$0x250]  }
0xbe: {  	v1 =	vld [tilespmem:s10+$0x260]  }
0xbf: {  	v0 =	vld [tilespmem:s10+$0x270]  }
0xc0: {  	v12 =	vld [tilespmem:s10+$0x5200]  }
0xc1: {  	v13 =	vld [tilespmem:s10+$0x5210]  }
0xc2: {  	v10 =	vld [tilespmem:s10+$0x5220]  }
0xc3: {  	v9 =	vld [tilespmem:s10+$0x5230]  }
0xc4: {  	v8 =	vld [tilespmem:s10+$0x5240]  }
0xc5: {  	v6 =	vld [tilespmem:s10+$0x5250];
	v12 =	vadd.f32 v7, v12  }
0xc6: {  	s18 =	simm.s32 $0x200;
	s20 =	rddreg [dreg:$0xf];
	v11 =	vadd.f32 v11, v13;
	v7 =	vld [tilespmem:s10+$0x5260]  }
.LBB2_9:
0xc7: {  	s16 =	sshra.s32 s18, $0x2;
	p0 =	sne.s32 s18, $0x9E00;
	[tilespmem:s10+$0x5200] =	vst v12;
	v5 =	vadd.f32 v5, v10;
	v10 =	vld [tilespmem:s10+$0x5270]  }
0xc8: {  	v12 =	vld [tilespmem:s16+$0x200];
	[tilespmem:s10+$0x5210] =	vst v11;
	v4 =	vadd.f32 v4, v9  }
0xc9: {  	v11 =	vld [tilespmem:s16+$0x210];
	[tilespmem:s10+$0x5220] =	vst v5;
	v3 =	vadd.f32 v3, v8  }
0xca: {  	v5 =	vld [tilespmem:s16+$0x220];
	[tilespmem:s10+$0x5230] =	vst v4;
	v2 =	vadd.f32 v2, v6  }
0xcb: {  	v4 =	vld [tilespmem:s16+$0x230];
	[tilespmem:s10+$0x5240] =	vst v3;
	v1 =	vadd.f32 v1, v7  }
0xcc: {  	v3 =	vld [tilespmem:s16+$0x240];
	[tilespmem:s10+$0x5250] =	vst v2;
	v0 =	vadd.f32 v0, v10  }
0xcd: {  	v2 =	vld [tilespmem:s16+$0x250];
	[tilespmem:s10+$0x5260] =	vst v1  }
0xce: {  	v1 =	vld [tilespmem:s16+$0x260];
	[tilespmem:s10+$0x5270] =	vst v0;
	s10 =	smov.u32 s16  }
0xcf: {  	v0 =	vld [tilespmem:s10+$0x270]  }
0xd0: {  	v6 =	vld [tilespmem:s10+$0x5200]  }
0xd1: {  	v7 =	vld [tilespmem:s10+$0x5210]  }
.Ltmp4:
0xd2: {  	v10 =	vld [tilespmem:s10+$0x5220];
	(pc) =	sbr.rel @p0 .LBB2_9-.Ltmp4, $4  }
0xd3: {  	v9 =	vld [tilespmem:s10+$0x5230]  }
0xd4: {  	v8 =	vld [tilespmem:s10+$0x5240]  }
0xd5: {  	v12 =	vadd.f32 v12, v6;
	v6 =	vld [tilespmem:s10+$0x5250]  }
0xd6: {  	s18 =	sadd.s32 $0x200, s18;
	v11 =	vadd.f32 v11, v7;
	v7 =	vld [tilespmem:s10+$0x5260]  }
0xd7: {  	[tilespmem:s10+$0x5200] =	vst v12;
	v5 =	vadd.f32 v5, v10;
	v63 =	vld [tilespmem:s10+$0x5270]  }
0xd8: {  	[tilespmem:s10+$0x5210] =	vst v11;
	v4 =	vadd.f32 v4, v9  }
0xd9: {  	[tilespmem:s10+$0x5220] =	vst v5;
	v3 =	vadd.f32 v3, v8  }
0xda: {  	[tilespmem:s10+$0x5230] =	vst v4;
	v2 =	vadd.f32 v2, v6  }
0xdb: {  	[tilespmem:s10+$0x5240] =	vst v3;
	v1 =	vadd.f32 v1, v7  }
0xdc: {  	[tilespmem:s10+$0x5250] =	vst v2;
	v0 =	vadd.f32 v0, v63  }
0xdd: {  	[tilespmem:s10+$0x5260] =	vst v1  }
0xde: {  	[tilespmem:s10+$0x5270] =	vst v0  }
0xdf: {  	_ =	swait.ge [sflag:s9], $0x50  }
0xe0: {  	[sflag:s9] =	ssyncset.done $0x0  }
0xe1: {  	[sflag:s9] =	ssyncadd.s32 $0xFFFFFFB0  }
0xe2: {  	[spmem:s3] =	stream.indirect.scatter.add.f32 [tilespmem:s30], [sflag:$0x9], $0x80, s4, s29, $0xb8;
	[tilespmem:$0x1DE00] =	vst v63  }
0xe3: {  	_ =	swait.ge [sflag:s14], $0x2800  }
0xe4: {  	[sflag:s14] =	ssyncset.done $0x0  }
0xe5: {  	[sflag:s14] =	ssyncadd.s32 $0xFFFFD800  }
0xe6: {  	[bflag:$0x0] =	sbarrier.arrive $0xFFFF  }
0xe7: {  	s16 =	rddreg [dreg:$0x5]  }
0xe8: {  	s21 =	rddreg [dreg:$0xc]  }
0xe9: {  	s19 =	simm.s32 $0xB;
	s18 =	rddreg [dreg:$0xe]  }
0xea: {  	[hbm:s21], [sflag:s16] =	dma.local [spmem:s18], $0x2780  }
0xeb: {  	_ =	swait.ge [sflag:s19], $0x2780  }
0xec: {  	s20 =	sadd.s32 $0x1, s20;
	s23 =	rddreg [dreg:$0xd]  }
0xed: {  	p0 =	sne.s32 s20, s23  }
.Ltmp5:
0xee: {  	_ = 	snop;
	(pc) =	sbr.rel @p0 .LBB2_1-.Ltmp5, $3  }
0xef: {  	_ =	sdelay $0x1  }
0xf0: {  	[sflag:s19] =	ssyncset.done $0x0  }
0xf1: {  	[sflag:s19] =	ssyncadd.s32 $0xFFFFD880  }
0xf2: {  	_ =	sfence.sel $0x180000  }
0xf3: {  	[bflag:$0x0] =	sbarrier.arrive $0xFFFF  }
0xf4: {  	_ =	strace $0x9000004A  }
0xf5: {  	s0 =	stileid.u32;
	[bflag:$0x2] =	sbarrier.arrive $0xFFFF  }
0xf6: {  	p0 =	sne.s32 s0, $0x0;
	s0 =	rddreg [dreg:$0x3]  }
0xf7: {  	s0 =	sadd.s32 @!p0 $0x100000, s0  }
0xf8: {  	[sflag:s0] =	ssyncadd.tile.s32 @!p0 $0x1;
	_ =	shalt  }
.Lfunc_end2:
_tile_overlayer_lowered:
.L_overlay_start_2:
0xf9: {  	(tag) =	ssettag $0x2  }
0xfa: {  	s0 =	rddreg [dreg:$0x0];
	s2 =	stileid.u32  }
0xfb: {  	s1 =	rddreg [dreg:$0x1];
	p0 =	sne.s32 s2, $0x0  }
0xfc: {  	s3 =	rddreg [dreg:$0x2];
	[bflag:$0x3] =	sbarrier.arrive $0xFFFF;
	s2 =	simm.s32 @!p0 $0x1C0B  }
0xfd: {  	[timem:s3], [sflag:s2] =	dma.local @!p0 [hbm:s0], s1  }
0xfe: {  	s0 =	simm.s32 @!p0 $0xB  }
0xff: {  	_ =	swait.ge @!p0 [sflag:s0], s1  }
0x100: {  	s1 =	ssub.s32 @!p0 $0x0, s1;
	[sflag:s0] =	ssyncset.done @!p0 $0x0  }
0x101: {  	[sflag:s0] =	ssyncadd.s32 @!p0 s1  }
0x102: {  	[bflag:$0x3] =	sbarrier.arrive $0xFFFF  }
0x103: {  	_ =	shalt  }

// kernel: kernel.8.cloned.1.call-start
scs
__scs_entry_jumppad:
0x0: {  	(pc) =	sbr.rel $0x88, $3  }
0x1: {  	(tag) =	ssettag $0x0;
	lr =	simm.s32 $0x1  }
0x2: {  	[smem:$0x3F8E] =	sst lr;
	_ =	strace $0xD0000000  }
0x3: {  	_ = 	snop  }
0x4: {  	_ = 	snop  }
0x5: {  	_ = 	snop  }
0x6: {  	_ = 	snop  }
0x7: {  	_ = 	snop  }
__scs_overlays_trampoline_lowered:
0x8: {  	[smem:$0x3F9D] =	sst s0  }
0x9: {  	[smem:$0x3F9E] =	sst s1  }
0xa: {  	[smem:$0x3F9F] =	sst s2  }
0xb: {  	[smem:$0x3FA0] =	sst s3  }
0xc: {  	[smem:$0x3FA1] =	sst s4  }
0xd: {  	[smem:$0x3FA2] =	sst s5  }
0xe: {  	[smem:$0x3FA3] =	sst s6  }
0xf: {  	[smem:$0x3FA4] =	sst s7  }
0x10: {  	[smem:$0x3FA5] =	sst s8  }
0x11: {  	[smem:$0x3FA6] =	sst s9;
	s0 =	simm.s32 @!p0 $0x0  }
0x12: {  	s1 =	sld [smem:$0x3F8C];
	s0 =	simm.s32 @p0 $0x1  }
0x13: {  	[smem:$0x3FA7] =	sst s0;
	s0 =	simm.s32 @!p1 $0x0  }
0x14: {  	s2 =	sld [smem:$0x3F8B];
	s0 =	simm.s32 @p1 $0x1  }
0x15: {  	[smem:$0x3FA8] =	sst s0;
	s0 =	simm.s32 @!p2 $0x0  }
0x16: {  	s3 =	sld [smem:$0x3FDB];
	s0 =	simm.s32 @p2 $0x1  }
0x17: {  	s4 =	simm.s32 $0x1BF5;
	[smem:$0x3FAA] =	sst s0  }
0x18: {  	s0 =	sld [smem:$0x3F8D];
	_ =	swait.ge [sflag:s4], $0x0  }
0x19: {  	s7 =	sld [smem:$0x3F8E]  }
0x1a: {  	s8 =	sadd.s32 $0xFFFFE003, lr  }
0x1b: {  	s9 =	sadd.s32 $0xFFFFFEF7, lr;
	s5 =	simm.s32 $0xFFFFFFFF;
	p2 =	slt.u32 s8, $0xFFFFF086  }
0x1c: {  	p1 =	slt.u32 s9, $0xF7A;
	s5 =	simm.s32 @!p2 $0x0  }
0x1d: {  	s5 =	simm.s32 @p1 $0x1;
	p0 =	seq.s32 s7, s2  }
0x1e: {  	s7 =	smul.u32 @!p0 $0xF7A, s2;
	p2 =	seq.s32 @!p0 s5, $0x0  }
0x1f: {  	s9 =	smul.u32 $0xF7A, s1;
	s8 =	simm.s32 @!p0 $0x1BF5;
	p2 =	por !p2, p0  }
0x20: {  	[sflag:s8] =	ssyncset.s32 @!p0 $0xFFFFF086;
	s6 =	sadd.s32 @!p0 s3, s7;
	s7 =	simm.s32 @!p0 $0x108  }
0x21: {  	s3 =	sadd.s32 s3, s9;
	s6 =	sadd.s32 @!p0 $0x88, s6;
	s7 =	simm.s32 @p2 $0x1082  }
0x22: {  	[simem:s7], [sflag:s8] =	dma.local @!p0 [hbm:s6], $0xF7A  }
0x23: {  	s9 =	sor.u32 $0xD0000000, s2;
	s6 =	simm.s32 $0x108;
	_ =	swait.ge @!p0 [sflag:s8], $0x0  }
0x24: {  	s3 =	sadd.s32 $0x88, s3;
	s6 =	simm.s32 @!p1 $0x1082;
	[sflag:s4] =	ssyncset.s32 $0xFFFFF086  }
0x25: {  	[simem:s6], [sflag:s4] =	dma.local [hbm:s3], $0xF7A  }
0x26: {  	[smem:$0x3F8E] =	sst s1;
	(tag) =	ssettag s2;
	_ =	strace s9  }
0x27: {  	s1 =	sld [smem:$0x3F9E]  }
0x28: {  	s2 =	sld [smem:$0x3F9F]  }
0x29: {  	s4 =	sld [smem:$0x3FA1]  }
0x2a: {  	p0 =	seq.s32 s5, $0x0;
	s5 =	sld [smem:$0x3FA2]  }
0x2b: {  	s6 =	sld [smem:$0x3FA3]  }
0x2c: {  	s7 =	sld [smem:$0x3FA4]  }
0x2d: {  	s3 =	simm.s32 $0x108;
	s8 =	sld [smem:$0x3FA5]  }
0x2e: {  	s3 =	simm.s32 @!p0 $0x1082;
	s9 =	sld [smem:$0x3FA6]  }
0x2f: {  	lr =	sadd.s32 s0, s3;
	s0 =	sld [smem:$0x3F9D]  }
0x30: {  	s3 =	sld [smem:$0x3FA0]  }
0x31: {  	[smem:$0x3FA9] =	sst s10  }
0x32: {  	s10 =	sld [smem:$0x3FA7];
	_ =	sdelay $0x3  }
0x33: {  	p0 =	seq.s32 s10, $0x1;
	s10 =	sld [smem:$0x3FA9];
	_ =	sdelay $0x3  }
0x34: {  	[smem:$0x3FA9] =	sst s10  }
0x35: {  	s10 =	sld [smem:$0x3FA8];
	_ =	sdelay $0x3  }
0x36: {  	p1 =	seq.s32 s10, $0x1;
	s10 =	sld [smem:$0x3FA9];
	_ =	sdelay $0x3  }
0x37: {  	[smem:$0x3FA9] =	sst s10  }
0x38: {  	s10 =	sld [smem:$0x3FAA]  }
0x39: {  	_ = 	snop;
	(pc) =	sbr.ind lr, $3  }
0x3a: {  	_ = 	snop  }
0x3b: {  	_ = 	snop  }
0x3c: {  	p2 =	seq.s32 s10, $0x1;
	s10 =	sld [smem:$0x3FA9]  }
0x3d: {  	_ =	shalt  }
0x3e: {  	_ =	shalt  }
0x3f: {  	_ =	shalt  }
0x40: {  	_ =	shalt  }
0x41: {  	_ =	shalt  }
0x42: {  	_ =	shalt  }
0x43: {  	_ =	shalt  }
0x44: {  	_ =	shalt  }
0x45: {  	_ =	shalt  }
0x46: {  	_ =	shalt  }
0x47: {  	_ =	shalt  }
0x48: {  	_ =	shalt  }
0x49: {  	_ =	shalt  }
0x4a: {  	_ =	shalt  }
0x4b: {  	_ =	shalt  }
0x4c: {  	_ =	shalt  }
0x4d: {  	_ =	shalt  }
0x4e: {  	_ =	shalt  }
0x4f: {  	_ =	shalt  }
0x50: {  	_ =	shalt  }
0x51: {  	_ =	shalt  }
0x52: {  	_ =	shalt  }
0x53: {  	_ =	shalt  }
0x54: {  	_ =	shalt  }
0x55: {  	_ =	shalt  }
0x56: {  	_ =	shalt  }
0x57: {  	_ =	shalt  }
0x58: {  	_ =	shalt  }
0x59: {  	_ =	shalt  }
0x5a: {  	_ =	shalt  }
0x5b: {  	_ =	shalt  }
0x5c: {  	_ =	shalt  }
0x5d: {  	_ =	shalt  }
0x5e: {  	_ =	shalt  }
0x5f: {  	_ =	shalt  }
0x60: {  	_ =	shalt  }
0x61: {  	_ =	shalt  }
0x62: {  	_ =	shalt  }
0x63: {  	_ =	shalt  }
0x64: {  	_ =	shalt  }
0x65: {  	_ =	shalt  }
0x66: {  	_ =	shalt  }
0x67: {  	_ =	shalt  }
0x68: {  	_ =	shalt  }
0x69: {  	_ =	shalt  }
0x6a: {  	_ =	shalt  }
0x6b: {  	_ =	shalt  }
0x6c: {  	_ =	shalt  }
0x6d: {  	_ =	shalt  }
0x6e: {  	_ =	shalt  }
0x6f: {  	_ =	shalt  }
0x70: {  	_ =	shalt  }
0x71: {  	_ =	shalt  }
0x72: {  	_ =	shalt  }
0x73: {  	_ =	shalt  }
0x74: {  	_ =	shalt  }
0x75: {  	_ =	shalt  }
0x76: {  	_ =	shalt  }
0x77: {  	_ =	shalt  }
0x78: {  	_ =	shalt  }
0x79: {  	_ =	shalt  }
0x7a: {  	_ =	shalt  }
0x7b: {  	_ =	shalt  }
0x7c: {  	_ =	shalt  }
0x7d: {  	_ =	shalt  }
0x7e: {  	_ =	shalt  }
0x7f: {  	_ =	shalt  }
0x80: {  	_ =	shalt  }
0x81: {  	_ =	shalt  }
0x82: {  	_ =	shalt  }
0x83: {  	_ =	shalt  }
0x84: {  	_ =	shalt  }
0x85: {  	_ =	shalt  }
0x86: {  	_ =	shalt  }
0x87: {  	_ =	shalt  }
.Lfunc_end0:
.L_simem_size_0:
called_computation_lowered:
.L_overlay_start_0:
0x88: {  	s2 =	sld [smem:$0x3FD9]  }
0x89: {  	s3 =	sld [smem:$0x3FFE];
	_ =	sdelay $0x1  }
0x8a: {  	s1 =	srdreg.scid  }
0x8b: {  	s0 =	sand.u32 $0x1, s1  }
0x8c: {  	s17 =	sshll.u32 s0, $0xA;
	s2 =	sadd.s32 s3, s2  }
0x8d: {  	s2 =	sadd.s32 s2, s17  }
0x8e: {  	[smem:$0x3FB5] =	sst s2  }
0x8f: {  	_ = 	snop  }
0x90: {  	s2 =	sld [smem:$0x3FC9];
	(tm) =	ssettm $0x1  }
0x91: {  	s18 =	sld [smem:$0x3FFB];
	_ =	sdelay $0x3  }
0x92: {  	_ =	strace s18  }
0x93: {  	s3 =	sld [smem:$0x3FFC];
	_ =	sdelay $0x3  }
0x94: {  	_ =	strace s3  }
0x95: {  	s3 =	sld [smem:$0x3FFD];
	_ =	sdelay $0x3  }
0x96: {  	_ =	strace s3  }
0x97: {  	_ =	strace $0x8FFFFFFF  }
0x98: {  	s19 =	sld [smem:$0x3FDB];
	_ =	sdelay $0x1  }
0x99: {  	s4 =	simm.s32 $_scs_section_size  }
0x9a: {  	s5 =	simm.s32 $_size__tile_overlayer_lowered;
	s6 =	simm.s32 $_tile_overlayer_lowered  }
0x9b: {  	s22 =	simm.s32 $0x1BFF;
	s21 =	sshll.u32 s6, $0x1;
	s3 =	sadd.s32 s4, s19  }
0x9c: {  	s7 =	simm.s32 $0x0;
	s20 =	sshll.u32 s5, $0x1;
	s5 =	sadd.s32 s21, s3  }
0x9d: {  	[timem:s7], [sflag:s22] =	dma.local [hbm:s5], s20  }
0x9e: {  	_ =	swait.ge [sflag:s22], s20  }
0x9f: {  	s4 =	ssub.s32 $0x0, s20;
	[sflag:s22] =	ssyncset.done $0x0  }
0xa0: {  	[sflag:s22] =	ssyncadd.s32 s4;
	_ =	sdelay $0x1  }
0xa1: {  	s23 =	simm.s32 $0x1B8B  }
0xa2: {  	_ =	swait.ge [sflag:s23], $0x1  }
0xa3: {  	[sflag:s23] =	ssyncset.done $0x0  }
0xa4: {  	s25 =	simm.s32 $0x1B8E;
	s24 =	sld [smem:$0x3FFE];
	[sflag:s23] =	ssyncadd.s32 $0xFFFFFFFF  }
0xa5: {  	s26 =	simm.s32 $execute0_lowered;
	[smem:$0x3FD2] =	sst s25  }
0xa6: {  	s5 =	sshll.u32 s26, $0x1;
	_ =	strace $0x80000046;
	[dreg:$0x1] =	wrdreg $0xFFFFFFFF  }
0xa7: {  	s28 =	simm.s32 $_size_execute0_lowered;
	s3 =	sadd.s32 s3, s5;
	[dreg:$0x0] =	wrdreg $0x0  }
0xa8: {  	s5 =	sshll.u32 s28, $0x1;
	[dreg:$0x2] =	wrdreg s3  }
0xa9: {  	[dreg:$0x3] =	wrdreg s5  }
0xaa: {  	[dreg:$0x4] =	wrdreg $0xC0  }
0xab: {  	_ =	task [dreg:s7], $0x5FFFF  }
0xac: {  	[dreg:$0x1] =	wrdreg $0xFFFFFFFF  }
0xad: {  	[dreg:$0x0] =	wrdreg $0x60  }
0xae: {  	[dreg:$0x2] =	wrdreg s2  }
0xaf: {  	[dreg:$0x3] =	wrdreg s24  }
0xb0: {  	[dreg:$0x4] =	wrdreg $0xA2000  }
0xb1: {  	[dreg:$0x5] =	wrdreg $0x9  }
0xb2: {  	_ =	task.clear_ibuf [dreg:s7], $0x6FFFF;
	_ =	strace $0x90000046  }
0xb3: {  	s29 =	simm.s32 $0x9;
	_ =	strace $0x80000048  }
0xb4: {  	_ =	swait.ge [sflag:s29], $0x1  }
0xb5: {  	[sflag:s29] =	ssyncadd.s32 $0xFFFFFFFF  }
0xb6: {  	_ =	strace $0x90000048  }
0xb7: {  	_ =	sfence  }
0xb8: {  	s30 =	sld [smem:$0x0];
	_ =	sdelay $0x2  }
0xb9: {  	s31 =	sshll.u32 s1, $0xD;
	s1 =	sshrl.u32 s1, $0x2  }
0xba: {  	s3 =	sand.u32 $0x4000, s31;
	s1 =	sadd.s32 s1, s30  }
0xbb: {  	s0 =	sor.u32 s3, s0;
	s1 =	sshll.u32 s1, $0x11  }
0xbc: {  	s0 =	sor.u32 s1, s0  }
0xbd: {  	s0 =	sadd.s32 $0x8F2B, s0  }
0xbe: {  	[sflag:s0] =	ssyncadd.remote.s32 $0x1  }
0xbf: {  	_ =	sfence.sel $0xFFFF  }
0xc0: {  	[dreg:$0x0] =	wrdreg $0xFFFFFFFF;
	(pc) =	sbr.abs _section_cstart, $3  }
0xc1: {  	[dreg:$0x1] =	wrdreg $0xFFFFFFFF  }
0xc2: {  	_ =	task.clear_ibuf [dreg:s7], $0x2FFFF;
	_ =	strace $0x9FFFFFFF  }
0xc3: {  	(tm) =	ssettm $0x7FFFFFFF  }
tec
execute0_lowered:
.L_overlay_start_1:
0x0: {  	(tag) =	ssettag $0x1  }
0x1: {  	s2 =	rddreg [dreg:$0x0]  }
0x2: {  	s0 =	rddreg [dreg:$0x1]  }
0x3: {  	s3 =	rddreg [dreg:$0x2];
	s12 =	stileid.u32  }
0x4: {  	s1 =	srdreg.scid;
	s4 =	simm.s32 $0x0;
	s28 =	simm.s32 $0x3  }
0x5: {  	s29 =	simm.s32 $0x50;
	s30 =	simm.s32 $0x5200;
	s31 =	simm.s32 $0x4  }
0x6: {  	s13 =	simm.s32 $0x2;
	s14 =	simm.s32 $0x9;
	s15 =	simm.s32 $0xA  }
0x7: {  	s8 =	smul.u32 $0x2780, s12;
	s1 =	sand.u32 $0x1, s1;
	[smem:$0x7FF] =	sst s4  }
0x8: {  	s5 =	sadd.s32 $0xCC00, s0;
	s6 =	sadd.s32 $0x2E00, s0;
	s11 =	smul.u32 $0x4F000, s12  }
0x9: {  	s7 =	sadd.s32 $0x16A00, s0;
	s9 =	smul.u32 $0x27800, s1;
	_ =	strace $0x80000047  }
0xa: {  	s18 =	ssub.s32 $0x2, s1;
	s1 =	sshll.u32 s1, $0x4;
	s10 =	sadd.s32 s8, s0  }
0xb: {  	s19 =	sshrl.u32 s18, $0x1;
	s1 =	sor.u32 s12, s1;
	s11 =	sshrl.u32 s11, $0x2  }
0xc: {  	s12 =	sshll.u32 s12, $0x6;
	s8 =	sadd.s32 s8, s9;
	s9 =	ssub.s32 s18, s19  }
0xd: {  	s11 =	sadd.s32 s11, s3;
	s10 =	sadd.s32 $0x4F8A00, s10;
	s16 =	sor.u32 $0x1C0B, s12  }
0xe: {  	s19 =	simm.s32 $0xB;
	s0 =	sadd.s32 s8, s0;
	s8 =	smul.u32 $0x2710, s1  }
0xf: {  	s12 =	simm.s32 $0x6;
	s1 =	smul.u32 $0x27100, s1;
	[dreg:$0x4] =	wrdreg s10  }
0x10: {  	s26 =	smax.u32 s9, $0x1;
	s18 =	sshrl.u32 s11, $0x3;
	[dreg:$0x5] =	wrdreg s16  }
0x11: {  	s9 =	simm.s32 $0x1;
	s11 =	simm.s32 $0x8;
	[dreg:$0xd] =	wrdreg s26  }
0x12: {  	s0 =	sadd.s32 $0x520200, s0;
	s26 =	simm.s32 $0x80;
	[dreg:$0xe] =	wrdreg s18  }
0x13: {  	s20 =	sshrl.u32 s8, $0x3;
	s1 =	sadd.s32 s7, s1;
	[dreg:$0xc] =	wrdreg s0  }
0x14: {  	s22 =	sadd.s32 $0x50, s8;
	s21 =	sadd.s32 s6, s20;
	[dreg:$0x7] =	wrdreg s1  }
0x15: {  	s10 =	sadd.s32 s5, s20;
	s23 =	sshrl.u32 s22, $0x3;
	[dreg:$0x6] =	wrdreg s21  }
0x16: {  	s1 =	sshll.u32 s22, $0x4;
	[dreg:$0x8] =	wrdreg s10;
	s24 =	sadd.s32 s6, s23  }
0x17: {  	s17 =	sadd.s32 $0xA0, s8;
	s1 =	sadd.s32 s7, s1;
	[dreg:$0x9] =	wrdreg s24  }
0x18: {  	s0 =	simm.s32 $0x7A00;
	s25 =	sadd.s32 s5, s23;
	[dreg:$0xa] =	wrdreg s1  }
0x19: {  	s22 =	simm.s32 $0x100;
	s20 =	simm.s32 $0x0;
	[dreg:$0xb] =	wrdreg s25  }
0x1a: {  	s24 =	simm.s32 $0x180;
	s1 =	simm.s32 $0x7;
	s25 =	simm.s32 $0x5  }
.LBB2_1:
0x1b: {  	[dreg:$0xf] =	wrdreg s20  }
0x1c: {  	s10 =	rddreg [dreg:$0x4]  }
0x1d: {  	[spmem:s18], [sflag:s16] =	dma.local [hbm:s10], $0x2780  }
0x1e: {  	_ =	swait.ge [sflag:s19], $0x2780  }
0x1f: {  	[sflag:s19] =	ssyncset.done $0x0  }
0x20: {  	[sflag:s19] =	ssyncadd.s32 $0xFFFFD880  }
0x21: {  	[bflag:$0x0] =	sbarrier.arrive $0xFFFF  }
0x22: {  	s20 =	rddreg [dreg:$0x6]  }
0x23: {  	[tilespmem:s22], [sflag:$0x3] =	stream.linear.gather [hbm4b:s20+s4], $0x50, $0x38;
	[tilespmem:$0x1DE00] =	vst v63  }
0x24: {  	s23 =	simm.s32 $0x200;
	s21 =	rddreg [dreg:$0x7]  }
0x25: {  	[tilespmem:s23], [sflag:$0x5] =	stream.linear.gather [hbm4b:s21+s4], $0x2800, $0x38;
	[tilespmem:$0x1DE00] =	vst v63  }
0x26: {  	s18 =	rddreg [dreg:$0x8]  }
0x27: {  	[tilespmem:s4], [sflag:$0x1] =	stream.linear.gather [hbm4b:s18+s4], $0x50, $0x38;
	[tilespmem:$0x1DE00] =	vst v63  }
0x28: {  	s19 =	rddreg [dreg:$0x9]  }
0x29: {  	[tilespmem:s24], [sflag:$0x4] =	stream.linear.gather [hbm4b:s19+s4], $0x50, $0x38;
	[tilespmem:$0x1DE00] =	vst v63  }
0x2a: {  	s20 =	rddreg [dreg:$0xa];
	s21 =	simm.s32 $0x2A00  }
0x2b: {  	[tilespmem:s21], [sflag:$0x6] =	stream.linear.gather [hbm4b:s20+s4], $0x2800, $0x38;
	[tilespmem:$0x1DE00] =	vst v63  }
0x2c: {  	s23 =	rddreg [dreg:$0xb];
	s18 =	simm.s32 $0x0  }
0x2d: {  	[tilespmem:s26], [sflag:$0x2] =	stream.linear.gather [hbm4b:s23+s4], $0x50, $0x38;
	[tilespmem:$0x1DE00] =	vst v63  }
.LBB2_2:
0x2e: {  	_ =	swait.ge [sflag:s28], $0x50  }
0x2f: {  	[sflag:s28] =	ssyncset.done $0x0  }
0x30: {  	[sflag:s28] =	ssyncadd.s32 $0xFFFFFFB0  }
0x31: {  	[tilespmem:s30], [sflag:$0x7] =	stream.indirect.gather [hbm4b:s2+s29], $0x80, s22, s29, $0xb8;
	[tilespmem:$0x1DE00] =	vst v63  }
0x32: {  	_ =	swait.ge [sflag:s31], $0x50  }
0x33: {  	[sflag:s31] =	ssyncset.done $0x0  }
0x34: {  	[sflag:s31] =	ssyncadd.s32 $0xFFFFFFB0  }
0x35: {  	[tilespmem:s0], [sflag:$0x8] =	stream.indirect.gather [hbm4b:s2+s29], $0x80, s24, s29, $0xb8;
	[tilespmem:$0x1DE00] =	vst v63  }
0x36: {  	_ =	swait.ge [sflag:s1], $0x2800  }
0x37: {  	[sflag:s1] =	ssyncset.done $0x0  }
0x38: {  	[sflag:s1] =	ssyncadd.s32 $0xFFFFD800  }
0x39: {  	_ =	swait.ge [sflag:s25], $0x2800  }
0x3a: {  	[sflag:s25] =	ssyncset.done $0x0  }
0x3b: {  	s19 =	simm.s32 $0x0;
	[sflag:s25] =	ssyncadd.s32 $0xFFFFD800  }
0x3c: {  	v7 =	vld [tilespmem:s19+$0x200]  }
0x3d: {  	v11 =	vld [tilespmem:s19+$0x210]  }
0x3e: {  	v5 =	vld [tilespmem:s19+$0x220]  }
0x3f: {  	v4 =	vld [tilespmem:s19+$0x230]  }
0x40: {  	v3 =	vld [tilespmem:s19+$0x240]  }
0x41: {  	v2 =	vld [tilespmem:s19+$0x250]  }
0x42: {  	v1 =	vld [tilespmem:s19+$0x260]  }
0x43: {  	v0 =	vld [tilespmem:s19+$0x270]  }
0x44: {  	v12 =	vld [tilespmem:s19+$0x5200]  }
0x45: {  	v13 =	vld [tilespmem:s19+$0x5210]  }
0x46: {  	v10 =	vld [tilespmem:s19+$0x5220]  }
0x47: {  	v9 =	vld [tilespmem:s19+$0x5230]  }
0x48: {  	v8 =	vld [tilespmem:s19+$0x5240]  }
0x49: {  	v6 =	vld [tilespmem:s19+$0x5250];
	v12 =	vadd.f32 v7, v12  }
0x4a: {  	s10 =	simm.s32 $0x200;
	v11 =	vadd.f32 v11, v13;
	v7 =	vld [tilespmem:s19+$0x5260]  }
.LBB2_3:
0x4b: {  	s20 =	sshra.s32 s10, $0x2;
	p0 =	sne.s32 s10, $0x9E00;
	[tilespmem:s19+$0x5200] =	vst v12;
	v5 =	vadd.f32 v5, v10;
	v10 =	vld [tilespmem:s19+$0x5270]  }
0x4c: {  	v12 =	vld [tilespmem:s20+$0x200];
	[tilespmem:s19+$0x5210] =	vst v11;
	v4 =	vadd.f32 v4, v9  }
0x4d: {  	v11 =	vld [tilespmem:s20+$0x210];
	[tilespmem:s19+$0x5220] =	vst v5;
	v3 =	vadd.f32 v3, v8  }
0x4e: {  	v5 =	vld [tilespmem:s20+$0x220];
	[tilespmem:s19+$0x5230] =	vst v4;
	v2 =	vadd.f32 v2, v6  }
0x4f: {  	v4 =	vld [tilespmem:s20+$0x230];
	[tilespmem:s19+$0x5240] =	vst v3;
	v1 =	vadd.f32 v1, v7  }
0x50: {  	v3 =	vld [tilespmem:s20+$0x240];
	[tilespmem:s19+$0x5250] =	vst v2;
	v0 =	vadd.f32 v0, v10  }
0x51: {  	v2 =	vld [tilespmem:s20+$0x250];
	[tilespmem:s19+$0x5260] =	vst v1  }
0x52: {  	v1 =	vld [tilespmem:s20+$0x260];
	[tilespmem:s19+$0x5270] =	vst v0;
	s19 =	smov.u32 s20  }
0x53: {  	v0 =	vld [tilespmem:s19+$0x270]  }
0x54: {  	v6 =	vld [tilespmem:s19+$0x5200]  }
0x55: {  	v7 =	vld [tilespmem:s19+$0x5210]  }
.Ltmp0:
0x56: {  	v10 =	vld [tilespmem:s19+$0x5220];
	(pc) =	sbr.rel @p0 .LBB2_3-.Ltmp0, $4  }
0x57: {  	v9 =	vld [tilespmem:s19+$0x5230]  }
0x58: {  	v8 =	vld [tilespmem:s19+$0x5240]  }
0x59: {  	v12 =	vadd.f32 v12, v6;
	v6 =	vld [tilespmem:s19+$0x5250]  }
0x5a: {  	s10 =	sadd.s32 $0x200, s10;
	v11 =	vadd.f32 v11, v7;
	v7 =	vld [tilespmem:s19+$0x5260]  }
0x5b: {  	[tilespmem:s19+$0x5200] =	vst v12;
	v5 =	vadd.f32 v5, v10;
	v10 =	vld [tilespmem:s19+$0x5270]  }
0x5c: {  	[tilespmem:s19+$0x5210] =	vst v11;
	v4 =	vadd.f32 v4, v9  }
0x5d: {  	[tilespmem:s19+$0x5220] =	vst v5;
	v3 =	vadd.f32 v3, v8  }
0x5e: {  	[tilespmem:s19+$0x5230] =	vst v4;
	v2 =	vadd.f32 v2, v6  }
0x5f: {  	[tilespmem:s19+$0x5240] =	vst v3;
	v1 =	vadd.f32 v1, v7  }
0x60: {  	[tilespmem:s19+$0x5250] =	vst v2;
	v0 =	vadd.f32 v0, v10  }
0x61: {  	[tilespmem:s19+$0x5260] =	vst v1  }
0x62: {  	s23 =	smul.u32 $0xA0, s18;
	[tilespmem:s19+$0x5270] =	vst v0  }
0x63: {  	_ =	swait.ge [sflag:s9], $0x50  }
0x64: {  	s20 =	sadd.s32 s23, s17;
	[sflag:s9] =	ssyncset.done $0x0  }
0x65: {  	s10 =	simm.s32 $0x0;
	s19 =	sshrl.u32 s20, $0x3;
	[sflag:s9] =	ssyncadd.s32 $0xFFFFFFB0  }
0x66: {  	[spmem:s3] =	stream.indirect.scatter.add.f32 [tilespmem:s30], [sflag:$0x9], $0x80, s10, s29, $0xb8;
	[tilespmem:$0x1DE00] =	vst v63  }
0x67: {  	s20 =	sshll.u32 s20, $0x4;
	s21 =	sadd.s32 s6, s19  }
0x68: {  	[tilespmem:s22], [sflag:$0x3] =	stream.linear.gather [hbm4b:s21+s10], $0x50, $0x38;
	[tilespmem:$0x1DE00] =	vst v63  }
0x69: {  	s16 =	simm.s32 $0x200;
	s20 =	sadd.s32 s7, s20  }
0x6a: {  	[tilespmem:s16], [sflag:$0x5] =	stream.linear.gather [hbm4b:s20+s10], $0x2800, $0x38;
	[tilespmem:$0x1DE00] =	vst v63  }
0x6b: {  	_ =	swait.ge [sflag:s11], $0x2800  }
0x6c: {  	[sflag:s11] =	ssyncset.done $0x0  }
0x6d: {  	[sflag:s11] =	ssyncadd.s32 $0xFFFFD800  }
0x6e: {  	_ =	swait.ge [sflag:s12], $0x2800  }
0x6f: {  	[sflag:s12] =	ssyncset.done $0x0  }
0x70: {  	s10 =	simm.s32 $0x0;
	[sflag:s12] =	ssyncadd.s32 $0xFFFFD800  }
0x71: {  	v7 =	vld [tilespmem:s10+$0x2A00]  }
0x72: {  	v11 =	vld [tilespmem:s10+$0x2A10]  }
0x73: {  	v5 =	vld [tilespmem:s10+$0x2A20]  }
0x74: {  	v4 =	vld [tilespmem:s10+$0x2A30]  }
0x75: {  	v3 =	vld [tilespmem:s10+$0x2A40]  }
0x76: {  	v2 =	vld [tilespmem:s10+$0x2A50]  }
0x77: {  	v1 =	vld [tilespmem:s10+$0x2A60]  }
0x78: {  	v0 =	vld [tilespmem:s10+$0x2A70]  }
0x79: {  	v12 =	vld [tilespmem:s10+$0x7A00]  }
0x7a: {  	v13 =	vld [tilespmem:s10+$0x7A10]  }
0x7b: {  	v10 =	vld [tilespmem:s10+$0x7A20]  }
0x7c: {  	v9 =	vld [tilespmem:s10+$0x7A30]  }
0x7d: {  	v8 =	vld [tilespmem:s10+$0x7A40]  }
0x7e: {  	v6 =	vld [tilespmem:s10+$0x7A50];
	v12 =	vadd.f32 v7, v12  }
0x7f: {  	s20 =	simm.s32 $0x200;
	v11 =	vadd.f32 v11, v13;
	v7 =	vld [tilespmem:s10+$0x7A60]  }
.LBB2_5:
0x80: {  	s21 =	sshra.s32 s20, $0x2;
	p0 =	sne.s32 s20, $0x9E00;
	[tilespmem:s10+$0x7A00] =	vst v12;
	v5 =	vadd.f32 v5, v10;
	v10 =	vld [tilespmem:s10+$0x7A70]  }
0x81: {  	v12 =	vld [tilespmem:s21+$0x2A00];
	[tilespmem:s10+$0x7A10] =	vst v11;
	v4 =	vadd.f32 v4, v9  }
0x82: {  	v11 =	vld [tilespmem:s21+$0x2A10];
	[tilespmem:s10+$0x7A20] =	vst v5;
	v3 =	vadd.f32 v3, v8  }
0x83: {  	v5 =	vld [tilespmem:s21+$0x2A20];
	[tilespmem:s10+$0x7A30] =	vst v4;
	v2 =	vadd.f32 v2, v6  }
0x84: {  	v4 =	vld [tilespmem:s21+$0x2A30];
	[tilespmem:s10+$0x7A40] =	vst v3;
	v1 =	vadd.f32 v1, v7  }
0x85: {  	v3 =	vld [tilespmem:s21+$0x2A40];
	[tilespmem:s10+$0x7A50] =	vst v2;
	v0 =	vadd.f32 v0, v10  }
0x86: {  	v2 =	vld [tilespmem:s21+$0x2A50];
	[tilespmem:s10+$0x7A60] =	vst v1  }
0x87: {  	v1 =	vld [tilespmem:s21+$0x2A60];
	[tilespmem:s10+$0x7A70] =	vst v0;
	s10 =	smov.u32 s21  }
0x88: {  	v0 =	vld [tilespmem:s10+$0x2A70]  }
0x89: {  	v6 =	vld [tilespmem:s10+$0x7A00]  }
0x8a: {  	v7 =	vld [tilespmem:s10+$0x7A10]  }
.Ltmp1:
0x8b: {  	v10 =	vld [tilespmem:s10+$0x7A20];
	(pc) =	sbr.rel @p0 .LBB2_5-.Ltmp1, $4  }
0x8c: {  	v9 =	vld [tilespmem:s10+$0x7A30]  }
0x8d: {  	v8 =	vld [tilespmem:s10+$0x7A40]  }
0x8e: {  	v12 =	vadd.f32 v12, v6;
	v6 =	vld [tilespmem:s10+$0x7A50]  }
0x8f: {  	s20 =	sadd.s32 $0x200, s20;
	v11 =	vadd.f32 v11, v7;
	v7 =	vld [tilespmem:s10+$0x7A60]  }
0x90: {  	[tilespmem:s10+$0x7A00] =	vst v12;
	v5 =	vadd.f32 v5, v10;
	v63 =	vld [tilespmem:s10+$0x7A70]  }
0x91: {  	[tilespmem:s10+$0x7A10] =	vst v11;
	v4 =	vadd.f32 v4, v9  }
0x92: {  	[tilespmem:s10+$0x7A20] =	vst v5;
	v3 =	vadd.f32 v3, v8  }
0x93: {  	[tilespmem:s10+$0x7A30] =	vst v4;
	v2 =	vadd.f32 v2, v6  }
0x94: {  	[tilespmem:s10+$0x7A40] =	vst v3;
	v1 =	vadd.f32 v1, v7  }
0x95: {  	[tilespmem:s10+$0x7A50] =	vst v2;
	v0 =	vadd.f32 v0, v63  }
0x96: {  	s21 =	sshll.u32 s18, $0x1;
	[tilespmem:s10+$0x7A60] =	vst v1  }
0x97: {  	p0 =	seq.s32 s18, $0x3D;
	[tilespmem:s10+$0x7A70] =	vst v0;
	s10 =	sadd.s32 $0x3, s21  }
0x98: {  	_ =	swait.ge [sflag:s13], $0x50;
	s20 =	smul.u32 @!p0 $0x50, s10  }
0x99: {  	[sflag:s13] =	ssyncset.done $0x0  }
0x9a: {  	[sflag:s13] =	ssyncadd.s32 $0xFFFFFFB0;
	s20 =	sadd.s32 @!p0 s8, s20  }
0x9b: {  	[spmem:s3] =	stream.indirect.scatter.add.f32 [tilespmem:s0], [sflag:$0xA], $0x80, s26, s29, $0xb8;
	[tilespmem:$0x1DE00] =	vst v63  }
0x9c: {  	s16 =	simm.s32 @!p0 $0x0;
	s21 =	sshrl.u32 @!p0 s20, $0x3  }
0x9d: {  	s23 =	simm.s32 @!p0 $0x180;
	s20 =	sshll.u32 @!p0 s20, $0x4;
	s21 =	sadd.s32 @!p0 s6, s21  }
0x9e: {  	[tilespmem:s23], [sflag:$0x4] =	stream.linear.gather @!p0 [hbm4b:s21+s16], $0x50, $0x38;
	[tilespmem:$0x1DE00] =	vst v63  }
0x9f: {  	s20 =	sadd.s32 @!p0 s7, s20;
	s21 =	simm.s32 @!p0 $0x2A00  }
0xa0: {  	[tilespmem:s21], [sflag:$0x6] =	stream.linear.gather @!p0 [hbm4b:s20+s16], $0x2800, $0x38;
	[tilespmem:$0x1DE00] =	vst v63  }
0xa1: {  	_ =	swait.ge [sflag:s14], $0x2800  }
0xa2: {  	[sflag:s14] =	ssyncset.done $0x0  }
.Ltmp2:
0xa3: {  	s23 =	sadd.s32 s5, s19;
	[sflag:s14] =	ssyncadd.s32 $0xFFFFD800;
	(pc) =	sbr.rel @p0 .LBB2_8-.Ltmp2, $4  }
0xa4: {  	[tilespmem:s4], [sflag:$0x1] =	stream.linear.gather [hbm4b:s23+s4], $0x50, $0x38;
	[tilespmem:$0x1DE00] =	vst v63  }
0xa5: {  	_ =	swait.ge [sflag:s15], $0x2800  }
0xa6: {  	[sflag:s15] =	ssyncset.done $0x0  }
0xa7: {  	[sflag:s15] =	ssyncadd.s32 $0xFFFFD800  }
0xa8: {  	s10 =	smul.u32 $0x50, s10  }
.Ltmp3:
0xa9: {  	_ = 	snop;
	(pc) =	sbr.rel .LBB2_2-.Ltmp3, $4  }
0xaa: {  	s10 =	sadd.s32 s8, s10  }
0xab: {  	s10 =	sshrl.u32 s10, $0x3  }
0xac: {  	s18 =	sadd.s32 $0x1, s18;
	s10 =	sadd.s32 s5, s10  }
0xad: {  	[tilespmem:s26], [sflag:$0x2] =	stream.linear.gather [hbm4b:s10+s4], $0x50, $0x38;
	[tilespmem:$0x1DE00] =	vst v63  }
.LBB2_8:
0xae: {  	_ =	swait.ge [sflag:s28], $0x50  }
0xaf: {  	[sflag:s28] =	ssyncset.done $0x0  }
0xb0: {  	[sflag:s28] =	ssyncadd.s32 $0xFFFFFFB0  }
0xb1: {  	[tilespmem:s30], [sflag:$0x7] =	stream.indirect.gather [hbm4b:s2+s29], $0x80, s22, s29, $0xb8;
	[tilespmem:$0x1DE00] =	vst v63  }
0xb2: {  	_ =	swait.ge [sflag:s1], $0x2800  }
0xb3: {  	[sflag:s1] =	ssyncset.done $0x0  }
0xb4: {  	[sflag:s1] =	ssyncadd.s32 $0xFFFFD800  }
0xb5: {  	_ =	swait.ge [sflag:s25], $0x2800  }
0xb6: {  	[sflag:s25] =	ssyncset.done $0x0  }
0xb7: {  	s10 =	simm.s32 $0x0;
	[sflag:s25] =	ssyncadd.s32 $0xFFFFD800  }
0xb8: {  	v7 =	vld [tilespmem:s10+$0x200]  }
0xb9: {  	v11 =	vld [tilespmem:s10+$0x210]  }
0xba: {  	v5 =	vld [tilespmem:s10+$0x220]  }
0xbb: {  	v4 =	vld [tilespmem:s10+$0x230]  }
0xbc: {  	v3 =	vld [tilespmem:s10+$0x240]  }
0xbd: {  	v2 =	vld [tilespmem:s10+$0x250]  }
0xbe: {  	v1 =	vld [tilespmem:s10+$0x260]  }
0xbf: {  	v0 =	vld [tilespmem:s10+$0x270]  }
0xc0: {  	v12 =	vld [tilespmem:s10+$0x5200]  }
0xc1: {  	v13 =	vld [tilespmem:s10+$0x5210]  }
0xc2: {  	v10 =	vld [tilespmem:s10+$0x5220]  }
0xc3: {  	v9 =	vld [tilespmem:s10+$0x5230]  }
0xc4: {  	v8 =	vld [tilespmem:s10+$0x5240]  }
0xc5: {  	v6 =	vld [tilespmem:s10+$0x5250];
	v12 =	vadd.f32 v7, v12  }
0xc6: {  	s18 =	simm.s32 $0x200;
	s20 =	rddreg [dreg:$0xf];
	v11 =	vadd.f32 v11, v13;
	v7 =	vld [tilespmem:s10+$0x5260]  }
.LBB2_9:
0xc7: {  	s16 =	sshra.s32 s18, $0x2;
	p0 =	sne.s32 s18, $0x9E00;
	[tilespmem:s10+$0x5200] =	vst v12;
	v5 =	vadd.f32 v5, v10;
	v10 =	vld [tilespmem:s10+$0x5270]  }
0xc8: {  	v12 =	vld [tilespmem:s16+$0x200];
	[tilespmem:s10+$0x5210] =	vst v11;
	v4 =	vadd.f32 v4, v9  }
0xc9: {  	v11 =	vld [tilespmem:s16+$0x210];
	[tilespmem:s10+$0x5220] =	vst v5;
	v3 =	vadd.f32 v3, v8  }
0xca: {  	v5 =	vld [tilespmem:s16+$0x220];
	[tilespmem:s10+$0x5230] =	vst v4;
	v2 =	vadd.f32 v2, v6  }
0xcb: {  	v4 =	vld [tilespmem:s16+$0x230];
	[tilespmem:s10+$0x5240] =	vst v3;
	v1 =	vadd.f32 v1, v7  }
0xcc: {  	v3 =	vld [tilespmem:s16+$0x240];
	[tilespmem:s10+$0x5250] =	vst v2;
	v0 =	vadd.f32 v0, v10  }
0xcd: {  	v2 =	vld [tilespmem:s16+$0x250];
	[tilespmem:s10+$0x5260] =	vst v1  }
0xce: {  	v1 =	vld [tilespmem:s16+$0x260];
	[tilespmem:s10+$0x5270] =	vst v0;
	s10 =	smov.u32 s16  }
0xcf: {  	v0 =	vld [tilespmem:s10+$0x270]  }
0xd0: {  	v6 =	vld [tilespmem:s10+$0x5200]  }
0xd1: {  	v7 =	vld [tilespmem:s10+$0x5210]  }
.Ltmp4:
0xd2: {  	v10 =	vld [tilespmem:s10+$0x5220];
	(pc) =	sbr.rel @p0 .LBB2_9-.Ltmp4, $4  }
0xd3: {  	v9 =	vld [tilespmem:s10+$0x5230]  }
0xd4: {  	v8 =	vld [tilespmem:s10+$0x5240]  }
0xd5: {  	v12 =	vadd.f32 v12, v6;
	v6 =	vld [tilespmem:s10+$0x5250]  }
0xd6: {  	s18 =	sadd.s32 $0x200, s18;
	v11 =	vadd.f32 v11, v7;
	v7 =	vld [tilespmem:s10+$0x5260]  }
0xd7: {  	[tilespmem:s10+$0x5200] =	vst v12;
	v5 =	vadd.f32 v5, v10;
	v63 =	vld [tilespmem:s10+$0x5270]  }
0xd8: {  	[tilespmem:s10+$0x5210] =	vst v11;
	v4 =	vadd.f32 v4, v9  }
0xd9: {  	[tilespmem:s10+$0x5220] =	vst v5;
	v3 =	vadd.f32 v3, v8  }
0xda: {  	[tilespmem:s10+$0x5230] =	vst v4;
	v2 =	vadd.f32 v2, v6  }
0xdb: {  	[tilespmem:s10+$0x5240] =	vst v3;
	v1 =	vadd.f32 v1, v7  }
0xdc: {  	[tilespmem:s10+$0x5250] =	vst v2;
	v0 =	vadd.f32 v0, v63  }
0xdd: {  	[tilespmem:s10+$0x5260] =	vst v1  }
0xde: {  	[tilespmem:s10+$0x5270] =	vst v0  }
0xdf: {  	_ =	swait.ge [sflag:s9], $0x50  }
0xe0: {  	[sflag:s9] =	ssyncset.done $0x0  }
0xe1: {  	[sflag:s9] =	ssyncadd.s32 $0xFFFFFFB0  }
0xe2: {  	[spmem:s3] =	stream.indirect.scatter.add.f32 [tilespmem:s30], [sflag:$0x9], $0x80, s4, s29, $0xb8;
	[tilespmem:$0x1DE00] =	vst v63  }
0xe3: {  	_ =	swait.ge [sflag:s14], $0x2800  }
0xe4: {  	[sflag:s14] =	ssyncset.done $0x0  }
0xe5: {  	[sflag:s14] =	ssyncadd.s32 $0xFFFFD800  }
0xe6: {  	[bflag:$0x0] =	sbarrier.arrive $0xFFFF  }
0xe7: {  	s16 =	rddreg [dreg:$0x5]  }
0xe8: {  	s21 =	rddreg [dreg:$0xc]  }
0xe9: {  	s19 =	simm.s32 $0xB;
	s18 =	rddreg [dreg:$0xe]  }
0xea: {  	[hbm:s21], [sflag:s16] =	dma.local [spmem:s18], $0x2780  }
0xeb: {  	_ =	swait.ge [sflag:s19], $0x2780  }
0xec: {  	s20 =	sadd.s32 $0x1, s20;
	s23 =	rddreg [dreg:$0xd]  }
0xed: {  	p0 =	sne.s32 s20, s23  }
.Ltmp5:
0xee: {  	_ = 	snop;
	(pc) =	sbr.rel @p0 .LBB2_1-.Ltmp5, $3  }
0xef: {  	_ =	sdelay $0x1  }
0xf0: {  	[sflag:s19] =	ssyncset.done $0x0  }
0xf1: {  	[sflag:s19] =	ssyncadd.s32 $0xFFFFD880  }
0xf2: {  	_ =	sfence.sel $0x180000  }
0xf3: {  	[bflag:$0x0] =	sbarrier.arrive $0xFFFF  }
0xf4: {  	_ =	strace $0x90000047  }
0xf5: {  	s0 =	stileid.u32;
	[bflag:$0x2] =	sbarrier.arrive $0xFFFF  }
0xf6: {  	p0 =	sne.s32 s0, $0x0;
	s0 =	rddreg [dreg:$0x3]  }
0xf7: {  	s0 =	sadd.s32 @!p0 $0x100000, s0  }
0xf8: {  	[sflag:s0] =	ssyncadd.tile.s32 @!p0 $0x1;
	_ =	shalt  }
.Lfunc_end2:
_tile_overlayer_lowered:
.L_overlay_start_2:
0xf9: {  	(tag) =	ssettag $0x2  }
0xfa: {  	s0 =	rddreg [dreg:$0x0];
	s2 =	stileid.u32  }
0xfb: {  	s1 =	rddreg [dreg:$0x1];
	p0 =	sne.s32 s2, $0x0  }
0xfc: {  	s3 =	rddreg [dreg:$0x2];
	[bflag:$0x3] =	sbarrier.arrive $0xFFFF;
	s2 =	simm.s32 @!p0 $0x1C0B  }
0xfd: {  	[timem:s3], [sflag:s2] =	dma.local @!p0 [hbm:s0], s1  }
0xfe: {  	s0 =	simm.s32 @!p0 $0xB  }
0xff: {  	_ =	swait.ge @!p0 [sflag:s0], s1  }
0x100: {  	s1 =	ssub.s32 @!p0 $0x0, s1;
	[sflag:s0] =	ssyncset.done @!p0 $0x0  }
0x101: {  	[sflag:s0] =	ssyncadd.s32 @!p0 s1  }
0x102: {  	[bflag:$0x3] =	sbarrier.arrive $0xFFFF  }
0x103: {  	_ =	shalt  }

</sc_bundles>
